<compile_context>
chip_gen: v7x
topology: tpu7x:2x2x1
jax: 0.10.2.dev20260603
libtpu: 0.0.44.dev20260713+nightly
codegen_flags: <defaults>
</compile_context>

<pallas_src>
import functools

import jax
import jax.numpy as jnp
from jax import lax
from jax.experimental import pallas as pl
from jax.experimental.pallas import tpu as pltpu
from jax.experimental.pallas import tpu_sc as plsc

N_TILES = 32
SUBCORES = 16
CHUNK = 40
LANES = 16


def _sc_agg_body(idx3_hbm, nodes_hbm, eemb_hbm, z_rows_hbm,
                 z_cnt_hbm, ones_hbm, sum_out, cnt_out,
                 idx_a, idx_b, buf_a, buf_b, buf_c, buf_d,
                 ones_v, acc_sum, acc_cnt, sem_a, sem_b, sem_c, sem_d):
    n_chunks_total = idx3_hbm.shape[0]
    n_pad, d = acc_sum.shape
    rows_per_tile = n_pad // SUBCORES
    cid = lax.axis_index("c")
    sid = lax.axis_index("s")
    tile = cid * SUBCORES + sid

    pltpu.sync_copy(ones_hbm, ones_v)
    for s in range(SUBCORES):
        @pl.when(sid == s)
        def _():
            pltpu.sync_copy(z_rows_hbm, acc_sum.at[pl.ds(s * rows_per_tile,
                                                         rows_per_tile)])
            pltpu.sync_copy(z_cnt_hbm, acc_cnt.at[pl.ds(s * rows_per_tile,
                                                        rows_per_tile)])
    plsc.subcore_barrier()

    chunks_per_tile = n_chunks_total // N_TILES
    n_iter = chunks_per_tile // 2
    c0 = tile * chunks_per_tile

    def _load_idx(chunk, idx):
        pltpu.sync_copy(idx3_hbm.at[chunk], idx)

    _load_idx(c0, idx_a)
    pltpu.async_copy(nodes_hbm.at[idx_a.at[0]], buf_a, sem_a)
    pltpu.async_copy(eemb_hbm.at[idx_a.at[1]], buf_b, sem_b)

    def body(i, carry):
        even = c0 + 2 * i
        _load_idx(even + 1, idx_b)
        gc = pltpu.async_copy(nodes_hbm.at[idx_b.at[0]], buf_c, sem_c)
        gd = pltpu.async_copy(eemb_hbm.at[idx_b.at[1]], buf_d, sem_d)
        pltpu.make_async_copy(nodes_hbm.at[idx_a.at[0]], buf_a, sem_a).wait()
        pltpu.sync_copy(buf_a, acc_sum.at[idx_a.at[2]], add=True)
        pltpu.make_async_copy(eemb_hbm.at[idx_a.at[1]], buf_b, sem_b).wait()
        pltpu.sync_copy(buf_b, acc_sum.at[idx_a.at[2]], add=True)
        pltpu.sync_copy(ones_v, acc_cnt.at[idx_a.at[2]], add=True)
        @pl.when(i + 1 < n_iter)
        def _():
            _load_idx(even + 2, idx_a)
            pltpu.async_copy(nodes_hbm.at[idx_a.at[0]], buf_a, sem_a)
            pltpu.async_copy(eemb_hbm.at[idx_a.at[1]], buf_b, sem_b)
        gc.wait()
        pltpu.sync_copy(buf_c, acc_sum.at[idx_b.at[2]], add=True)
        gd.wait()
        pltpu.sync_copy(buf_d, acc_sum.at[idx_b.at[2]], add=True)
        pltpu.sync_copy(ones_v, acc_cnt.at[idx_b.at[2]], add=True)
        return carry
    lax.fori_loop(0, n_iter, body, 0)

    plsc.subcore_barrier()
    for s in range(SUBCORES):
        @pl.when(sid == s)
        def _():
            r0 = s * rows_per_tile
            out_r0 = cid * n_pad + r0
            pltpu.sync_copy(acc_sum.at[pl.ds(r0, rows_per_tile)],
                            sum_out.at[pl.ds(out_r0, rows_per_tile)])
            pltpu.sync_copy(acc_cnt.at[pl.ds(r0, rows_per_tile)],
                            cnt_out.at[pl.ds(out_r0, rows_per_tile)])


def _sc_aggregate(idx3, nodes_embed, edges_embed, n_pad):
    d = nodes_embed.shape[1]
    rows_per_tile = n_pad // SUBCORES
    z_rows = jnp.zeros((rows_per_tile, d), jnp.float32)
    z_cnt = jnp.zeros((rows_per_tile, LANES), jnp.float32)
    ones = jnp.ones((CHUNK, LANES), jnp.float32)
    mesh = plsc.VectorSubcoreMesh(core_axis_name="c", subcore_axis_name="s")
    agg = pl.kernel(
        _sc_agg_body,
        out_type=(
            jax.ShapeDtypeStruct((2 * n_pad, d), jnp.float32),
            jax.ShapeDtypeStruct((2 * n_pad, LANES), jnp.float32),
        ),
        mesh=mesh,
        compiler_params=pltpu.CompilerParams(use_tc_tiling_on_sc=False),
        scratch_types=[
            pltpu.VMEM((3, CHUNK), jnp.int32),
            pltpu.VMEM((3, CHUNK), jnp.int32),
            pltpu.VMEM((CHUNK, d), jnp.float32),
            pltpu.VMEM((CHUNK, d), jnp.float32),
            pltpu.VMEM((CHUNK, d), jnp.float32),
            pltpu.VMEM((CHUNK, d), jnp.float32),
            pltpu.VMEM((CHUNK, LANES), jnp.float32),
            pltpu.VMEM_SHARED((n_pad, d), jnp.float32),
            pltpu.VMEM_SHARED((n_pad, LANES), jnp.float32),
            pltpu.SemaphoreType.DMA,
            pltpu.SemaphoreType.DMA,
            pltpu.SemaphoreType.DMA,
            pltpu.SemaphoreType.DMA,
        ],
    )
    return agg(idx3, nodes_embed, edges_embed, z_rows, z_cnt, ones)


def _dense_body(nodes_ref, s0_ref, s1_ref, c0_ref, c1_ref, ws_ref, wa_ref,
                out_ref):
    x = nodes_ref[...]
    s = s0_ref[...] + s1_ref[...]
    c = c0_ref[...][:, 0:1] + c1_ref[...][:, 0:1]
    mean = s / jnp.maximum(c, 1.0)
    dims = (((1,), (1,)), ((), ()))
    h = lax.dot_general(x, ws_ref[...], dims,
                        preferred_element_type=jnp.float32)
    h = h + lax.dot_general(mean, wa_ref[...], dims,
                            preferred_element_type=jnp.float32)
    out_ref[...] = jnp.tanh(h)


def _dense(nodes_embed, s0, s1, c0, c1, W_self, W_agg):
    n, d = nodes_embed.shape
    blk = 1000
    grid = (n // blk,)
    row_spec = pl.BlockSpec((blk, d), lambda i: (i, 0))
    cnt_spec = pl.BlockSpec((blk, LANES), lambda i: (i, 0))
    w_spec = pl.BlockSpec((d, d), lambda i: (0, 0))
    return pl.pallas_call(
        _dense_body,
        grid=grid,
        in_specs=[row_spec, row_spec, row_spec, cnt_spec, cnt_spec, w_spec,
                  w_spec],
        out_specs=row_spec,
        out_shape=jax.ShapeDtypeStruct((n, d), jnp.float32),
    )(nodes_embed, s0, s1, c0, c1, W_self, W_agg)


def kernel(nodes_embed, edges_embed, edges, W_self, W_agg):
    n_nodes, d = nodes_embed.shape
    n_edges = edges.shape[0]
    per_tile = SUBCORES * 8
    n_pad = ((n_nodes + per_tile - 1) // per_tile) * per_tile
    unit = 2 * CHUNK * N_TILES
    n_edges_pad = ((n_edges + unit - 1) // unit) * unit
    pad_row = jnp.array([[0, 0, n_pad - 1]], jnp.int32)
    edges_p = jnp.concatenate(
        [edges, jnp.broadcast_to(pad_row, (n_edges_pad - n_edges, 3))], 0)
    idx3 = edges_p.reshape(-1, CHUNK, 3).transpose(0, 2, 1)
    sums, cnts = _sc_aggregate(idx3, nodes_embed, edges_embed, n_pad)
    out = _dense(nodes_embed, sums[:n_nodes], sums[n_pad:n_pad + n_nodes],
                 cnts[:n_nodes], cnts[n_pad:n_pad + n_nodes], W_self, W_agg)
    return out

# --- scband reference (transcript-rebuilt; emitter-appended) ---
"""Pipeline reference for scband-rgcnlayer-43155831390586 (READ-ONLY COPY).

The authoritative reference and input builder live on the scoring server;
editing this copy changes nothing except your own understanding.
"""

import jax, jax.numpy as jnp
import numpy as np

N_NODES = 10000
N_EDGES = 320000
D = 128

def setup_inputs(seed: int = 0) -> dict:
    key = jax.random.key(seed)
    k1, k2, k3, k4, k5 = jax.random.split(key, 5)
    nodes_embed = jax.random.normal(k1, (N_NODES, D), dtype=jnp.float32)
    edges_embed = jax.random.normal(k2, (N_EDGES, D), dtype=jnp.float32)
    # edges columns: (source node, edge-embedding index, destination node); all values < N_NODES <= N_EDGES so all indexing is in range
    edges = jax.random.randint(k3, (N_EDGES, 3), 0, N_NODES, dtype=jnp.int32)
    # learned parameters: fc_self and fc_aggregate weight matrices (bias=False), stored as [out, in] like nn.Linear
    W_self = jax.random.normal(k4, (D, D), dtype=jnp.float32) * 0.05
    W_agg = jax.random.normal(k5, (D, D), dtype=jnp.float32) * 0.05
    return {"nodes_embed": nodes_embed, "edges_embed": edges_embed, "edges": edges, "W_self": W_self, "W_agg": W_agg}


def reference(nodes_embed, edges_embed, edges, W_self, W_agg):
    num_node = nodes_embed.shape[0]
    src = edges[:, 0]
    rel = edges[:, 1]
    des = edges[:, 2]
    # h = fc_self(nodes_embed)
    h = nodes_embed @ W_self.T
    # message = fc_aggregate(nodes_embed[src] + edges_embed[rel])
    message = (jnp.take(nodes_embed, src, axis=0) + jnp.take(edges_embed, rel, axis=0)) @ W_agg.T
    # aggregate: per-destination mean of messages (faithful to unique + scatter-add + divide-by-count)
    msg_sum = jax.ops.segment_sum(message, des, num_segments=num_node)
    cnt = jax.ops.segment_sum(jnp.ones(message.shape[0], dtype=message.dtype), des, num_segments=num_node)
    mean = jnp.where(cnt[:, None] > 0, msg_sum / jnp.maximum(cnt, 1.0)[:, None], 0.0)
    # h[des_index] = h[des_index] + message  (mean only added where the node is a destination; mean is 0 elsewhere)
    h = h + mean
    return jnp.tanh(h)

if __name__ == "__main__":
    import jax
    _d = setup_inputs()
    print(jax.jit(kernel)(*tuple(_d.values())))

</pallas_src>

<mosaic_0001>
#map = affine_map<(d0, d1) -> (0, 0, 0)>
#map1 = affine_map<(d0, d1) -> (0, 0)>
module attributes {stable_mosaic.version = 14 : i64} {
  func.func @_sc_agg_body(%arg0: i32, %arg1: i32, %arg2: memref<8000x3x40xi32, #tpu.memory_space<hbm>>, %arg3: memref<10000x128xf32, #tpu.memory_space<hbm>>, %arg4: memref<320000x128xf32, #tpu.memory_space<hbm>>, %arg5: memref<632x128xf32, #tpu.memory_space<hbm>>, %arg6: memref<632x16xf32, #tpu.memory_space<hbm>>, %arg7: memref<40x16xf32, #tpu.memory_space<hbm>>, %arg8: memref<20224x128xf32, #tpu.memory_space<hbm>>, %arg9: memref<20224x16xf32, #tpu.memory_space<hbm>>, %arg10: memref<3x40xi32, #tpu.memory_space<vmem>>, %arg11: memref<3x40xi32, #tpu.memory_space<vmem>>, %arg12: memref<40x128xf32, #tpu.memory_space<vmem>>, %arg13: memref<40x128xf32, #tpu.memory_space<vmem>>, %arg14: memref<40x128xf32, #tpu.memory_space<vmem>>, %arg15: memref<40x128xf32, #tpu.memory_space<vmem>>, %arg16: memref<40x16xf32, #tpu.memory_space<vmem>>, %arg17: memref<10112x128xf32, #tpu.memory_space<vmem_shared>>, %arg18: memref<10112x16xf32, #tpu.memory_space<vmem_shared>>, %arg19: memref<!tpu.dma_semaphore, #tpu.memory_space<semaphore_mem>>, %arg20: memref<!tpu.dma_semaphore, #tpu.memory_space<semaphore_mem>>, %arg21: memref<!tpu.dma_semaphore, #tpu.memory_space<semaphore_mem>>, %arg22: memref<!tpu.dma_semaphore, #tpu.memory_space<semaphore_mem>>) attributes {dimension_semantics = [#tpu.dimension_semantics<core_parallel>, #tpu.dimension_semantics<subcore_parallel>], iteration_bounds = array<i64: 2, 16>, scalar_prefetch = 0 : i64, scratch_operands = 13 : i64, tpu.core_type = #tpu.core_type<sc_vector_subcore>, window_params = [{transform_indices = #map}, {transform_indices = #map1}, {transform_indices = #map1}, {transform_indices = #map1}, {transform_indices = #map1}, {transform_indices = #map1}, {transform_indices = #map1}, {transform_indices = #map1}]} {
    %mul3A = arith.constant 16 : i32
    %mul3A_0 = arith.muli %arg0, %mul3A : i32
    %add3A = arith.addi %mul3A_0, %arg1 : i32
    "tpu.region"() ({
      %run_scoped3A = tpu.sem_alloc : memref<!tpu.dma_semaphore, #tpu.memory_space<semaphore_mem>>
      tpu.enqueue_dma source(%arg7 : memref<40x16xf32, #tpu.memory_space<hbm>>) target(%arg16 : memref<40x16xf32, #tpu.memory_space<vmem>>) target_semaphore(%run_scoped3A : memref<!tpu.dma_semaphore, #tpu.memory_space<semaphore_mem>>)
      tpu.wait_dma2 semaphore(%run_scoped3A : memref<!tpu.dma_semaphore, #tpu.memory_space<semaphore_mem>>) src(%arg7 : memref<40x16xf32, #tpu.memory_space<hbm>>) dst(%arg16 : memref<40x16xf32, #tpu.memory_space<vmem>>)
      tpu.yield
    }) : () -> ()
    %eq3A = arith.constant 0 : i32
    %eq3A_1 = arith.cmpi eq, %arg1, %eq3A : i32
    %convert_element_type3A = arith.extui %eq3A_1 : i1 to i32
    %cond3A = arith.constant 0 : i32
    %cond3A_2 = arith.cmpi ne, %convert_element_type3A, %cond3A : i32
    scf.if %cond3A_2 {
      "tpu.region"() ({
        %run_scoped3A = tpu.sem_alloc : memref<!tpu.dma_semaphore, #tpu.memory_space<semaphore_mem>>
        %dma_start3A_179 = arith.constant 0 : i32
        %dma_start3A_180 = arith.constant 0 : i32
        %dma_start3A_181 = tpu.memref_slice %arg17[%dma_start3A_179, %dma_start3A_180] : memref<10112x128xf32, #tpu.memory_space<vmem_shared>> -> memref<632x128xf32, #tpu.memory_space<vmem_shared>>
        tpu.enqueue_dma source(%arg5 : memref<632x128xf32, #tpu.memory_space<hbm>>) target(%dma_start3A_181 : memref<632x128xf32, #tpu.memory_space<vmem_shared>>) target_semaphore(%run_scoped3A : memref<!tpu.dma_semaphore, #tpu.memory_space<semaphore_mem>>)
        %dma_wait3A = arith.constant 0 : i32
        %dma_wait3A_182 = arith.constant 0 : i32
        %dma_wait3A_183 = tpu.memref_slice %arg17[%dma_wait3A, %dma_wait3A_182] : memref<10112x128xf32, #tpu.memory_space<vmem_shared>> -> memref<632x128xf32, #tpu.memory_space<vmem_shared>>
        tpu.wait_dma2 semaphore(%run_scoped3A : memref<!tpu.dma_semaphore, #tpu.memory_space<semaphore_mem>>) src(%arg5 : memref<632x128xf32, #tpu.memory_space<hbm>>) dst(%dma_wait3A_183 : memref<632x128xf32, #tpu.memory_space<vmem_shared>>)
        tpu.yield
      }) : () -> ()
      "tpu.region"() ({
        %run_scoped3A = tpu.sem_alloc : memref<!tpu.dma_semaphore, #tpu.memory_space<semaphore_mem>>
        %dma_start3A_179 = arith.constant 0 : i32
        %dma_start3A_180 = arith.constant 0 : i32
        %dma_start3A_181 = tpu.memref_slice %arg18[%dma_start3A_179, %dma_start3A_180] : memref<10112x16xf32, #tpu.memory_space<vmem_shared>> -> memref<632x16xf32, #tpu.memory_space<vmem_shared>>
        tpu.enqueue_dma source(%arg6 : memref<632x16xf32, #tpu.memory_space<hbm>>) target(%dma_start3A_181 : memref<632x16xf32, #tpu.memory_space<vmem_shared>>) target_semaphore(%run_scoped3A : memref<!tpu.dma_semaphore, #tpu.memory_space<semaphore_mem>>)
        %dma_wait3A = arith.constant 0 : i32
        %dma_wait3A_182 = arith.constant 0 : i32
        %dma_wait3A_183 = tpu.memref_slice %arg18[%dma_wait3A, %dma_wait3A_182] : memref<10112x16xf32, #tpu.memory_space<vmem_shared>> -> memref<632x16xf32, #tpu.memory_space<vmem_shared>>
        tpu.wait_dma2 semaphore(%run_scoped3A : memref<!tpu.dma_semaphore, #tpu.memory_space<semaphore_mem>>) src(%arg6 : memref<632x16xf32, #tpu.memory_space<hbm>>) dst(%dma_wait3A_183 : memref<632x16xf32, #tpu.memory_space<vmem_shared>>)
        tpu.yield
      }) : () -> ()
    } else {
    }
    %eq3A_3 = arith.constant 1 : i32
    %eq3A_4 = arith.cmpi eq, %arg1, %eq3A_3 : i32
    %convert_element_type3A_5 = arith.extui %eq3A_4 : i1 to i32
    %cond3A_6 = arith.constant 0 : i32
    %cond3A_7 = arith.cmpi ne, %convert_element_type3A_5, %cond3A_6 : i32
    scf.if %cond3A_7 {
      "tpu.region"() ({
        %run_scoped3A = tpu.sem_alloc : memref<!tpu.dma_semaphore, #tpu.memory_space<semaphore_mem>>
        %dma_start3A_179 = arith.constant 632 : i32
        %dma_start3A_180 = arith.constant 0 : i32
        %dma_start3A_181 = tpu.memref_slice %arg17[%dma_start3A_179, %dma_start3A_180] : memref<10112x128xf32, #tpu.memory_space<vmem_shared>> -> memref<632x128xf32, #tpu.memory_space<vmem_shared>>
        tpu.enqueue_dma source(%arg5 : memref<632x128xf32, #tpu.memory_space<hbm>>) target(%dma_start3A_181 : memref<632x128xf32, #tpu.memory_space<vmem_shared>>) target_semaphore(%run_scoped3A : memref<!tpu.dma_semaphore, #tpu.memory_space<semaphore_mem>>)
        %dma_wait3A = arith.constant 632 : i32
        %dma_wait3A_182 = arith.constant 0 : i32
        %dma_wait3A_183 = tpu.memref_slice %arg17[%dma_wait3A, %dma_wait3A_182] : memref<10112x128xf32, #tpu.memory_space<vmem_shared>> -> memref<632x128xf32, #tpu.memory_space<vmem_shared>>
        tpu.wait_dma2 semaphore(%run_scoped3A : memref<!tpu.dma_semaphore, #tpu.memory_space<semaphore_mem>>) src(%arg5 : memref<632x128xf32, #tpu.memory_space<hbm>>) dst(%dma_wait3A_183 : memref<632x128xf32, #tpu.memory_space<vmem_shared>>)
        tpu.yield
      }) : () -> ()
      "tpu.region"() ({
        %run_scoped3A = tpu.sem_alloc : memref<!tpu.dma_semaphore, #tpu.memory_space<semaphore_mem>>
        %dma_start3A_179 = arith.constant 632 : i32
        %dma_start3A_180 = arith.constant 0 : i32
        %dma_start3A_181 = tpu.memref_slice %arg18[%dma_start3A_179, %dma_start3A_180] : memref<10112x16xf32, #tpu.memory_space<vmem_shared>> -> memref<632x16xf32, #tpu.memory_space<vmem_shared>>
        tpu.enqueue_dma source(%arg6 : memref<632x16xf32, #tpu.memory_space<hbm>>) target(%dma_start3A_181 : memref<632x16xf32, #tpu.memory_space<vmem_shared>>) target_semaphore(%run_scoped3A : memref<!tpu.dma_semaphore, #tpu.memory_space<semaphore_mem>>)
        %dma_wait3A = arith.constant 632 : i32
        %dma_wait3A_182 = arith.constant 0 : i32
        %dma_wait3A_183 = tpu.memref_slice %arg18[%dma_wait3A, %dma_wait3A_182] : memref<10112x16xf32, #tpu.memory_space<vmem_shared>> -> memref<632x16xf32, #tpu.memory_space<vmem_shared>>
        tpu.wait_dma2 semaphore(%run_scoped3A : memref<!tpu.dma_semaphore, #tpu.memory_space<semaphore_mem>>) src(%arg6 : memref<632x16xf32, #tpu.memory_space<hbm>>) dst(%dma_wait3A_183 : memref<632x16xf32, #tpu.memory_space<vmem_shared>>)
        tpu.yield
      }) : () -> ()
    } else {
    }
    %eq3A_8 = arith.constant 2 : i32
    %eq3A_9 = arith.cmpi eq, %arg1, %eq3A_8 : i32
    %convert_element_type3A_10 = arith.extui %eq3A_9 : i1 to i32
    %cond3A_11 = arith.constant 0 : i32
    %cond3A_12 = arith.cmpi ne, %convert_element_type3A_10, %cond3A_11 : i32
    scf.if %cond3A_12 {
      "tpu.region"() ({
        %run_scoped3A = tpu.sem_alloc : memref<!tpu.dma_semaphore, #tpu.memory_space<semaphore_mem>>
        %dma_start3A_179 = arith.constant 1264 : i32
        %dma_start3A_180 = arith.constant 0 : i32
        %dma_start3A_181 = tpu.memref_slice %arg17[%dma_start3A_179, %dma_start3A_180] : memref<10112x128xf32, #tpu.memory_space<vmem_shared>> -> memref<632x128xf32, #tpu.memory_space<vmem_shared>>
        tpu.enqueue_dma source(%arg5 : memref<632x128xf32, #tpu.memory_space<hbm>>) target(%dma_start3A_181 : memref<632x128xf32, #tpu.memory_space<vmem_shared>>) target_semaphore(%run_scoped3A : memref<!tpu.dma_semaphore, #tpu.memory_space<semaphore_mem>>)
        %dma_wait3A = arith.constant 1264 : i32
        %dma_wait3A_182 = arith.constant 0 : i32
        %dma_wait3A_183 = tpu.memref_slice %arg17[%dma_wait3A, %dma_wait3A_182] : memref<10112x128xf32, #tpu.memory_space<vmem_shared>> -> memref<632x128xf32, #tpu.memory_space<vmem_shared>>
        tpu.wait_dma2 semaphore(%run_scoped3A : memref<!tpu.dma_semaphore, #tpu.memory_space<semaphore_mem>>) src(%arg5 : memref<632x128xf32, #tpu.memory_space<hbm>>) dst(%dma_wait3A_183 : memref<632x128xf32, #tpu.memory_space<vmem_shared>>)
        tpu.yield
      }) : () -> ()
      "tpu.region"() ({
        %run_scoped3A = tpu.sem_alloc : memref<!tpu.dma_semaphore, #tpu.memory_space<semaphore_mem>>
        %dma_start3A_179 = arith.constant 1264 : i32
        %dma_start3A_180 = arith.constant 0 : i32
        %dma_start3A_181 = tpu.memref_slice %arg18[%dma_start3A_179, %dma_start3A_180] : memref<10112x16xf32, #tpu.memory_space<vmem_shared>> -> memref<632x16xf32, #tpu.memory_space<vmem_shared>>
        tpu.enqueue_dma source(%arg6 : memref<632x16xf32, #tpu.memory_space<hbm>>) target(%dma_start3A_181 : memref<632x16xf32, #tpu.memory_space<vmem_shared>>) target_semaphore(%run_scoped3A : memref<!tpu.dma_semaphore, #tpu.memory_space<semaphore_mem>>)
        %dma_wait3A = arith.constant 1264 : i32
        %dma_wait3A_182 = arith.constant 0 : i32
        %dma_wait3A_183 = tpu.memref_slice %arg18[%dma_wait3A, %dma_wait3A_182] : memref<10112x16xf32, #tpu.memory_space<vmem_shared>> -> memref<632x16xf32, #tpu.memory_space<vmem_shared>>
        tpu.wait_dma2 semaphore(%run_scoped3A : memref<!tpu.dma_semaphore, #tpu.memory_space<semaphore_mem>>) src(%arg6 : memref<632x16xf32, #tpu.memory_space<hbm>>) dst(%dma_wait3A_183 : memref<632x16xf32, #tpu.memory_space<vmem_shared>>)
        tpu.yield
      }) : () -> ()
    } else {
    }
    %eq3A_13 = arith.constant 3 : i32
    %eq3A_14 = arith.cmpi eq, %arg1, %eq3A_13 : i32
    %convert_element_type3A_15 = arith.extui %eq3A_14 : i1 to i32
    %cond3A_16 = arith.constant 0 : i32
    %cond3A_17 = arith.cmpi ne, %convert_element_type3A_15, %cond3A_16 : i32
    scf.if %cond3A_17 {
      "tpu.region"() ({
        %run_scoped3A = tpu.sem_alloc : memref<!tpu.dma_semaphore, #tpu.memory_space<semaphore_mem>>
        %dma_start3A_179 = arith.constant 1896 : i32
        %dma_start3A_180 = arith.constant 0 : i32
        %dma_start3A_181 = tpu.memref_slice %arg17[%dma_start3A_179, %dma_start3A_180] : memref<10112x128xf32, #tpu.memory_space<vmem_shared>> -> memref<632x128xf32, #tpu.memory_space<vmem_shared>>
        tpu.enqueue_dma source(%arg5 : memref<632x128xf32, #tpu.memory_space<hbm>>) target(%dma_start3A_181 : memref<632x128xf32, #tpu.memory_space<vmem_shared>>) target_semaphore(%run_scoped3A : memref<!tpu.dma_semaphore, #tpu.memory_space<semaphore_mem>>)
        %dma_wait3A = arith.constant 1896 : i32
        %dma_wait3A_182 = arith.constant 0 : i32
        %dma_wait3A_183 = tpu.memref_slice %arg17[%dma_wait3A, %dma_wait3A_182] : memref<10112x128xf32, #tpu.memory_space<vmem_shared>> -> memref<632x128xf32, #tpu.memory_space<vmem_shared>>
        tpu.wait_dma2 semaphore(%run_scoped3A : memref<!tpu.dma_semaphore, #tpu.memory_space<semaphore_mem>>) src(%arg5 : memref<632x128xf32, #tpu.memory_space<hbm>>) dst(%dma_wait3A_183 : memref<632x128xf32, #tpu.memory_space<vmem_shared>>)
        tpu.yield
      }) : () -> ()
      "tpu.region"() ({
        %run_scoped3A = tpu.sem_alloc : memref<!tpu.dma_semaphore, #tpu.memory_space<semaphore_mem>>
        %dma_start3A_179 = arith.constant 1896 : i32
        %dma_start3A_180 = arith.constant 0 : i32
        %dma_start3A_181 = tpu.memref_slice %arg18[%dma_start3A_179, %dma_start3A_180] : memref<10112x16xf32, #tpu.memory_space<vmem_shared>> -> memref<632x16xf32, #tpu.memory_space<vmem_shared>>
        tpu.enqueue_dma source(%arg6 : memref<632x16xf32, #tpu.memory_space<hbm>>) target(%dma_start3A_181 : memref<632x16xf32, #tpu.memory_space<vmem_shared>>) target_semaphore(%run_scoped3A : memref<!tpu.dma_semaphore, #tpu.memory_space<semaphore_mem>>)
        %dma_wait3A = arith.constant 1896 : i32
        %dma_wait3A_182 = arith.constant 0 : i32
        %dma_wait3A_183 = tpu.memref_slice %arg18[%dma_wait3A, %dma_wait3A_182] : memref<10112x16xf32, #tpu.memory_space<vmem_shared>> -> memref<632x16xf32, #tpu.memory_space<vmem_shared>>
        tpu.wait_dma2 semaphore(%run_scoped3A : memref<!tpu.dma_semaphore, #tpu.memory_space<semaphore_mem>>) src(%arg6 : memref<632x16xf32, #tpu.memory_space<hbm>>) dst(%dma_wait3A_183 : memref<632x16xf32, #tpu.memory_space<vmem_shared>>)
        tpu.yield
      }) : () -> ()
    } else {
    }
    %eq3A_18 = arith.constant 4 : i32
    %eq3A_19 = arith.cmpi eq, %arg1, %eq3A_18 : i32
    %convert_element_type3A_20 = arith.extui %eq3A_19 : i1 to i32
    %cond3A_21 = arith.constant 0 : i32
    %cond3A_22 = arith.cmpi ne, %convert_element_type3A_20, %cond3A_21 : i32
    scf.if %cond3A_22 {
      "tpu.region"() ({
        %run_scoped3A = tpu.sem_alloc : memref<!tpu.dma_semaphore, #tpu.memory_space<semaphore_mem>>
        %dma_start3A_179 = arith.constant 2528 : i32
        %dma_start3A_180 = arith.constant 0 : i32
        %dma_start3A_181 = tpu.memref_slice %arg17[%dma_start3A_179, %dma_start3A_180] : memref<10112x128xf32, #tpu.memory_space<vmem_shared>> -> memref<632x128xf32, #tpu.memory_space<vmem_shared>>
        tpu.enqueue_dma source(%arg5 : memref<632x128xf32, #tpu.memory_space<hbm>>) target(%dma_start3A_181 : memref<632x128xf32, #tpu.memory_space<vmem_shared>>) target_semaphore(%run_scoped3A : memref<!tpu.dma_semaphore, #tpu.memory_space<semaphore_mem>>)
        %dma_wait3A = arith.constant 2528 : i32
        %dma_wait3A_182 = arith.constant 0 : i32
        %dma_wait3A_183 = tpu.memref_slice %arg17[%dma_wait3A, %dma_wait3A_182] : memref<10112x128xf32, #tpu.memory_space<vmem_shared>> -> memref<632x128xf32, #tpu.memory_space<vmem_shared>>
        tpu.wait_dma2 semaphore(%run_scoped3A : memref<!tpu.dma_semaphore, #tpu.memory_space<semaphore_mem>>) src(%arg5 : memref<632x128xf32, #tpu.memory_space<hbm>>) dst(%dma_wait3A_183 : memref<632x128xf32, #tpu.memory_space<vmem_shared>>)
        tpu.yield
      }) : () -> ()
      "tpu.region"() ({
        %run_scoped3A = tpu.sem_alloc : memref<!tpu.dma_semaphore, #tpu.memory_space<semaphore_mem>>
        %dma_start3A_179 = arith.constant 2528 : i32
        %dma_start3A_180 = arith.constant 0 : i32
        %dma_start3A_181 = tpu.memref_slice %arg18[%dma_start3A_179, %dma_start3A_180] : memref<10112x16xf32, #tpu.memory_space<vmem_shared>> -> memref<632x16xf32, #tpu.memory_space<vmem_shared>>
        tpu.enqueue_dma source(%arg6 : memref<632x16xf32, #tpu.memory_space<hbm>>) target(%dma_start3A_181 : memref<632x16xf32, #tpu.memory_space<vmem_shared>>) target_semaphore(%run_scoped3A : memref<!tpu.dma_semaphore, #tpu.memory_space<semaphore_mem>>)
        %dma_wait3A = arith.constant 2528 : i32
        %dma_wait3A_182 = arith.constant 0 : i32
        %dma_wait3A_183 = tpu.memref_slice %arg18[%dma_wait3A, %dma_wait3A_182] : memref<10112x16xf32, #tpu.memory_space<vmem_shared>> -> memref<632x16xf32, #tpu.memory_space<vmem_shared>>
        tpu.wait_dma2 semaphore(%run_scoped3A : memref<!tpu.dma_semaphore, #tpu.memory_space<semaphore_mem>>) src(%arg6 : memref<632x16xf32, #tpu.memory_space<hbm>>) dst(%dma_wait3A_183 : memref<632x16xf32, #tpu.memory_space<vmem_shared>>)
        tpu.yield
      }) : () -> ()
    } else {
    }
    %eq3A_23 = arith.constant 5 : i32
    %eq3A_24 = arith.cmpi eq, %arg1, %eq3A_23 : i32
    %convert_element_type3A_25 = arith.extui %eq3A_24 : i1 to i32
    %cond3A_26 = arith.constant 0 : i32
    %cond3A_27 = arith.cmpi ne, %convert_element_type3A_25, %cond3A_26 : i32
    scf.if %cond3A_27 {
      "tpu.region"() ({
        %run_scoped3A = tpu.sem_alloc : memref<!tpu.dma_semaphore, #tpu.memory_space<semaphore_mem>>
        %dma_start3A_179 = arith.constant 3160 : i32
        %dma_start3A_180 = arith.constant 0 : i32
        %dma_start3A_181 = tpu.memref_slice %arg17[%dma_start3A_179, %dma_start3A_180] : memref<10112x128xf32, #tpu.memory_space<vmem_shared>> -> memref<632x128xf32, #tpu.memory_space<vmem_shared>>
        tpu.enqueue_dma source(%arg5 : memref<632x128xf32, #tpu.memory_space<hbm>>) target(%dma_start3A_181 : memref<632x128xf32, #tpu.memory_space<vmem_shared>>) target_semaphore(%run_scoped3A : memref<!tpu.dma_semaphore, #tpu.memory_space<semaphore_mem>>)
        %dma_wait3A = arith.constant 3160 : i32
        %dma_wait3A_182 = arith.constant 0 : i32
        %dma_wait3A_183 = tpu.memref_slice %arg17[%dma_wait3A, %dma_wait3A_182] : memref<10112x128xf32, #tpu.memory_space<vmem_shared>> -> memref<632x128xf32, #tpu.memory_space<vmem_shared>>
        tpu.wait_dma2 semaphore(%run_scoped3A : memref<!tpu.dma_semaphore, #tpu.memory_space<semaphore_mem>>) src(%arg5 : memref<632x128xf32, #tpu.memory_space<hbm>>) dst(%dma_wait3A_183 : memref<632x128xf32, #tpu.memory_space<vmem_shared>>)
        tpu.yield
      }) : () -> ()
      "tpu.region"() ({
        %run_scoped3A = tpu.sem_alloc : memref<!tpu.dma_semaphore, #tpu.memory_space<semaphore_mem>>
        %dma_start3A_179 = arith.constant 3160 : i32
        %dma_start3A_180 = arith.constant 0 : i32
        %dma_start3A_181 = tpu.memref_slice %arg18[%dma_start3A_179, %dma_start3A_180] : memref<10112x16xf32, #tpu.memory_space<vmem_shared>> -> memref<632x16xf32, #tpu.memory_space<vmem_shared>>
        tpu.enqueue_dma source(%arg6 : memref<632x16xf32, #tpu.memory_space<hbm>>) target(%dma_start3A_181 : memref<632x16xf32, #tpu.memory_space<vmem_shared>>) target_semaphore(%run_scoped3A : memref<!tpu.dma_semaphore, #tpu.memory_space<semaphore_mem>>)
        %dma_wait3A = arith.constant 3160 : i32
        %dma_wait3A_182 = arith.constant 0 : i32
        %dma_wait3A_183 = tpu.memref_slice %arg18[%dma_wait3A, %dma_wait3A_182] : memref<10112x16xf32, #tpu.memory_space<vmem_shared>> -> memref<632x16xf32, #tpu.memory_space<vmem_shared>>
        tpu.wait_dma2 semaphore(%run_scoped3A : memref<!tpu.dma_semaphore, #tpu.memory_space<semaphore_mem>>) src(%arg6 : memref<632x16xf32, #tpu.memory_space<hbm>>) dst(%dma_wait3A_183 : memref<632x16xf32, #tpu.memory_space<vmem_shared>>)
        tpu.yield
      }) : () -> ()
    } else {
    }
    %eq3A_28 = arith.constant 6 : i32
    %eq3A_29 = arith.cmpi eq, %arg1, %eq3A_28 : i32
    %convert_element_type3A_30 = arith.extui %eq3A_29 : i1 to i32
    %cond3A_31 = arith.constant 0 : i32
    %cond3A_32 = arith.cmpi ne, %convert_element_type3A_30, %cond3A_31 : i32
    scf.if %cond3A_32 {
      "tpu.region"() ({
        %run_scoped3A = tpu.sem_alloc : memref<!tpu.dma_semaphore, #tpu.memory_space<semaphore_mem>>
        %dma_start3A_179 = arith.constant 3792 : i32
        %dma_start3A_180 = arith.constant 0 : i32
        %dma_start3A_181 = tpu.memref_slice %arg17[%dma_start3A_179, %dma_start3A_180] : memref<10112x128xf32, #tpu.memory_space<vmem_shared>> -> memref<632x128xf32, #tpu.memory_space<vmem_shared>>
        tpu.enqueue_dma source(%arg5 : memref<632x128xf32, #tpu.memory_space<hbm>>) target(%dma_start3A_181 : memref<632x128xf32, #tpu.memory_space<vmem_shared>>) target_semaphore(%run_scoped3A : memref<!tpu.dma_semaphore, #tpu.memory_space<semaphore_mem>>)
        %dma_wait3A = arith.constant 3792 : i32
        %dma_wait3A_182 = arith.constant 0 : i32
        %dma_wait3A_183 = tpu.memref_slice %arg17[%dma_wait3A, %dma_wait3A_182] : memref<10112x128xf32, #tpu.memory_space<vmem_shared>> -> memref<632x128xf32, #tpu.memory_space<vmem_shared>>
        tpu.wait_dma2 semaphore(%run_scoped3A : memref<!tpu.dma_semaphore, #tpu.memory_space<semaphore_mem>>) src(%arg5 : memref<632x128xf32, #tpu.memory_space<hbm>>) dst(%dma_wait3A_183 : memref<632x128xf32, #tpu.memory_space<vmem_shared>>)
        tpu.yield
      }) : () -> ()
      "tpu.region"() ({
        %run_scoped3A = tpu.sem_alloc : memref<!tpu.dma_semaphore, #tpu.memory_space<semaphore_mem>>
        %dma_start3A_179 = arith.constant 3792 : i32
        %dma_start3A_180 = arith.constant 0 : i32
        %dma_start3A_181 = tpu.memref_slice %arg18[%dma_start3A_179, %dma_start3A_180] : memref<10112x16xf32, #tpu.memory_space<vmem_shared>> -> memref<632x16xf32, #tpu.memory_space<vmem_shared>>
        tpu.enqueue_dma source(%arg6 : memref<632x16xf32, #tpu.memory_space<hbm>>) target(%dma_start3A_181 : memref<632x16xf32, #tpu.memory_space<vmem_shared>>) target_semaphore(%run_scoped3A : memref<!tpu.dma_semaphore, #tpu.memory_space<semaphore_mem>>)
        %dma_wait3A = arith.constant 3792 : i32
        %dma_wait3A_182 = arith.constant 0 : i32
        %dma_wait3A_183 = tpu.memref_slice %arg18[%dma_wait3A, %dma_wait3A_182] : memref<10112x16xf32, #tpu.memory_space<vmem_shared>> -> memref<632x16xf32, #tpu.memory_space<vmem_shared>>
        tpu.wait_dma2 semaphore(%run_scoped3A : memref<!tpu.dma_semaphore, #tpu.memory_space<semaphore_mem>>) src(%arg6 : memref<632x16xf32, #tpu.memory_space<hbm>>) dst(%dma_wait3A_183 : memref<632x16xf32, #tpu.memory_space<vmem_shared>>)
        tpu.yield
      }) : () -> ()
    } else {
    }
    %eq3A_33 = arith.constant 7 : i32
    %eq3A_34 = arith.cmpi eq, %arg1, %eq3A_33 : i32
    %convert_element_type3A_35 = arith.extui %eq3A_34 : i1 to i32
    %cond3A_36 = arith.constant 0 : i32
    %cond3A_37 = arith.cmpi ne, %convert_element_type3A_35, %cond3A_36 : i32
    scf.if %cond3A_37 {
      "tpu.region"() ({
        %run_scoped3A = tpu.sem_alloc : memref<!tpu.dma_semaphore, #tpu.memory_space<semaphore_mem>>
        %dma_start3A_179 = arith.constant 4424 : i32
        %dma_start3A_180 = arith.constant 0 : i32
        %dma_start3A_181 = tpu.memref_slice %arg17[%dma_start3A_179, %dma_start3A_180] : memref<10112x128xf32, #tpu.memory_space<vmem_shared>> -> memref<632x128xf32, #tpu.memory_space<vmem_shared>>
        tpu.enqueue_dma source(%arg5 : memref<632x128xf32, #tpu.memory_space<hbm>>) target(%dma_start3A_181 : memref<632x128xf32, #tpu.memory_space<vmem_shared>>) target_semaphore(%run_scoped3A : memref<!tpu.dma_semaphore, #tpu.memory_space<semaphore_mem>>)
        %dma_wait3A = arith.constant 4424 : i32
        %dma_wait3A_182 = arith.constant 0 : i32
        %dma_wait3A_183 = tpu.memref_slice %arg17[%dma_wait3A, %dma_wait3A_182] : memref<10112x128xf32, #tpu.memory_space<vmem_shared>> -> memref<632x128xf32, #tpu.memory_space<vmem_shared>>
        tpu.wait_dma2 semaphore(%run_scoped3A : memref<!tpu.dma_semaphore, #tpu.memory_space<semaphore_mem>>) src(%arg5 : memref<632x128xf32, #tpu.memory_space<hbm>>) dst(%dma_wait3A_183 : memref<632x128xf32, #tpu.memory_space<vmem_shared>>)
        tpu.yield
      }) : () -> ()
      "tpu.region"() ({
        %run_scoped3A = tpu.sem_alloc : memref<!tpu.dma_semaphore, #tpu.memory_space<semaphore_mem>>
        %dma_start3A_179 = arith.constant 4424 : i32
        %dma_start3A_180 = arith.constant 0 : i32
        %dma_start3A_181 = tpu.memref_slice %arg18[%dma_start3A_179, %dma_start3A_180] : memref<10112x16xf32, #tpu.memory_space<vmem_shared>> -> memref<632x16xf32, #tpu.memory_space<vmem_shared>>
        tpu.enqueue_dma source(%arg6 : memref<632x16xf32, #tpu.memory_space<hbm>>) target(%dma_start3A_181 : memref<632x16xf32, #tpu.memory_space<vmem_shared>>) target_semaphore(%run_scoped3A : memref<!tpu.dma_semaphore, #tpu.memory_space<semaphore_mem>>)
        %dma_wait3A = arith.constant 4424 : i32
        %dma_wait3A_182 = arith.constant 0 : i32
        %dma_wait3A_183 = tpu.memref_slice %arg18[%dma_wait3A, %dma_wait3A_182] : memref<10112x16xf32, #tpu.memory_space<vmem_shared>> -> memref<632x16xf32, #tpu.memory_space<vmem_shared>>
        tpu.wait_dma2 semaphore(%run_scoped3A : memref<!tpu.dma_semaphore, #tpu.memory_space<semaphore_mem>>) src(%arg6 : memref<632x16xf32, #tpu.memory_space<hbm>>) dst(%dma_wait3A_183 : memref<632x16xf32, #tpu.memory_space<vmem_shared>>)
        tpu.yield
      }) : () -> ()
    } else {
    }
    %eq3A_38 = arith.constant 8 : i32
    %eq3A_39 = arith.cmpi eq, %arg1, %eq3A_38 : i32
    %convert_element_type3A_40 = arith.extui %eq3A_39 : i1 to i32
    %cond3A_41 = arith.constant 0 : i32
    %cond3A_42 = arith.cmpi ne, %convert_element_type3A_40, %cond3A_41 : i32
    scf.if %cond3A_42 {
      "tpu.region"() ({
        %run_scoped3A = tpu.sem_alloc : memref<!tpu.dma_semaphore, #tpu.memory_space<semaphore_mem>>
        %dma_start3A_179 = arith.constant 5056 : i32
        %dma_start3A_180 = arith.constant 0 : i32
        %dma_start3A_181 = tpu.memref_slice %arg17[%dma_start3A_179, %dma_start3A_180] : memref<10112x128xf32, #tpu.memory_space<vmem_shared>> -> memref<632x128xf32, #tpu.memory_space<vmem_shared>>
        tpu.enqueue_dma source(%arg5 : memref<632x128xf32, #tpu.memory_space<hbm>>) target(%dma_start3A_181 : memref<632x128xf32, #tpu.memory_space<vmem_shared>>) target_semaphore(%run_scoped3A : memref<!tpu.dma_semaphore, #tpu.memory_space<semaphore_mem>>)
        %dma_wait3A = arith.constant 5056 : i32
        %dma_wait3A_182 = arith.constant 0 : i32
        %dma_wait3A_183 = tpu.memref_slice %arg17[%dma_wait3A, %dma_wait3A_182] : memref<10112x128xf32, #tpu.memory_space<vmem_shared>> -> memref<632x128xf32, #tpu.memory_space<vmem_shared>>
        tpu.wait_dma2 semaphore(%run_scoped3A : memref<!tpu.dma_semaphore, #tpu.memory_space<semaphore_mem>>) src(%arg5 : memref<632x128xf32, #tpu.memory_space<hbm>>) dst(%dma_wait3A_183 : memref<632x128xf32, #tpu.memory_space<vmem_shared>>)
        tpu.yield
      }) : () -> ()
      "tpu.region"() ({
        %run_scoped3A = tpu.sem_alloc : memref<!tpu.dma_semaphore, #tpu.memory_space<semaphore_mem>>
        %dma_start3A_179 = arith.constant 5056 : i32
        %dma_start3A_180 = arith.constant 0 : i32
        %dma_start3A_181 = tpu.memref_slice %arg18[%dma_start3A_179, %dma_start3A_180] : memref<10112x16xf32, #tpu.memory_space<vmem_shared>> -> memref<632x16xf32, #tpu.memory_space<vmem_shared>>
        tpu.enqueue_dma source(%arg6 : memref<632x16xf32, #tpu.memory_space<hbm>>) target(%dma_start3A_181 : memref<632x16xf32, #tpu.memory_space<vmem_shared>>) target_semaphore(%run_scoped3A : memref<!tpu.dma_semaphore, #tpu.memory_space<semaphore_mem>>)
        %dma_wait3A = arith.constant 5056 : i32
        %dma_wait3A_182 = arith.constant 0 : i32
        %dma_wait3A_183 = tpu.memref_slice %arg18[%dma_wait3A, %dma_wait3A_182] : memref<10112x16xf32, #tpu.memory_space<vmem_shared>> -> memref<632x16xf32, #tpu.memory_space<vmem_shared>>
        tpu.wait_dma2 semaphore(%run_scoped3A : memref<!tpu.dma_semaphore, #tpu.memory_space<semaphore_mem>>) src(%arg6 : memref<632x16xf32, #tpu.memory_space<hbm>>) dst(%dma_wait3A_183 : memref<632x16xf32, #tpu.memory_space<vmem_shared>>)
        tpu.yield
      }) : () -> ()
    } else {
    }
    %eq3A_43 = arith.constant 9 : i32
    %eq3A_44 = arith.cmpi eq, %arg1, %eq3A_43 : i32
    %convert_element_type3A_45 = arith.extui %eq3A_44 : i1 to i32
    %cond3A_46 = arith.constant 0 : i32
    %cond3A_47 = arith.cmpi ne, %convert_element_type3A_45, %cond3A_46 : i32
    scf.if %cond3A_47 {
      "tpu.region"() ({
        %run_scoped3A = tpu.sem_alloc : memref<!tpu.dma_semaphore, #tpu.memory_space<semaphore_mem>>
        %dma_start3A_179 = arith.constant 5688 : i32
        %dma_start3A_180 = arith.constant 0 : i32
        %dma_start3A_181 = tpu.memref_slice %arg17[%dma_start3A_179, %dma_start3A_180] : memref<10112x128xf32, #tpu.memory_space<vmem_shared>> -> memref<632x128xf32, #tpu.memory_space<vmem_shared>>
        tpu.enqueue_dma source(%arg5 : memref<632x128xf32, #tpu.memory_space<hbm>>) target(%dma_start3A_181 : memref<632x128xf32, #tpu.memory_space<vmem_shared>>) target_semaphore(%run_scoped3A : memref<!tpu.dma_semaphore, #tpu.memory_space<semaphore_mem>>)
        %dma_wait3A = arith.constant 5688 : i32
        %dma_wait3A_182 = arith.constant 0 : i32
        %dma_wait3A_183 = tpu.memref_slice %arg17[%dma_wait3A, %dma_wait3A_182] : memref<10112x128xf32, #tpu.memory_space<vmem_shared>> -> memref<632x128xf32, #tpu.memory_space<vmem_shared>>
        tpu.wait_dma2 semaphore(%run_scoped3A : memref<!tpu.dma_semaphore, #tpu.memory_space<semaphore_mem>>) src(%arg5 : memref<632x128xf32, #tpu.memory_space<hbm>>) dst(%dma_wait3A_183 : memref<632x128xf32, #tpu.memory_space<vmem_shared>>)
        tpu.yield
      }) : () -> ()
      "tpu.region"() ({
        %run_scoped3A = tpu.sem_alloc : memref<!tpu.dma_semaphore, #tpu.memory_space<semaphore_mem>>
        %dma_start3A_179 = arith.constant 5688 : i32
        %dma_start3A_180 = arith.constant 0 : i32
        %dma_start3A_181 = tpu.memref_slice %arg18[%dma_start3A_179, %dma_start3A_180] : memref<10112x16xf32, #tpu.memory_space<vmem_shared>> -> memref<632x16xf32, #tpu.memory_space<vmem_shared>>
        tpu.enqueue_dma source(%arg6 : memref<632x16xf32, #tpu.memory_space<hbm>>) target(%dma_start3A_181 : memref<632x16xf32, #tpu.memory_space<vmem_shared>>) target_semaphore(%run_scoped3A : memref<!tpu.dma_semaphore, #tpu.memory_space<semaphore_mem>>)
        %dma_wait3A = arith.constant 5688 : i32
        %dma_wait3A_182 = arith.constant 0 : i32
        %dma_wait3A_183 = tpu.memref_slice %arg18[%dma_wait3A, %dma_wait3A_182] : memref<10112x16xf32, #tpu.memory_space<vmem_shared>> -> memref<632x16xf32, #tpu.memory_space<vmem_shared>>
        tpu.wait_dma2 semaphore(%run_scoped3A : memref<!tpu.dma_semaphore, #tpu.memory_space<semaphore_mem>>) src(%arg6 : memref<632x16xf32, #tpu.memory_space<hbm>>) dst(%dma_wait3A_183 : memref<632x16xf32, #tpu.memory_space<vmem_shared>>)
        tpu.yield
      }) : () -> ()
    } else {
    }
    %eq3A_48 = arith.constant 10 : i32
    %eq3A_49 = arith.cmpi eq, %arg1, %eq3A_48 : i32
    %convert_element_type3A_50 = arith.extui %eq3A_49 : i1 to i32
    %cond3A_51 = arith.constant 0 : i32
    %cond3A_52 = arith.cmpi ne, %convert_element_type3A_50, %cond3A_51 : i32
    scf.if %cond3A_52 {
      "tpu.region"() ({
        %run_scoped3A = tpu.sem_alloc : memref<!tpu.dma_semaphore, #tpu.memory_space<semaphore_mem>>
        %dma_start3A_179 = arith.constant 6320 : i32
        %dma_start3A_180 = arith.constant 0 : i32
        %dma_start3A_181 = tpu.memref_slice %arg17[%dma_start3A_179, %dma_start3A_180] : memref<10112x128xf32, #tpu.memory_space<vmem_shared>> -> memref<632x128xf32, #tpu.memory_space<vmem_shared>>
        tpu.enqueue_dma source(%arg5 : memref<632x128xf32, #tpu.memory_space<hbm>>) target(%dma_start3A_181 : memref<632x128xf32, #tpu.memory_space<vmem_shared>>) target_semaphore(%run_scoped3A : memref<!tpu.dma_semaphore, #tpu.memory_space<semaphore_mem>>)
        %dma_wait3A = arith.constant 6320 : i32
        %dma_wait3A_182 = arith.constant 0 : i32
        %dma_wait3A_183 = tpu.memref_slice %arg17[%dma_wait3A, %dma_wait3A_182] : memref<10112x128xf32, #tpu.memory_space<vmem_shared>> -> memref<632x128xf32, #tpu.memory_space<vmem_shared>>
        tpu.wait_dma2 semaphore(%run_scoped3A : memref<!tpu.dma_semaphore, #tpu.memory_space<semaphore_mem>>) src(%arg5 : memref<632x128xf32, #tpu.memory_space<hbm>>) dst(%dma_wait3A_183 : memref<632x128xf32, #tpu.memory_space<vmem_shared>>)
        tpu.yield
      }) : () -> ()
      "tpu.region"() ({
        %run_scoped3A = tpu.sem_alloc : memref<!tpu.dma_semaphore, #tpu.memory_space<semaphore_mem>>
        %dma_start3A_179 = arith.constant 6320 : i32
        %dma_start3A_180 = arith.constant 0 : i32
        %dma_start3A_181 = tpu.memref_slice %arg18[%dma_start3A_179, %dma_start3A_180] : memref<10112x16xf32, #tpu.memory_space<vmem_shared>> -> memref<632x16xf32, #tpu.memory_space<vmem_shared>>
        tpu.enqueue_dma source(%arg6 : memref<632x16xf32, #tpu.memory_space<hbm>>) target(%dma_start3A_181 : memref<632x16xf32, #tpu.memory_space<vmem_shared>>) target_semaphore(%run_scoped3A : memref<!tpu.dma_semaphore, #tpu.memory_space<semaphore_mem>>)
        %dma_wait3A = arith.constant 6320 : i32
        %dma_wait3A_182 = arith.constant 0 : i32
        %dma_wait3A_183 = tpu.memref_slice %arg18[%dma_wait3A, %dma_wait3A_182] : memref<10112x16xf32, #tpu.memory_space<vmem_shared>> -> memref<632x16xf32, #tpu.memory_space<vmem_shared>>
        tpu.wait_dma2 semaphore(%run_scoped3A : memref<!tpu.dma_semaphore, #tpu.memory_space<semaphore_mem>>) src(%arg6 : memref<632x16xf32, #tpu.memory_space<hbm>>) dst(%dma_wait3A_183 : memref<632x16xf32, #tpu.memory_space<vmem_shared>>)
        tpu.yield
      }) : () -> ()
    } else {
    }
    %eq3A_53 = arith.constant 11 : i32
    %eq3A_54 = arith.cmpi eq, %arg1, %eq3A_53 : i32
    %convert_element_type3A_55 = arith.extui %eq3A_54 : i1 to i32
    %cond3A_56 = arith.constant 0 : i32
    %cond3A_57 = arith.cmpi ne, %convert_element_type3A_55, %cond3A_56 : i32
    scf.if %cond3A_57 {
      "tpu.region"() ({
        %run_scoped3A = tpu.sem_alloc : memref<!tpu.dma_semaphore, #tpu.memory_space<semaphore_mem>>
        %dma_start3A_179 = arith.constant 6952 : i32
        %dma_start3A_180 = arith.constant 0 : i32
        %dma_start3A_181 = tpu.memref_slice %arg17[%dma_start3A_179, %dma_start3A_180] : memref<10112x128xf32, #tpu.memory_space<vmem_shared>> -> memref<632x128xf32, #tpu.memory_space<vmem_shared>>
        tpu.enqueue_dma source(%arg5 : memref<632x128xf32, #tpu.memory_space<hbm>>) target(%dma_start3A_181 : memref<632x128xf32, #tpu.memory_space<vmem_shared>>) target_semaphore(%run_scoped3A : memref<!tpu.dma_semaphore, #tpu.memory_space<semaphore_mem>>)
        %dma_wait3A = arith.constant 6952 : i32
        %dma_wait3A_182 = arith.constant 0 : i32
        %dma_wait3A_183 = tpu.memref_slice %arg17[%dma_wait3A, %dma_wait3A_182] : memref<10112x128xf32, #tpu.memory_space<vmem_shared>> -> memref<632x128xf32, #tpu.memory_space<vmem_shared>>
        tpu.wait_dma2 semaphore(%run_scoped3A : memref<!tpu.dma_semaphore, #tpu.memory_space<semaphore_mem>>) src(%arg5 : memref<632x128xf32, #tpu.memory_space<hbm>>) dst(%dma_wait3A_183 : memref<632x128xf32, #tpu.memory_space<vmem_shared>>)
        tpu.yield
      }) : () -> ()
      "tpu.region"() ({
        %run_scoped3A = tpu.sem_alloc : memref<!tpu.dma_semaphore, #tpu.memory_space<semaphore_mem>>
        %dma_start3A_179 = arith.constant 6952 : i32
        %dma_start3A_180 = arith.constant 0 : i32
        %dma_start3A_181 = tpu.memref_slice %arg18[%dma_start3A_179, %dma_start3A_180] : memref<10112x16xf32, #tpu.memory_space<vmem_shared>> -> memref<632x16xf32, #tpu.memory_space<vmem_shared>>
        tpu.enqueue_dma source(%arg6 : memref<632x16xf32, #tpu.memory_space<hbm>>) target(%dma_start3A_181 : memref<632x16xf32, #tpu.memory_space<vmem_shared>>) target_semaphore(%run_scoped3A : memref<!tpu.dma_semaphore, #tpu.memory_space<semaphore_mem>>)
        %dma_wait3A = arith.constant 6952 : i32
        %dma_wait3A_182 = arith.constant 0 : i32
        %dma_wait3A_183 = tpu.memref_slice %arg18[%dma_wait3A, %dma_wait3A_182] : memref<10112x16xf32, #tpu.memory_space<vmem_shared>> -> memref<632x16xf32, #tpu.memory_space<vmem_shared>>
        tpu.wait_dma2 semaphore(%run_scoped3A : memref<!tpu.dma_semaphore, #tpu.memory_space<semaphore_mem>>) src(%arg6 : memref<632x16xf32, #tpu.memory_space<hbm>>) dst(%dma_wait3A_183 : memref<632x16xf32, #tpu.memory_space<vmem_shared>>)
        tpu.yield
      }) : () -> ()
    } else {
    }
    %eq3A_58 = arith.constant 12 : i32
    %eq3A_59 = arith.cmpi eq, %arg1, %eq3A_58 : i32
    %convert_element_type3A_60 = arith.extui %eq3A_59 : i1 to i32
    %cond3A_61 = arith.constant 0 : i32
    %cond3A_62 = arith.cmpi ne, %convert_element_type3A_60, %cond3A_61 : i32
    scf.if %cond3A_62 {
      "tpu.region"() ({
        %run_scoped3A = tpu.sem_alloc : memref<!tpu.dma_semaphore, #tpu.memory_space<semaphore_mem>>
        %dma_start3A_179 = arith.constant 7584 : i32
        %dma_start3A_180 = arith.constant 0 : i32
        %dma_start3A_181 = tpu.memref_slice %arg17[%dma_start3A_179, %dma_start3A_180] : memref<10112x128xf32, #tpu.memory_space<vmem_shared>> -> memref<632x128xf32, #tpu.memory_space<vmem_shared>>
        tpu.enqueue_dma source(%arg5 : memref<632x128xf32, #tpu.memory_space<hbm>>) target(%dma_start3A_181 : memref<632x128xf32, #tpu.memory_space<vmem_shared>>) target_semaphore(%run_scoped3A : memref<!tpu.dma_semaphore, #tpu.memory_space<semaphore_mem>>)
        %dma_wait3A = arith.constant 7584 : i32
        %dma_wait3A_182 = arith.constant 0 : i32
        %dma_wait3A_183 = tpu.memref_slice %arg17[%dma_wait3A, %dma_wait3A_182] : memref<10112x128xf32, #tpu.memory_space<vmem_shared>> -> memref<632x128xf32, #tpu.memory_space<vmem_shared>>
        tpu.wait_dma2 semaphore(%run_scoped3A : memref<!tpu.dma_semaphore, #tpu.memory_space<semaphore_mem>>) src(%arg5 : memref<632x128xf32, #tpu.memory_space<hbm>>) dst(%dma_wait3A_183 : memref<632x128xf32, #tpu.memory_space<vmem_shared>>)
        tpu.yield
      }) : () -> ()
      "tpu.region"() ({
        %run_scoped3A = tpu.sem_alloc : memref<!tpu.dma_semaphore, #tpu.memory_space<semaphore_mem>>
        %dma_start3A_179 = arith.constant 7584 : i32
        %dma_start3A_180 = arith.constant 0 : i32
        %dma_start3A_181 = tpu.memref_slice %arg18[%dma_start3A_179, %dma_start3A_180] : memref<10112x16xf32, #tpu.memory_space<vmem_shared>> -> memref<632x16xf32, #tpu.memory_space<vmem_shared>>
        tpu.enqueue_dma source(%arg6 : memref<632x16xf32, #tpu.memory_space<hbm>>) target(%dma_start3A_181 : memref<632x16xf32, #tpu.memory_space<vmem_shared>>) target_semaphore(%run_scoped3A : memref<!tpu.dma_semaphore, #tpu.memory_space<semaphore_mem>>)
        %dma_wait3A = arith.constant 7584 : i32
        %dma_wait3A_182 = arith.constant 0 : i32
        %dma_wait3A_183 = tpu.memref_slice %arg18[%dma_wait3A, %dma_wait3A_182] : memref<10112x16xf32, #tpu.memory_space<vmem_shared>> -> memref<632x16xf32, #tpu.memory_space<vmem_shared>>
        tpu.wait_dma2 semaphore(%run_scoped3A : memref<!tpu.dma_semaphore, #tpu.memory_space<semaphore_mem>>) src(%arg6 : memref<632x16xf32, #tpu.memory_space<hbm>>) dst(%dma_wait3A_183 : memref<632x16xf32, #tpu.memory_space<vmem_shared>>)
        tpu.yield
      }) : () -> ()
    } else {
    }
    %eq3A_63 = arith.constant 13 : i32
    %eq3A_64 = arith.cmpi eq, %arg1, %eq3A_63 : i32
    %convert_element_type3A_65 = arith.extui %eq3A_64 : i1 to i32
    %cond3A_66 = arith.constant 0 : i32
    %cond3A_67 = arith.cmpi ne, %convert_element_type3A_65, %cond3A_66 : i32
    scf.if %cond3A_67 {
      "tpu.region"() ({
        %run_scoped3A = tpu.sem_alloc : memref<!tpu.dma_semaphore, #tpu.memory_space<semaphore_mem>>
        %dma_start3A_179 = arith.constant 8216 : i32
        %dma_start3A_180 = arith.constant 0 : i32
        %dma_start3A_181 = tpu.memref_slice %arg17[%dma_start3A_179, %dma_start3A_180] : memref<10112x128xf32, #tpu.memory_space<vmem_shared>> -> memref<632x128xf32, #tpu.memory_space<vmem_shared>>
        tpu.enqueue_dma source(%arg5 : memref<632x128xf32, #tpu.memory_space<hbm>>) target(%dma_start3A_181 : memref<632x128xf32, #tpu.memory_space<vmem_shared>>) target_semaphore(%run_scoped3A : memref<!tpu.dma_semaphore, #tpu.memory_space<semaphore_mem>>)
        %dma_wait3A = arith.constant 8216 : i32
        %dma_wait3A_182 = arith.constant 0 : i32
        %dma_wait3A_183 = tpu.memref_slice %arg17[%dma_wait3A, %dma_wait3A_182] : memref<10112x128xf32, #tpu.memory_space<vmem_shared>> -> memref<632x128xf32, #tpu.memory_space<vmem_shared>>
        tpu.wait_dma2 semaphore(%run_scoped3A : memref<!tpu.dma_semaphore, #tpu.memory_space<semaphore_mem>>) src(%arg5 : memref<632x128xf32, #tpu.memory_space<hbm>>) dst(%dma_wait3A_183 : memref<632x128xf32, #tpu.memory_space<vmem_shared>>)
        tpu.yield
      }) : () -> ()
      "tpu.region"() ({
        %run_scoped3A = tpu.sem_alloc : memref<!tpu.dma_semaphore, #tpu.memory_space<semaphore_mem>>
        %dma_start3A_179 = arith.constant 8216 : i32
        %dma_start3A_180 = arith.constant 0 : i32
        %dma_start3A_181 = tpu.memref_slice %arg18[%dma_start3A_179, %dma_start3A_180] : memref<10112x16xf32, #tpu.memory_space<vmem_shared>> -> memref<632x16xf32, #tpu.memory_space<vmem_shared>>
        tpu.enqueue_dma source(%arg6 : memref<632x16xf32, #tpu.memory_space<hbm>>) target(%dma_start3A_181 : memref<632x16xf32, #tpu.memory_space<vmem_shared>>) target_semaphore(%run_scoped3A : memref<!tpu.dma_semaphore, #tpu.memory_space<semaphore_mem>>)
        %dma_wait3A = arith.constant 8216 : i32
        %dma_wait3A_182 = arith.constant 0 : i32
        %dma_wait3A_183 = tpu.memref_slice %arg18[%dma_wait3A, %dma_wait3A_182] : memref<10112x16xf32, #tpu.memory_space<vmem_shared>> -> memref<632x16xf32, #tpu.memory_space<vmem_shared>>
        tpu.wait_dma2 semaphore(%run_scoped3A : memref<!tpu.dma_semaphore, #tpu.memory_space<semaphore_mem>>) src(%arg6 : memref<632x16xf32, #tpu.memory_space<hbm>>) dst(%dma_wait3A_183 : memref<632x16xf32, #tpu.memory_space<vmem_shared>>)
        tpu.yield
      }) : () -> ()
    } else {
    }
    %eq3A_68 = arith.constant 14 : i32
    %eq3A_69 = arith.cmpi eq, %arg1, %eq3A_68 : i32
    %convert_element_type3A_70 = arith.extui %eq3A_69 : i1 to i32
    %cond3A_71 = arith.constant 0 : i32
    %cond3A_72 = arith.cmpi ne, %convert_element_type3A_70, %cond3A_71 : i32
    scf.if %cond3A_72 {
      "tpu.region"() ({
        %run_scoped3A = tpu.sem_alloc : memref<!tpu.dma_semaphore, #tpu.memory_space<semaphore_mem>>
        %dma_start3A_179 = arith.constant 8848 : i32
        %dma_start3A_180 = arith.constant 0 : i32
        %dma_start3A_181 = tpu.memref_slice %arg17[%dma_start3A_179, %dma_start3A_180] : memref<10112x128xf32, #tpu.memory_space<vmem_shared>> -> memref<632x128xf32, #tpu.memory_space<vmem_shared>>
        tpu.enqueue_dma source(%arg5 : memref<632x128xf32, #tpu.memory_space<hbm>>) target(%dma_start3A_181 : memref<632x128xf32, #tpu.memory_space<vmem_shared>>) target_semaphore(%run_scoped3A : memref<!tpu.dma_semaphore, #tpu.memory_space<semaphore_mem>>)
        %dma_wait3A = arith.constant 8848 : i32
        %dma_wait3A_182 = arith.constant 0 : i32
        %dma_wait3A_183 = tpu.memref_slice %arg17[%dma_wait3A, %dma_wait3A_182] : memref<10112x128xf32, #tpu.memory_space<vmem_shared>> -> memref<632x128xf32, #tpu.memory_space<vmem_shared>>
        tpu.wait_dma2 semaphore(%run_scoped3A : memref<!tpu.dma_semaphore, #tpu.memory_space<semaphore_mem>>) src(%arg5 : memref<632x128xf32, #tpu.memory_space<hbm>>) dst(%dma_wait3A_183 : memref<632x128xf32, #tpu.memory_space<vmem_shared>>)
        tpu.yield
      }) : () -> ()
      "tpu.region"() ({
        %run_scoped3A = tpu.sem_alloc : memref<!tpu.dma_semaphore, #tpu.memory_space<semaphore_mem>>
        %dma_start3A_179 = arith.constant 8848 : i32
        %dma_start3A_180 = arith.constant 0 : i32
        %dma_start3A_181 = tpu.memref_slice %arg18[%dma_start3A_179, %dma_start3A_180] : memref<10112x16xf32, #tpu.memory_space<vmem_shared>> -> memref<632x16xf32, #tpu.memory_space<vmem_shared>>
        tpu.enqueue_dma source(%arg6 : memref<632x16xf32, #tpu.memory_space<hbm>>) target(%dma_start3A_181 : memref<632x16xf32, #tpu.memory_space<vmem_shared>>) target_semaphore(%run_scoped3A : memref<!tpu.dma_semaphore, #tpu.memory_space<semaphore_mem>>)
        %dma_wait3A = arith.constant 8848 : i32
        %dma_wait3A_182 = arith.constant 0 : i32
        %dma_wait3A_183 = tpu.memref_slice %arg18[%dma_wait3A, %dma_wait3A_182] : memref<10112x16xf32, #tpu.memory_space<vmem_shared>> -> memref<632x16xf32, #tpu.memory_space<vmem_shared>>
        tpu.wait_dma2 semaphore(%run_scoped3A : memref<!tpu.dma_semaphore, #tpu.memory_space<semaphore_mem>>) src(%arg6 : memref<632x16xf32, #tpu.memory_space<hbm>>) dst(%dma_wait3A_183 : memref<632x16xf32, #tpu.memory_space<vmem_shared>>)
        tpu.yield
      }) : () -> ()
    } else {
    }
    %eq3A_73 = arith.constant 15 : i32
    %eq3A_74 = arith.cmpi eq, %arg1, %eq3A_73 : i32
    %convert_element_type3A_75 = arith.extui %eq3A_74 : i1 to i32
    %cond3A_76 = arith.constant 0 : i32
    %cond3A_77 = arith.cmpi ne, %convert_element_type3A_75, %cond3A_76 : i32
    scf.if %cond3A_77 {
      "tpu.region"() ({
        %run_scoped3A = tpu.sem_alloc : memref<!tpu.dma_semaphore, #tpu.memory_space<semaphore_mem>>
        %dma_start3A_179 = arith.constant 9480 : i32
        %dma_start3A_180 = arith.constant 0 : i32
        %dma_start3A_181 = tpu.memref_slice %arg17[%dma_start3A_179, %dma_start3A_180] : memref<10112x128xf32, #tpu.memory_space<vmem_shared>> -> memref<632x128xf32, #tpu.memory_space<vmem_shared>>
        tpu.enqueue_dma source(%arg5 : memref<632x128xf32, #tpu.memory_space<hbm>>) target(%dma_start3A_181 : memref<632x128xf32, #tpu.memory_space<vmem_shared>>) target_semaphore(%run_scoped3A : memref<!tpu.dma_semaphore, #tpu.memory_space<semaphore_mem>>)
        %dma_wait3A = arith.constant 9480 : i32
        %dma_wait3A_182 = arith.constant 0 : i32
        %dma_wait3A_183 = tpu.memref_slice %arg17[%dma_wait3A, %dma_wait3A_182] : memref<10112x128xf32, #tpu.memory_space<vmem_shared>> -> memref<632x128xf32, #tpu.memory_space<vmem_shared>>
        tpu.wait_dma2 semaphore(%run_scoped3A : memref<!tpu.dma_semaphore, #tpu.memory_space<semaphore_mem>>) src(%arg5 : memref<632x128xf32, #tpu.memory_space<hbm>>) dst(%dma_wait3A_183 : memref<632x128xf32, #tpu.memory_space<vmem_shared>>)
        tpu.yield
      }) : () -> ()
      "tpu.region"() ({
        %run_scoped3A = tpu.sem_alloc : memref<!tpu.dma_semaphore, #tpu.memory_space<semaphore_mem>>
        %dma_start3A_179 = arith.constant 9480 : i32
        %dma_start3A_180 = arith.constant 0 : i32
        %dma_start3A_181 = tpu.memref_slice %arg18[%dma_start3A_179, %dma_start3A_180] : memref<10112x16xf32, #tpu.memory_space<vmem_shared>> -> memref<632x16xf32, #tpu.memory_space<vmem_shared>>
        tpu.enqueue_dma source(%arg6 : memref<632x16xf32, #tpu.memory_space<hbm>>) target(%dma_start3A_181 : memref<632x16xf32, #tpu.memory_space<vmem_shared>>) target_semaphore(%run_scoped3A : memref<!tpu.dma_semaphore, #tpu.memory_space<semaphore_mem>>)
        %dma_wait3A = arith.constant 9480 : i32
        %dma_wait3A_182 = arith.constant 0 : i32
        %dma_wait3A_183 = tpu.memref_slice %arg18[%dma_wait3A, %dma_wait3A_182] : memref<10112x16xf32, #tpu.memory_space<vmem_shared>> -> memref<632x16xf32, #tpu.memory_space<vmem_shared>>
        tpu.wait_dma2 semaphore(%run_scoped3A : memref<!tpu.dma_semaphore, #tpu.memory_space<semaphore_mem>>) src(%arg6 : memref<632x16xf32, #tpu.memory_space<hbm>>) dst(%dma_wait3A_183 : memref<632x16xf32, #tpu.memory_space<vmem_shared>>)
        tpu.yield
      }) : () -> ()
    } else {
    }
    %barrier3A = arith.constant 0 : index
    tpu.barrier barrier_id(%barrier3A)
    %mul3A_78 = arith.constant 250 : i32
    %mul3A_79 = arith.muli %add3A, %mul3A_78 : i32
    "tpu.region"() ({
      %run_scoped3A = tpu.sem_alloc : memref<!tpu.dma_semaphore, #tpu.memory_space<semaphore_mem>>
      %dma_start3A_179 = arith.constant 0 : i32
      %dma_start3A_180 = arith.constant 0 : i32
      %dma_start3A_181 = tpu.memref_slice %arg2[%mul3A_79, %dma_start3A_179, %dma_start3A_180] : memref<8000x3x40xi32, #tpu.memory_space<hbm>> -> memref<1x3x40xi32, #tpu.memory_space<hbm>>
      %dma_start3A_182 = tpu.memref_squeeze %dma_start3A_181 : memref<1x3x40xi32, #tpu.memory_space<hbm>> -> memref<3x40xi32, #tpu.memory_space<hbm>>
      %dma_start3A_183 = arith.constant 0 : i32
      %dma_start3A_184 = arith.constant 0 : i32
      %dma_start3A_185 = tpu.memref_slice %arg2[%mul3A_79, %dma_start3A_183, %dma_start3A_184] : memref<8000x3x40xi32, #tpu.memory_space<hbm>> -> memref<1x3x40xi32, #tpu.memory_space<hbm>>
      %dma_start3A_186 = tpu.memref_squeeze %dma_start3A_185 : memref<1x3x40xi32, #tpu.memory_space<hbm>> -> memref<3x40xi32, #tpu.memory_space<hbm>>
      tpu.enqueue_dma source(%dma_start3A_186 : memref<3x40xi32, #tpu.memory_space<hbm>>) target(%arg10 : memref<3x40xi32, #tpu.memory_space<vmem>>) target_semaphore(%run_scoped3A : memref<!tpu.dma_semaphore, #tpu.memory_space<semaphore_mem>>)
      %dma_wait3A = arith.constant 0 : i32
      %dma_wait3A_187 = arith.constant 0 : i32
      %dma_wait3A_188 = tpu.memref_slice %arg2[%mul3A_79, %dma_wait3A, %dma_wait3A_187] : memref<8000x3x40xi32, #tpu.memory_space<hbm>> -> memref<1x3x40xi32, #tpu.memory_space<hbm>>
      %dma_wait3A_189 = tpu.memref_squeeze %dma_wait3A_188 : memref<1x3x40xi32, #tpu.memory_space<hbm>> -> memref<3x40xi32, #tpu.memory_space<hbm>>
      %dma_wait3A_190 = arith.constant 0 : i32
      %dma_wait3A_191 = arith.constant 0 : i32
      %dma_wait3A_192 = tpu.memref_slice %arg2[%mul3A_79, %dma_wait3A_190, %dma_wait3A_191] : memref<8000x3x40xi32, #tpu.memory_space<hbm>> -> memref<1x3x40xi32, #tpu.memory_space<hbm>>
      %dma_wait3A_193 = tpu.memref_squeeze %dma_wait3A_192 : memref<1x3x40xi32, #tpu.memory_space<hbm>> -> memref<3x40xi32, #tpu.memory_space<hbm>>
      tpu.wait_dma2 semaphore(%run_scoped3A : memref<!tpu.dma_semaphore, #tpu.memory_space<semaphore_mem>>) src(%dma_wait3A_193 : memref<3x40xi32, #tpu.memory_space<hbm>>) dst(%arg10 : memref<3x40xi32, #tpu.memory_space<vmem>>)
      tpu.yield
    }) : () -> ()
    %dma_start3A = arith.constant 0 : i32
    %dma_start3A_80 = arith.constant 0 : i32
    %dma_start3A_81 = tpu.memref_slice %arg10[%dma_start3A, %dma_start3A_80] : memref<3x40xi32, #tpu.memory_space<vmem>> -> memref<1x40xi32, #tpu.memory_space<vmem>>
    %dma_start3A_82 = tpu.memref_squeeze %dma_start3A_81 : memref<1x40xi32, #tpu.memory_space<vmem>> -> memref<40xi32, #tpu.memory_space<vmem>>
    %dma_start3A_83 = arith.constant 0 : i32
    %dma_start3A_84 = arith.constant 0 : i32
    %dma_start3A_85 = tpu.memref_slice %arg3[%dma_start3A_83, %dma_start3A_84] : memref<10000x128xf32, #tpu.memory_space<hbm>> -> memref<10000x128xf32, #tpu.memory_space<hbm>>
    tpu.enqueue_indirect_dma source(%dma_start3A_85 : memref<10000x128xf32, #tpu.memory_space<hbm>>) target(%arg12 : memref<40x128xf32, #tpu.memory_space<vmem>>) offsets(%dma_start3A_82 : memref<40xi32, #tpu.memory_space<vmem>>) semaphore(%arg19 : memref<!tpu.dma_semaphore, #tpu.memory_space<semaphore_mem>>)
    %dma_start3A_86 = arith.constant 1 : i32
    %dma_start3A_87 = arith.constant 0 : i32
    %dma_start3A_88 = tpu.memref_slice %arg10[%dma_start3A_86, %dma_start3A_87] : memref<3x40xi32, #tpu.memory_space<vmem>> -> memref<1x40xi32, #tpu.memory_space<vmem>>
    %dma_start3A_89 = tpu.memref_squeeze %dma_start3A_88 : memref<1x40xi32, #tpu.memory_space<vmem>> -> memref<40xi32, #tpu.memory_space<vmem>>
    %dma_start3A_90 = arith.constant 0 : i32
    %dma_start3A_91 = arith.constant 0 : i32
    %dma_start3A_92 = tpu.memref_slice %arg4[%dma_start3A_90, %dma_start3A_91] : memref<320000x128xf32, #tpu.memory_space<hbm>> -> memref<320000x128xf32, #tpu.memory_space<hbm>>
    tpu.enqueue_indirect_dma source(%dma_start3A_92 : memref<320000x128xf32, #tpu.memory_space<hbm>>) target(%arg13 : memref<40x128xf32, #tpu.memory_space<vmem>>) offsets(%dma_start3A_89 : memref<40xi32, #tpu.memory_space<vmem>>) semaphore(%arg20 : memref<!tpu.dma_semaphore, #tpu.memory_space<semaphore_mem>>)
    %scan3A = arith.constant 0 : i32
    %scan3A_93 = arith.constant 0 : i32
    %scan3A_94 = arith.constant 125 : i32
    %scan3A_95 = arith.addi %scan3A_93, %scan3A_94 : i32
    %scan3A_96 = arith.constant 1 : i32
    scf.for %scan3A_179 = %scan3A_93 to %scan3A_95 step %scan3A_96  : i32 {
      %mul3A_180 = arith.constant 2 : i32
      %mul3A_181 = arith.muli %mul3A_180, %scan3A_179 : i32
      %add3A_182 = arith.addi %mul3A_79, %mul3A_181 : i32
      %add3A_183 = arith.constant 1 : i32
      %add3A_184 = arith.addi %add3A_182, %add3A_183 : i32
      "tpu.region"() ({
        %run_scoped3A_237 = tpu.sem_alloc : memref<!tpu.dma_semaphore, #tpu.memory_space<semaphore_mem>>
        %dma_start3A_238 = arith.constant 0 : i32
        %dma_start3A_239 = arith.constant 0 : i32
        %dma_start3A_240 = tpu.memref_slice %arg2[%add3A_184, %dma_start3A_238, %dma_start3A_239] : memref<8000x3x40xi32, #tpu.memory_space<hbm>> -> memref<1x3x40xi32, #tpu.memory_space<hbm>>
        %dma_start3A_241 = tpu.memref_squeeze %dma_start3A_240 : memref<1x3x40xi32, #tpu.memory_space<hbm>> -> memref<3x40xi32, #tpu.memory_space<hbm>>
        %dma_start3A_242 = arith.constant 0 : i32
        %dma_start3A_243 = arith.constant 0 : i32
        %dma_start3A_244 = tpu.memref_slice %arg2[%add3A_184, %dma_start3A_242, %dma_start3A_243] : memref<8000x3x40xi32, #tpu.memory_space<hbm>> -> memref<1x3x40xi32, #tpu.memory_space<hbm>>
        %dma_start3A_245 = tpu.memref_squeeze %dma_start3A_244 : memref<1x3x40xi32, #tpu.memory_space<hbm>> -> memref<3x40xi32, #tpu.memory_space<hbm>>
        tpu.enqueue_dma source(%dma_start3A_245 : memref<3x40xi32, #tpu.memory_space<hbm>>) target(%arg11 : memref<3x40xi32, #tpu.memory_space<vmem>>) target_semaphore(%run_scoped3A_237 : memref<!tpu.dma_semaphore, #tpu.memory_space<semaphore_mem>>)
        %dma_wait3A_246 = arith.constant 0 : i32
        %dma_wait3A_247 = arith.constant 0 : i32
        %dma_wait3A_248 = tpu.memref_slice %arg2[%add3A_184, %dma_wait3A_246, %dma_wait3A_247] : memref<8000x3x40xi32, #tpu.memory_space<hbm>> -> memref<1x3x40xi32, #tpu.memory_space<hbm>>
        %dma_wait3A_249 = tpu.memref_squeeze %dma_wait3A_248 : memref<1x3x40xi32, #tpu.memory_space<hbm>> -> memref<3x40xi32, #tpu.memory_space<hbm>>
        %dma_wait3A_250 = arith.constant 0 : i32
        %dma_wait3A_251 = arith.constant 0 : i32
        %dma_wait3A_252 = tpu.memref_slice %arg2[%add3A_184, %dma_wait3A_250, %dma_wait3A_251] : memref<8000x3x40xi32, #tpu.memory_space<hbm>> -> memref<1x3x40xi32, #tpu.memory_space<hbm>>
        %dma_wait3A_253 = tpu.memref_squeeze %dma_wait3A_252 : memref<1x3x40xi32, #tpu.memory_space<hbm>> -> memref<3x40xi32, #tpu.memory_space<hbm>>
        tpu.wait_dma2 semaphore(%run_scoped3A_237 : memref<!tpu.dma_semaphore, #tpu.memory_space<semaphore_mem>>) src(%dma_wait3A_253 : memref<3x40xi32, #tpu.memory_space<hbm>>) dst(%arg11 : memref<3x40xi32, #tpu.memory_space<vmem>>)
        tpu.yield
      }) : () -> ()
      %dma_start3A_185 = arith.constant 0 : i32
      %dma_start3A_186 = arith.constant 0 : i32
      %dma_start3A_187 = tpu.memref_slice %arg11[%dma_start3A_185, %dma_start3A_186] : memref<3x40xi32, #tpu.memory_space<vmem>> -> memref<1x40xi32, #tpu.memory_space<vmem>>
      %dma_start3A_188 = tpu.memref_squeeze %dma_start3A_187 : memref<1x40xi32, #tpu.memory_space<vmem>> -> memref<40xi32, #tpu.memory_space<vmem>>
      %dma_start3A_189 = arith.constant 0 : i32
      %dma_start3A_190 = arith.constant 0 : i32
      %dma_start3A_191 = tpu.memref_slice %arg3[%dma_start3A_189, %dma_start3A_190] : memref<10000x128xf32, #tpu.memory_space<hbm>> -> memref<10000x128xf32, #tpu.memory_space<hbm>>
      tpu.enqueue_indirect_dma source(%dma_start3A_191 : memref<10000x128xf32, #tpu.memory_space<hbm>>) target(%arg14 : memref<40x128xf32, #tpu.memory_space<vmem>>) offsets(%dma_start3A_188 : memref<40xi32, #tpu.memory_space<vmem>>) semaphore(%arg21 : memref<!tpu.dma_semaphore, #tpu.memory_space<semaphore_mem>>)
      %dma_start3A_192 = arith.constant 1 : i32
      %dma_start3A_193 = arith.constant 0 : i32
      %dma_start3A_194 = tpu.memref_slice %arg11[%dma_start3A_192, %dma_start3A_193] : memref<3x40xi32, #tpu.memory_space<vmem>> -> memref<1x40xi32, #tpu.memory_space<vmem>>
      %dma_start3A_195 = tpu.memref_squeeze %dma_start3A_194 : memref<1x40xi32, #tpu.memory_space<vmem>> -> memref<40xi32, #tpu.memory_space<vmem>>
      %dma_start3A_196 = arith.constant 0 : i32
      %dma_start3A_197 = arith.constant 0 : i32
      %dma_start3A_198 = tpu.memref_slice %arg4[%dma_start3A_196, %dma_start3A_197] : memref<320000x128xf32, #tpu.memory_space<hbm>> -> memref<320000x128xf32, #tpu.memory_space<hbm>>
      tpu.enqueue_indirect_dma source(%dma_start3A_198 : memref<320000x128xf32, #tpu.memory_space<hbm>>) target(%arg15 : memref<40x128xf32, #tpu.memory_space<vmem>>) offsets(%dma_start3A_195 : memref<40xi32, #tpu.memory_space<vmem>>) semaphore(%arg22 : memref<!tpu.dma_semaphore, #tpu.memory_space<semaphore_mem>>)
      %dma_wait3A = arith.constant 0 : i32
      %dma_wait3A_199 = arith.constant 0 : i32
      %dma_wait3A_200 = tpu.memref_slice %arg10[%dma_wait3A, %dma_wait3A_199] : memref<3x40xi32, #tpu.memory_space<vmem>> -> memref<1x40xi32, #tpu.memory_space<vmem>>
      %dma_wait3A_201 = tpu.memref_squeeze %dma_wait3A_200 : memref<1x40xi32, #tpu.memory_space<vmem>> -> memref<40xi32, #tpu.memory_space<vmem>>
      %dma_wait3A_202 = arith.constant 0 : i32
      %dma_wait3A_203 = arith.constant 0 : i32
      %dma_wait3A_204 = tpu.memref_slice %arg3[%dma_wait3A_202, %dma_wait3A_203] : memref<10000x128xf32, #tpu.memory_space<hbm>> -> memref<10000x128xf32, #tpu.memory_space<hbm>>
      tpu.wait_indirect_dma semaphore(%arg19 : memref<!tpu.dma_semaphore, #tpu.memory_space<semaphore_mem>>) src(%dma_wait3A_204 : memref<10000x128xf32, #tpu.memory_space<hbm>>) dst(%arg12 : memref<40x128xf32, #tpu.memory_space<vmem>>)
      %run_scoped3A = arith.constant 2 : i32
      "tpu.region"() ({
        %run_scoped3A_237 = tpu.sem_alloc : memref<!tpu.dma_semaphore, #tpu.memory_space<semaphore_mem>>
        %dma_start3A_238 = arith.constant 0 : i32
        %dma_start3A_239 = tpu.memref_slice %arg10[%run_scoped3A, %dma_start3A_238] : memref<3x40xi32, #tpu.memory_space<vmem>> -> memref<1x40xi32, #tpu.memory_space<vmem>>
        %dma_start3A_240 = tpu.memref_squeeze %dma_start3A_239 : memref<1x40xi32, #tpu.memory_space<vmem>> -> memref<40xi32, #tpu.memory_space<vmem>>
        %dma_start3A_241 = arith.constant 0 : i32
        %dma_start3A_242 = arith.constant 0 : i32
        %dma_start3A_243 = tpu.memref_slice %arg17[%dma_start3A_241, %dma_start3A_242] : memref<10112x128xf32, #tpu.memory_space<vmem_shared>> -> memref<10112x128xf32, #tpu.memory_space<vmem_shared>>
        tpu.enqueue_indirect_dma source(%arg12 : memref<40x128xf32, #tpu.memory_space<vmem>>) target(%dma_start3A_243 : memref<10112x128xf32, #tpu.memory_space<vmem_shared>>) offsets(%dma_start3A_240 : memref<40xi32, #tpu.memory_space<vmem>>) semaphore(%run_scoped3A_237 : memref<!tpu.dma_semaphore, #tpu.memory_space<semaphore_mem>>) {add = true}
        %dma_wait3A_244 = arith.constant 0 : i32
        %dma_wait3A_245 = tpu.memref_slice %arg10[%run_scoped3A, %dma_wait3A_244] : memref<3x40xi32, #tpu.memory_space<vmem>> -> memref<1x40xi32, #tpu.memory_space<vmem>>
        %dma_wait3A_246 = tpu.memref_squeeze %dma_wait3A_245 : memref<1x40xi32, #tpu.memory_space<vmem>> -> memref<40xi32, #tpu.memory_space<vmem>>
        %dma_wait3A_247 = arith.constant 0 : i32
        %dma_wait3A_248 = arith.constant 0 : i32
        %dma_wait3A_249 = tpu.memref_slice %arg17[%dma_wait3A_247, %dma_wait3A_248] : memref<10112x128xf32, #tpu.memory_space<vmem_shared>> -> memref<10112x128xf32, #tpu.memory_space<vmem_shared>>
        tpu.wait_indirect_dma semaphore(%run_scoped3A_237 : memref<!tpu.dma_semaphore, #tpu.memory_space<semaphore_mem>>) src(%arg12 : memref<40x128xf32, #tpu.memory_space<vmem>>) dst(%dma_wait3A_249 : memref<10112x128xf32, #tpu.memory_space<vmem_shared>>)
        tpu.yield
      }) : () -> ()
      %dma_wait3A_205 = arith.constant 1 : i32
      %dma_wait3A_206 = arith.constant 0 : i32
      %dma_wait3A_207 = tpu.memref_slice %arg10[%dma_wait3A_205, %dma_wait3A_206] : memref<3x40xi32, #tpu.memory_space<vmem>> -> memref<1x40xi32, #tpu.memory_space<vmem>>
      %dma_wait3A_208 = tpu.memref_squeeze %dma_wait3A_207 : memref<1x40xi32, #tpu.memory_space<vmem>> -> memref<40xi32, #tpu.memory_space<vmem>>
      %dma_wait3A_209 = arith.constant 0 : i32
      %dma_wait3A_210 = arith.constant 0 : i32
      %dma_wait3A_211 = tpu.memref_slice %arg4[%dma_wait3A_209, %dma_wait3A_210] : memref<320000x128xf32, #tpu.memory_space<hbm>> -> memref<320000x128xf32, #tpu.memory_space<hbm>>
      tpu.wait_indirect_dma semaphore(%arg20 : memref<!tpu.dma_semaphore, #tpu.memory_space<semaphore_mem>>) src(%dma_wait3A_211 : memref<320000x128xf32, #tpu.memory_space<hbm>>) dst(%arg13 : memref<40x128xf32, #tpu.memory_space<vmem>>)
      %run_scoped3A_212 = arith.constant 2 : i32
      "tpu.region"() ({
        %run_scoped3A_237 = tpu.sem_alloc : memref<!tpu.dma_semaphore, #tpu.memory_space<semaphore_mem>>
        %dma_start3A_238 = arith.constant 0 : i32
        %dma_start3A_239 = tpu.memref_slice %arg10[%run_scoped3A_212, %dma_start3A_238] : memref<3x40xi32, #tpu.memory_space<vmem>> -> memref<1x40xi32, #tpu.memory_space<vmem>>
        %dma_start3A_240 = tpu.memref_squeeze %dma_start3A_239 : memref<1x40xi32, #tpu.memory_space<vmem>> -> memref<40xi32, #tpu.memory_space<vmem>>
        %dma_start3A_241 = arith.constant 0 : i32
        %dma_start3A_242 = arith.constant 0 : i32
        %dma_start3A_243 = tpu.memref_slice %arg17[%dma_start3A_241, %dma_start3A_242] : memref<10112x128xf32, #tpu.memory_space<vmem_shared>> -> memref<10112x128xf32, #tpu.memory_space<vmem_shared>>
        tpu.enqueue_indirect_dma source(%arg13 : memref<40x128xf32, #tpu.memory_space<vmem>>) target(%dma_start3A_243 : memref<10112x128xf32, #tpu.memory_space<vmem_shared>>) offsets(%dma_start3A_240 : memref<40xi32, #tpu.memory_space<vmem>>) semaphore(%run_scoped3A_237 : memref<!tpu.dma_semaphore, #tpu.memory_space<semaphore_mem>>) {add = true}
        %dma_wait3A_244 = arith.constant 0 : i32
        %dma_wait3A_245 = tpu.memref_slice %arg10[%run_scoped3A_212, %dma_wait3A_244] : memref<3x40xi32, #tpu.memory_space<vmem>> -> memref<1x40xi32, #tpu.memory_space<vmem>>
        %dma_wait3A_246 = tpu.memref_squeeze %dma_wait3A_245 : memref<1x40xi32, #tpu.memory_space<vmem>> -> memref<40xi32, #tpu.memory_space<vmem>>
        %dma_wait3A_247 = arith.constant 0 : i32
        %dma_wait3A_248 = arith.constant 0 : i32
        %dma_wait3A_249 = tpu.memref_slice %arg17[%dma_wait3A_247, %dma_wait3A_248] : memref<10112x128xf32, #tpu.memory_space<vmem_shared>> -> memref<10112x128xf32, #tpu.memory_space<vmem_shared>>
        tpu.wait_indirect_dma semaphore(%run_scoped3A_237 : memref<!tpu.dma_semaphore, #tpu.memory_space<semaphore_mem>>) src(%arg13 : memref<40x128xf32, #tpu.memory_space<vmem>>) dst(%dma_wait3A_249 : memref<10112x128xf32, #tpu.memory_space<vmem_shared>>)
        tpu.yield
      }) : () -> ()
      %run_scoped3A_213 = arith.constant 2 : i32
      "tpu.region"() ({
        %run_scoped3A_237 = tpu.sem_alloc : memref<!tpu.dma_semaphore, #tpu.memory_space<semaphore_mem>>
        %dma_start3A_238 = arith.constant 0 : i32
        %dma_start3A_239 = tpu.memref_slice %arg10[%run_scoped3A_213, %dma_start3A_238] : memref<3x40xi32, #tpu.memory_space<vmem>> -> memref<1x40xi32, #tpu.memory_space<vmem>>
        %dma_start3A_240 = tpu.memref_squeeze %dma_start3A_239 : memref<1x40xi32, #tpu.memory_space<vmem>> -> memref<40xi32, #tpu.memory_space<vmem>>
        %dma_start3A_241 = arith.constant 0 : i32
        %dma_start3A_242 = arith.constant 0 : i32
        %dma_start3A_243 = tpu.memref_slice %arg18[%dma_start3A_241, %dma_start3A_242] : memref<10112x16xf32, #tpu.memory_space<vmem_shared>> -> memref<10112x16xf32, #tpu.memory_space<vmem_shared>>
        tpu.enqueue_indirect_dma source(%arg16 : memref<40x16xf32, #tpu.memory_space<vmem>>) target(%dma_start3A_243 : memref<10112x16xf32, #tpu.memory_space<vmem_shared>>) offsets(%dma_start3A_240 : memref<40xi32, #tpu.memory_space<vmem>>) semaphore(%run_scoped3A_237 : memref<!tpu.dma_semaphore, #tpu.memory_space<semaphore_mem>>) {add = true}
        %dma_wait3A_244 = arith.constant 0 : i32
        %dma_wait3A_245 = tpu.memref_slice %arg10[%run_scoped3A_213, %dma_wait3A_244] : memref<3x40xi32, #tpu.memory_space<vmem>> -> memref<1x40xi32, #tpu.memory_space<vmem>>
        %dma_wait3A_246 = tpu.memref_squeeze %dma_wait3A_245 : memref<1x40xi32, #tpu.memory_space<vmem>> -> memref<40xi32, #tpu.memory_space<vmem>>
        %dma_wait3A_247 = arith.constant 0 : i32
        %dma_wait3A_248 = arith.constant 0 : i32
        %dma_wait3A_249 = tpu.memref_slice %arg18[%dma_wait3A_247, %dma_wait3A_248] : memref<10112x16xf32, #tpu.memory_space<vmem_shared>> -> memref<10112x16xf32, #tpu.memory_space<vmem_shared>>
        tpu.wait_indirect_dma semaphore(%run_scoped3A_237 : memref<!tpu.dma_semaphore, #tpu.memory_space<semaphore_mem>>) src(%arg16 : memref<40x16xf32, #tpu.memory_space<vmem>>) dst(%dma_wait3A_249 : memref<10112x16xf32, #tpu.memory_space<vmem_shared>>)
        tpu.yield
      }) : () -> ()
      %add3A_214 = arith.constant 1 : i32
      %add3A_215 = arith.addi %scan3A_179, %add3A_214 : i32
      %lt3A = arith.constant 125 : i32
      %lt3A_216 = arith.cmpi slt, %add3A_215, %lt3A : i32
      %convert_element_type3A_217 = arith.extui %lt3A_216 : i1 to i32
      %cond3A_218 = arith.constant 0 : i32
      %cond3A_219 = arith.cmpi ne, %convert_element_type3A_217, %cond3A_218 : i32
      scf.if %cond3A_219 {
        %add3A_237 = arith.constant 2 : i32
        %add3A_238 = arith.addi %add3A_182, %add3A_237 : i32
        "tpu.region"() ({
          %run_scoped3A_253 = tpu.sem_alloc : memref<!tpu.dma_semaphore, #tpu.memory_space<semaphore_mem>>
          %dma_start3A_254 = arith.constant 0 : i32
          %dma_start3A_255 = arith.constant 0 : i32
          %dma_start3A_256 = tpu.memref_slice %arg2[%add3A_238, %dma_start3A_254, %dma_start3A_255] : memref<8000x3x40xi32, #tpu.memory_space<hbm>> -> memref<1x3x40xi32, #tpu.memory_space<hbm>>
          %dma_start3A_257 = tpu.memref_squeeze %dma_start3A_256 : memref<1x3x40xi32, #tpu.memory_space<hbm>> -> memref<3x40xi32, #tpu.memory_space<hbm>>
          %dma_start3A_258 = arith.constant 0 : i32
          %dma_start3A_259 = arith.constant 0 : i32
          %dma_start3A_260 = tpu.memref_slice %arg2[%add3A_238, %dma_start3A_258, %dma_start3A_259] : memref<8000x3x40xi32, #tpu.memory_space<hbm>> -> memref<1x3x40xi32, #tpu.memory_space<hbm>>
          %dma_start3A_261 = tpu.memref_squeeze %dma_start3A_260 : memref<1x3x40xi32, #tpu.memory_space<hbm>> -> memref<3x40xi32, #tpu.memory_space<hbm>>
          tpu.enqueue_dma source(%dma_start3A_261 : memref<3x40xi32, #tpu.memory_space<hbm>>) target(%arg10 : memref<3x40xi32, #tpu.memory_space<vmem>>) target_semaphore(%run_scoped3A_253 : memref<!tpu.dma_semaphore, #tpu.memory_space<semaphore_mem>>)
          %dma_wait3A_262 = arith.constant 0 : i32
          %dma_wait3A_263 = arith.constant 0 : i32
          %dma_wait3A_264 = tpu.memref_slice %arg2[%add3A_238, %dma_wait3A_262, %dma_wait3A_263] : memref<8000x3x40xi32, #tpu.memory_space<hbm>> -> memref<1x3x40xi32, #tpu.memory_space<hbm>>
          %dma_wait3A_265 = tpu.memref_squeeze %dma_wait3A_264 : memref<1x3x40xi32, #tpu.memory_space<hbm>> -> memref<3x40xi32, #tpu.memory_space<hbm>>
          %dma_wait3A_266 = arith.constant 0 : i32
          %dma_wait3A_267 = arith.constant 0 : i32
          %dma_wait3A_268 = tpu.memref_slice %arg2[%add3A_238, %dma_wait3A_266, %dma_wait3A_267] : memref<8000x3x40xi32, #tpu.memory_space<hbm>> -> memref<1x3x40xi32, #tpu.memory_space<hbm>>
          %dma_wait3A_269 = tpu.memref_squeeze %dma_wait3A_268 : memref<1x3x40xi32, #tpu.memory_space<hbm>> -> memref<3x40xi32, #tpu.memory_space<hbm>>
          tpu.wait_dma2 semaphore(%run_scoped3A_253 : memref<!tpu.dma_semaphore, #tpu.memory_space<semaphore_mem>>) src(%dma_wait3A_269 : memref<3x40xi32, #tpu.memory_space<hbm>>) dst(%arg10 : memref<3x40xi32, #tpu.memory_space<vmem>>)
          tpu.yield
        }) : () -> ()
        %dma_start3A_239 = arith.constant 0 : i32
        %dma_start3A_240 = arith.constant 0 : i32
        %dma_start3A_241 = tpu.memref_slice %arg10[%dma_start3A_239, %dma_start3A_240] : memref<3x40xi32, #tpu.memory_space<vmem>> -> memref<1x40xi32, #tpu.memory_space<vmem>>
        %dma_start3A_242 = tpu.memref_squeeze %dma_start3A_241 : memref<1x40xi32, #tpu.memory_space<vmem>> -> memref<40xi32, #tpu.memory_space<vmem>>
        %dma_start3A_243 = arith.constant 0 : i32
        %dma_start3A_244 = arith.constant 0 : i32
        %dma_start3A_245 = tpu.memref_slice %arg3[%dma_start3A_243, %dma_start3A_244] : memref<10000x128xf32, #tpu.memory_space<hbm>> -> memref<10000x128xf32, #tpu.memory_space<hbm>>
        tpu.enqueue_indirect_dma source(%dma_start3A_245 : memref<10000x128xf32, #tpu.memory_space<hbm>>) target(%arg12 : memref<40x128xf32, #tpu.memory_space<vmem>>) offsets(%dma_start3A_242 : memref<40xi32, #tpu.memory_space<vmem>>) semaphore(%arg19 : memref<!tpu.dma_semaphore, #tpu.memory_space<semaphore_mem>>)
        %dma_start3A_246 = arith.constant 1 : i32
        %dma_start3A_247 = arith.constant 0 : i32
        %dma_start3A_248 = tpu.memref_slice %arg10[%dma_start3A_246, %dma_start3A_247] : memref<3x40xi32, #tpu.memory_space<vmem>> -> memref<1x40xi32, #tpu.memory_space<vmem>>
        %dma_start3A_249 = tpu.memref_squeeze %dma_start3A_248 : memref<1x40xi32, #tpu.memory_space<vmem>> -> memref<40xi32, #tpu.memory_space<vmem>>
        %dma_start3A_250 = arith.constant 0 : i32
        %dma_start3A_251 = arith.constant 0 : i32
        %dma_start3A_252 = tpu.memref_slice %arg4[%dma_start3A_250, %dma_start3A_251] : memref<320000x128xf32, #tpu.memory_space<hbm>> -> memref<320000x128xf32, #tpu.memory_space<hbm>>
        tpu.enqueue_indirect_dma source(%dma_start3A_252 : memref<320000x128xf32, #tpu.memory_space<hbm>>) target(%arg13 : memref<40x128xf32, #tpu.memory_space<vmem>>) offsets(%dma_start3A_249 : memref<40xi32, #tpu.memory_space<vmem>>) semaphore(%arg20 : memref<!tpu.dma_semaphore, #tpu.memory_space<semaphore_mem>>)
      } else {
      }
      %dma_wait3A_220 = arith.constant 0 : i32
      %dma_wait3A_221 = arith.constant 0 : i32
      %dma_wait3A_222 = tpu.memref_slice %arg11[%dma_wait3A_220, %dma_wait3A_221] : memref<3x40xi32, #tpu.memory_space<vmem>> -> memref<1x40xi32, #tpu.memory_space<vmem>>
      %dma_wait3A_223 = tpu.memref_squeeze %dma_wait3A_222 : memref<1x40xi32, #tpu.memory_space<vmem>> -> memref<40xi32, #tpu.memory_space<vmem>>
      %dma_wait3A_224 = arith.constant 0 : i32
      %dma_wait3A_225 = arith.constant 0 : i32
      %dma_wait3A_226 = tpu.memref_slice %arg3[%dma_wait3A_224, %dma_wait3A_225] : memref<10000x128xf32, #tpu.memory_space<hbm>> -> memref<10000x128xf32, #tpu.memory_space<hbm>>
      tpu.wait_indirect_dma semaphore(%arg21 : memref<!tpu.dma_semaphore, #tpu.memory_space<semaphore_mem>>) src(%dma_wait3A_226 : memref<10000x128xf32, #tpu.memory_space<hbm>>) dst(%arg14 : memref<40x128xf32, #tpu.memory_space<vmem>>)
      %run_scoped3A_227 = arith.constant 2 : i32
      "tpu.region"() ({
        %run_scoped3A_237 = tpu.sem_alloc : memref<!tpu.dma_semaphore, #tpu.memory_space<semaphore_mem>>
        %dma_start3A_238 = arith.constant 0 : i32
        %dma_start3A_239 = tpu.memref_slice %arg11[%run_scoped3A_227, %dma_start3A_238] : memref<3x40xi32, #tpu.memory_space<vmem>> -> memref<1x40xi32, #tpu.memory_space<vmem>>
        %dma_start3A_240 = tpu.memref_squeeze %dma_start3A_239 : memref<1x40xi32, #tpu.memory_space<vmem>> -> memref<40xi32, #tpu.memory_space<vmem>>
        %dma_start3A_241 = arith.constant 0 : i32
        %dma_start3A_242 = arith.constant 0 : i32
        %dma_start3A_243 = tpu.memref_slice %arg17[%dma_start3A_241, %dma_start3A_242] : memref<10112x128xf32, #tpu.memory_space<vmem_shared>> -> memref<10112x128xf32, #tpu.memory_space<vmem_shared>>
        tpu.enqueue_indirect_dma source(%arg14 : memref<40x128xf32, #tpu.memory_space<vmem>>) target(%dma_start3A_243 : memref<10112x128xf32, #tpu.memory_space<vmem_shared>>) offsets(%dma_start3A_240 : memref<40xi32, #tpu.memory_space<vmem>>) semaphore(%run_scoped3A_237 : memref<!tpu.dma_semaphore, #tpu.memory_space<semaphore_mem>>) {add = true}
        %dma_wait3A_244 = arith.constant 0 : i32
        %dma_wait3A_245 = tpu.memref_slice %arg11[%run_scoped3A_227, %dma_wait3A_244] : memref<3x40xi32, #tpu.memory_space<vmem>> -> memref<1x40xi32, #tpu.memory_space<vmem>>
        %dma_wait3A_246 = tpu.memref_squeeze %dma_wait3A_245 : memref<1x40xi32, #tpu.memory_space<vmem>> -> memref<40xi32, #tpu.memory_space<vmem>>
        %dma_wait3A_247 = arith.constant 0 : i32
        %dma_wait3A_248 = arith.constant 0 : i32
        %dma_wait3A_249 = tpu.memref_slice %arg17[%dma_wait3A_247, %dma_wait3A_248] : memref<10112x128xf32, #tpu.memory_space<vmem_shared>> -> memref<10112x128xf32, #tpu.memory_space<vmem_shared>>
        tpu.wait_indirect_dma semaphore(%run_scoped3A_237 : memref<!tpu.dma_semaphore, #tpu.memory_space<semaphore_mem>>) src(%arg14 : memref<40x128xf32, #tpu.memory_space<vmem>>) dst(%dma_wait3A_249 : memref<10112x128xf32, #tpu.memory_space<vmem_shared>>)
        tpu.yield
      }) : () -> ()
      %dma_wait3A_228 = arith.constant 1 : i32
      %dma_wait3A_229 = arith.constant 0 : i32
      %dma_wait3A_230 = tpu.memref_slice %arg11[%dma_wait3A_228, %dma_wait3A_229] : memref<3x40xi32, #tpu.memory_space<vmem>> -> memref<1x40xi32, #tpu.memory_space<vmem>>
      %dma_wait3A_231 = tpu.memref_squeeze %dma_wait3A_230 : memref<1x40xi32, #tpu.memory_space<vmem>> -> memref<40xi32, #tpu.memory_space<vmem>>
      %dma_wait3A_232 = arith.constant 0 : i32
      %dma_wait3A_233 = arith.constant 0 : i32
      %dma_wait3A_234 = tpu.memref_slice %arg4[%dma_wait3A_232, %dma_wait3A_233] : memref<320000x128xf32, #tpu.memory_space<hbm>> -> memref<320000x128xf32, #tpu.memory_space<hbm>>
      tpu.wait_indirect_dma semaphore(%arg22 : memref<!tpu.dma_semaphore, #tpu.memory_space<semaphore_mem>>) src(%dma_wait3A_234 : memref<320000x128xf32, #tpu.memory_space<hbm>>) dst(%arg15 : memref<40x128xf32, #tpu.memory_space<vmem>>)
      %run_scoped3A_235 = arith.constant 2 : i32
      "tpu.region"() ({
        %run_scoped3A_237 = tpu.sem_alloc : memref<!tpu.dma_semaphore, #tpu.memory_space<semaphore_mem>>
        %dma_start3A_238 = arith.constant 0 : i32
        %dma_start3A_239 = tpu.memref_slice %arg11[%run_scoped3A_235, %dma_start3A_238] : memref<3x40xi32, #tpu.memory_space<vmem>> -> memref<1x40xi32, #tpu.memory_space<vmem>>
        %dma_start3A_240 = tpu.memref_squeeze %dma_start3A_239 : memref<1x40xi32, #tpu.memory_space<vmem>> -> memref<40xi32, #tpu.memory_space<vmem>>
        %dma_start3A_241 = arith.constant 0 : i32
        %dma_start3A_242 = arith.constant 0 : i32
        %dma_start3A_243 = tpu.memref_slice %arg17[%dma_start3A_241, %dma_start3A_242] : memref<10112x128xf32, #tpu.memory_space<vmem_shared>> -> memref<10112x128xf32, #tpu.memory_space<vmem_shared>>
        tpu.enqueue_indirect_dma source(%arg15 : memref<40x128xf32, #tpu.memory_space<vmem>>) target(%dma_start3A_243 : memref<10112x128xf32, #tpu.memory_space<vmem_shared>>) offsets(%dma_start3A_240 : memref<40xi32, #tpu.memory_space<vmem>>) semaphore(%run_scoped3A_237 : memref<!tpu.dma_semaphore, #tpu.memory_space<semaphore_mem>>) {add = true}
        %dma_wait3A_244 = arith.constant 0 : i32
        %dma_wait3A_245 = tpu.memref_slice %arg11[%run_scoped3A_235, %dma_wait3A_244] : memref<3x40xi32, #tpu.memory_space<vmem>> -> memref<1x40xi32, #tpu.memory_space<vmem>>
        %dma_wait3A_246 = tpu.memref_squeeze %dma_wait3A_245 : memref<1x40xi32, #tpu.memory_space<vmem>> -> memref<40xi32, #tpu.memory_space<vmem>>
        %dma_wait3A_247 = arith.constant 0 : i32
        %dma_wait3A_248 = arith.constant 0 : i32
        %dma_wait3A_249 = tpu.memref_slice %arg17[%dma_wait3A_247, %dma_wait3A_248] : memref<10112x128xf32, #tpu.memory_space<vmem_shared>> -> memref<10112x128xf32, #tpu.memory_space<vmem_shared>>
        tpu.wait_indirect_dma semaphore(%run_scoped3A_237 : memref<!tpu.dma_semaphore, #tpu.memory_space<semaphore_mem>>) src(%arg15 : memref<40x128xf32, #tpu.memory_space<vmem>>) dst(%dma_wait3A_249 : memref<10112x128xf32, #tpu.memory_space<vmem_shared>>)
        tpu.yield
      }) : () -> ()
      %run_scoped3A_236 = arith.constant 2 : i32
      "tpu.region"() ({
        %run_scoped3A_237 = tpu.sem_alloc : memref<!tpu.dma_semaphore, #tpu.memory_space<semaphore_mem>>
        %dma_start3A_238 = arith.constant 0 : i32
        %dma_start3A_239 = tpu.memref_slice %arg11[%run_scoped3A_236, %dma_start3A_238] : memref<3x40xi32, #tpu.memory_space<vmem>> -> memref<1x40xi32, #tpu.memory_space<vmem>>
        %dma_start3A_240 = tpu.memref_squeeze %dma_start3A_239 : memref<1x40xi32, #tpu.memory_space<vmem>> -> memref<40xi32, #tpu.memory_space<vmem>>
        %dma_start3A_241 = arith.constant 0 : i32
        %dma_start3A_242 = arith.constant 0 : i32
        %dma_start3A_243 = tpu.memref_slice %arg18[%dma_start3A_241, %dma_start3A_242] : memref<10112x16xf32, #tpu.memory_space<vmem_shared>> -> memref<10112x16xf32, #tpu.memory_space<vmem_shared>>
        tpu.enqueue_indirect_dma source(%arg16 : memref<40x16xf32, #tpu.memory_space<vmem>>) target(%dma_start3A_243 : memref<10112x16xf32, #tpu.memory_space<vmem_shared>>) offsets(%dma_start3A_240 : memref<40xi32, #tpu.memory_space<vmem>>) semaphore(%run_scoped3A_237 : memref<!tpu.dma_semaphore, #tpu.memory_space<semaphore_mem>>) {add = true}
        %dma_wait3A_244 = arith.constant 0 : i32
        %dma_wait3A_245 = tpu.memref_slice %arg11[%run_scoped3A_236, %dma_wait3A_244] : memref<3x40xi32, #tpu.memory_space<vmem>> -> memref<1x40xi32, #tpu.memory_space<vmem>>
        %dma_wait3A_246 = tpu.memref_squeeze %dma_wait3A_245 : memref<1x40xi32, #tpu.memory_space<vmem>> -> memref<40xi32, #tpu.memory_space<vmem>>
        %dma_wait3A_247 = arith.constant 0 : i32
        %dma_wait3A_248 = arith.constant 0 : i32
        %dma_wait3A_249 = tpu.memref_slice %arg18[%dma_wait3A_247, %dma_wait3A_248] : memref<10112x16xf32, #tpu.memory_space<vmem_shared>> -> memref<10112x16xf32, #tpu.memory_space<vmem_shared>>
        tpu.wait_indirect_dma semaphore(%run_scoped3A_237 : memref<!tpu.dma_semaphore, #tpu.memory_space<semaphore_mem>>) src(%arg16 : memref<40x16xf32, #tpu.memory_space<vmem>>) dst(%dma_wait3A_249 : memref<10112x16xf32, #tpu.memory_space<vmem_shared>>)
        tpu.yield
      }) : () -> ()
    }
    %scan3A_97 = arith.constant 125 : i32
    %barrier3A_98 = arith.constant 0 : index
    tpu.barrier barrier_id(%barrier3A_98)
    %eq3A_99 = arith.constant 0 : i32
    %eq3A_100 = arith.cmpi eq, %arg1, %eq3A_99 : i32
    %convert_element_type3A_101 = arith.extui %eq3A_100 : i1 to i32
    %cond3A_102 = arith.constant 0 : i32
    %cond3A_103 = arith.cmpi ne, %convert_element_type3A_101, %cond3A_102 : i32
    scf.if %cond3A_103 {
      %mul3A_179 = arith.constant 10112 : i32
      %mul3A_180 = arith.muli %arg0, %mul3A_179 : i32
      %add3A_181 = arith.constant 0 : i32
      %add3A_182 = arith.addi %mul3A_180, %add3A_181 : i32
      "tpu.region"() ({
        %run_scoped3A = tpu.sem_alloc : memref<!tpu.dma_semaphore, #tpu.memory_space<semaphore_mem>>
        %dma_start3A_183 = arith.constant 0 : i32
        %dma_start3A_184 = tpu.memref_slice %arg8[%add3A_182, %dma_start3A_183] : memref<20224x128xf32, #tpu.memory_space<hbm>> -> memref<632x128xf32, #tpu.memory_space<hbm>>
        %dma_start3A_185 = arith.constant 0 : i32
        %dma_start3A_186 = arith.constant 0 : i32
        %dma_start3A_187 = tpu.memref_slice %arg17[%dma_start3A_185, %dma_start3A_186] : memref<10112x128xf32, #tpu.memory_space<vmem_shared>> -> memref<632x128xf32, #tpu.memory_space<vmem_shared>>
        tpu.enqueue_dma source(%dma_start3A_187 : memref<632x128xf32, #tpu.memory_space<vmem_shared>>) target(%dma_start3A_184 : memref<632x128xf32, #tpu.memory_space<hbm>>) target_semaphore(%run_scoped3A : memref<!tpu.dma_semaphore, #tpu.memory_space<semaphore_mem>>)
        %dma_wait3A = arith.constant 0 : i32
        %dma_wait3A_188 = tpu.memref_slice %arg8[%add3A_182, %dma_wait3A] : memref<20224x128xf32, #tpu.memory_space<hbm>> -> memref<632x128xf32, #tpu.memory_space<hbm>>
        %dma_wait3A_189 = arith.constant 0 : i32
        %dma_wait3A_190 = arith.constant 0 : i32
        %dma_wait3A_191 = tpu.memref_slice %arg17[%dma_wait3A_189, %dma_wait3A_190] : memref<10112x128xf32, #tpu.memory_space<vmem_shared>> -> memref<632x128xf32, #tpu.memory_space<vmem_shared>>
        tpu.wait_dma2 semaphore(%run_scoped3A : memref<!tpu.dma_semaphore, #tpu.memory_space<semaphore_mem>>) src(%dma_wait3A_191 : memref<632x128xf32, #tpu.memory_space<vmem_shared>>) dst(%dma_wait3A_188 : memref<632x128xf32, #tpu.memory_space<hbm>>)
        tpu.yield
      }) : () -> ()
      "tpu.region"() ({
        %run_scoped3A = tpu.sem_alloc : memref<!tpu.dma_semaphore, #tpu.memory_space<semaphore_mem>>
        %dma_start3A_183 = arith.constant 0 : i32
        %dma_start3A_184 = tpu.memref_slice %arg9[%add3A_182, %dma_start3A_183] : memref<20224x16xf32, #tpu.memory_space<hbm>> -> memref<632x16xf32, #tpu.memory_space<hbm>>
        %dma_start3A_185 = arith.constant 0 : i32
        %dma_start3A_186 = arith.constant 0 : i32
        %dma_start3A_187 = tpu.memref_slice %arg18[%dma_start3A_185, %dma_start3A_186] : memref<10112x16xf32, #tpu.memory_space<vmem_shared>> -> memref<632x16xf32, #tpu.memory_space<vmem_shared>>
        tpu.enqueue_dma source(%dma_start3A_187 : memref<632x16xf32, #tpu.memory_space<vmem_shared>>) target(%dma_start3A_184 : memref<632x16xf32, #tpu.memory_space<hbm>>) target_semaphore(%run_scoped3A : memref<!tpu.dma_semaphore, #tpu.memory_space<semaphore_mem>>)
        %dma_wait3A = arith.constant 0 : i32
        %dma_wait3A_188 = tpu.memref_slice %arg9[%add3A_182, %dma_wait3A] : memref<20224x16xf32, #tpu.memory_space<hbm>> -> memref<632x16xf32, #tpu.memory_space<hbm>>
        %dma_wait3A_189 = arith.constant 0 : i32
        %dma_wait3A_190 = arith.constant 0 : i32
        %dma_wait3A_191 = tpu.memref_slice %arg18[%dma_wait3A_189, %dma_wait3A_190] : memref<10112x16xf32, #tpu.memory_space<vmem_shared>> -> memref<632x16xf32, #tpu.memory_space<vmem_shared>>
        tpu.wait_dma2 semaphore(%run_scoped3A : memref<!tpu.dma_semaphore, #tpu.memory_space<semaphore_mem>>) src(%dma_wait3A_191 : memref<632x16xf32, #tpu.memory_space<vmem_shared>>) dst(%dma_wait3A_188 : memref<632x16xf32, #tpu.memory_space<hbm>>)
        tpu.yield
      }) : () -> ()
    } else {
    }
    %eq3A_104 = arith.constant 1 : i32
    %eq3A_105 = arith.cmpi eq, %arg1, %eq3A_104 : i32
    %convert_element_type3A_106 = arith.extui %eq3A_105 : i1 to i32
    %cond3A_107 = arith.constant 0 : i32
    %cond3A_108 = arith.cmpi ne, %convert_element_type3A_106, %cond3A_107 : i32
    scf.if %cond3A_108 {
      %mul3A_179 = arith.constant 10112 : i32
      %mul3A_180 = arith.muli %arg0, %mul3A_179 : i32
      %add3A_181 = arith.constant 632 : i32
      %add3A_182 = arith.addi %mul3A_180, %add3A_181 : i32
      "tpu.region"() ({
        %run_scoped3A = tpu.sem_alloc : memref<!tpu.dma_semaphore, #tpu.memory_space<semaphore_mem>>
        %dma_start3A_183 = arith.constant 0 : i32
        %dma_start3A_184 = tpu.memref_slice %arg8[%add3A_182, %dma_start3A_183] : memref<20224x128xf32, #tpu.memory_space<hbm>> -> memref<632x128xf32, #tpu.memory_space<hbm>>
        %dma_start3A_185 = arith.constant 632 : i32
        %dma_start3A_186 = arith.constant 0 : i32
        %dma_start3A_187 = tpu.memref_slice %arg17[%dma_start3A_185, %dma_start3A_186] : memref<10112x128xf32, #tpu.memory_space<vmem_shared>> -> memref<632x128xf32, #tpu.memory_space<vmem_shared>>
        tpu.enqueue_dma source(%dma_start3A_187 : memref<632x128xf32, #tpu.memory_space<vmem_shared>>) target(%dma_start3A_184 : memref<632x128xf32, #tpu.memory_space<hbm>>) target_semaphore(%run_scoped3A : memref<!tpu.dma_semaphore, #tpu.memory_space<semaphore_mem>>)
        %dma_wait3A = arith.constant 0 : i32
        %dma_wait3A_188 = tpu.memref_slice %arg8[%add3A_182, %dma_wait3A] : memref<20224x128xf32, #tpu.memory_space<hbm>> -> memref<632x128xf32, #tpu.memory_space<hbm>>
        %dma_wait3A_189 = arith.constant 632 : i32
        %dma_wait3A_190 = arith.constant 0 : i32
        %dma_wait3A_191 = tpu.memref_slice %arg17[%dma_wait3A_189, %dma_wait3A_190] : memref<10112x128xf32, #tpu.memory_space<vmem_shared>> -> memref<632x128xf32, #tpu.memory_space<vmem_shared>>
        tpu.wait_dma2 semaphore(%run_scoped3A : memref<!tpu.dma_semaphore, #tpu.memory_space<semaphore_mem>>) src(%dma_wait3A_191 : memref<632x128xf32, #tpu.memory_space<vmem_shared>>) dst(%dma_wait3A_188 : memref<632x128xf32, #tpu.memory_space<hbm>>)
        tpu.yield
      }) : () -> ()
      "tpu.region"() ({
        %run_scoped3A = tpu.sem_alloc : memref<!tpu.dma_semaphore, #tpu.memory_space<semaphore_mem>>
        %dma_start3A_183 = arith.constant 0 : i32
        %dma_start3A_184 = tpu.memref_slice %arg9[%add3A_182, %dma_start3A_183] : memref<20224x16xf32, #tpu.memory_space<hbm>> -> memref<632x16xf32, #tpu.memory_space<hbm>>
        %dma_start3A_185 = arith.constant 632 : i32
        %dma_start3A_186 = arith.constant 0 : i32
        %dma_start3A_187 = tpu.memref_slice %arg18[%dma_start3A_185, %dma_start3A_186] : memref<10112x16xf32, #tpu.memory_space<vmem_shared>> -> memref<632x16xf32, #tpu.memory_space<vmem_shared>>
        tpu.enqueue_dma source(%dma_start3A_187 : memref<632x16xf32, #tpu.memory_space<vmem_shared>>) target(%dma_start3A_184 : memref<632x16xf32, #tpu.memory_space<hbm>>) target_semaphore(%run_scoped3A : memref<!tpu.dma_semaphore, #tpu.memory_space<semaphore_mem>>)
        %dma_wait3A = arith.constant 0 : i32
        %dma_wait3A_188 = tpu.memref_slice %arg9[%add3A_182, %dma_wait3A] : memref<20224x16xf32, #tpu.memory_space<hbm>> -> memref<632x16xf32, #tpu.memory_space<hbm>>
        %dma_wait3A_189 = arith.constant 632 : i32
        %dma_wait3A_190 = arith.constant 0 : i32
        %dma_wait3A_191 = tpu.memref_slice %arg18[%dma_wait3A_189, %dma_wait3A_190] : memref<10112x16xf32, #tpu.memory_space<vmem_shared>> -> memref<632x16xf32, #tpu.memory_space<vmem_shared>>
        tpu.wait_dma2 semaphore(%run_scoped3A : memref<!tpu.dma_semaphore, #tpu.memory_space<semaphore_mem>>) src(%dma_wait3A_191 : memref<632x16xf32, #tpu.memory_space<vmem_shared>>) dst(%dma_wait3A_188 : memref<632x16xf32, #tpu.memory_space<hbm>>)
        tpu.yield
      }) : () -> ()
    } else {
    }
    %eq3A_109 = arith.constant 2 : i32
    %eq3A_110 = arith.cmpi eq, %arg1, %eq3A_109 : i32
    %convert_element_type3A_111 = arith.extui %eq3A_110 : i1 to i32
    %cond3A_112 = arith.constant 0 : i32
    %cond3A_113 = arith.cmpi ne, %convert_element_type3A_111, %cond3A_112 : i32
    scf.if %cond3A_113 {
      %mul3A_179 = arith.constant 10112 : i32
      %mul3A_180 = arith.muli %arg0, %mul3A_179 : i32
      %add3A_181 = arith.constant 1264 : i32
      %add3A_182 = arith.addi %mul3A_180, %add3A_181 : i32
      "tpu.region"() ({
        %run_scoped3A = tpu.sem_alloc : memref<!tpu.dma_semaphore, #tpu.memory_space<semaphore_mem>>
        %dma_start3A_183 = arith.constant 0 : i32
        %dma_start3A_184 = tpu.memref_slice %arg8[%add3A_182, %dma_start3A_183] : memref<20224x128xf32, #tpu.memory_space<hbm>> -> memref<632x128xf32, #tpu.memory_space<hbm>>
        %dma_start3A_185 = arith.constant 1264 : i32
        %dma_start3A_186 = arith.constant 0 : i32
        %dma_start3A_187 = tpu.memref_slice %arg17[%dma_start3A_185, %dma_start3A_186] : memref<10112x128xf32, #tpu.memory_space<vmem_shared>> -> memref<632x128xf32, #tpu.memory_space<vmem_shared>>
        tpu.enqueue_dma source(%dma_start3A_187 : memref<632x128xf32, #tpu.memory_space<vmem_shared>>) target(%dma_start3A_184 : memref<632x128xf32, #tpu.memory_space<hbm>>) target_semaphore(%run_scoped3A : memref<!tpu.dma_semaphore, #tpu.memory_space<semaphore_mem>>)
        %dma_wait3A = arith.constant 0 : i32
        %dma_wait3A_188 = tpu.memref_slice %arg8[%add3A_182, %dma_wait3A] : memref<20224x128xf32, #tpu.memory_space<hbm>> -> memref<632x128xf32, #tpu.memory_space<hbm>>
        %dma_wait3A_189 = arith.constant 1264 : i32
        %dma_wait3A_190 = arith.constant 0 : i32
        %dma_wait3A_191 = tpu.memref_slice %arg17[%dma_wait3A_189, %dma_wait3A_190] : memref<10112x128xf32, #tpu.memory_space<vmem_shared>> -> memref<632x128xf32, #tpu.memory_space<vmem_shared>>
        tpu.wait_dma2 semaphore(%run_scoped3A : memref<!tpu.dma_semaphore, #tpu.memory_space<semaphore_mem>>) src(%dma_wait3A_191 : memref<632x128xf32, #tpu.memory_space<vmem_shared>>) dst(%dma_wait3A_188 : memref<632x128xf32, #tpu.memory_space<hbm>>)
        tpu.yield
      }) : () -> ()
      "tpu.region"() ({
        %run_scoped3A = tpu.sem_alloc : memref<!tpu.dma_semaphore, #tpu.memory_space<semaphore_mem>>
        %dma_start3A_183 = arith.constant 0 : i32
        %dma_start3A_184 = tpu.memref_slice %arg9[%add3A_182, %dma_start3A_183] : memref<20224x16xf32, #tpu.memory_space<hbm>> -> memref<632x16xf32, #tpu.memory_space<hbm>>
        %dma_start3A_185 = arith.constant 1264 : i32
        %dma_start3A_186 = arith.constant 0 : i32
        %dma_start3A_187 = tpu.memref_slice %arg18[%dma_start3A_185, %dma_start3A_186] : memref<10112x16xf32, #tpu.memory_space<vmem_shared>> -> memref<632x16xf32, #tpu.memory_space<vmem_shared>>
        tpu.enqueue_dma source(%dma_start3A_187 : memref<632x16xf32, #tpu.memory_space<vmem_shared>>) target(%dma_start3A_184 : memref<632x16xf32, #tpu.memory_space<hbm>>) target_semaphore(%run_scoped3A : memref<!tpu.dma_semaphore, #tpu.memory_space<semaphore_mem>>)
        %dma_wait3A = arith.constant 0 : i32
        %dma_wait3A_188 = tpu.memref_slice %arg9[%add3A_182, %dma_wait3A] : memref<20224x16xf32, #tpu.memory_space<hbm>> -> memref<632x16xf32, #tpu.memory_space<hbm>>
        %dma_wait3A_189 = arith.constant 1264 : i32
        %dma_wait3A_190 = arith.constant 0 : i32
        %dma_wait3A_191 = tpu.memref_slice %arg18[%dma_wait3A_189, %dma_wait3A_190] : memref<10112x16xf32, #tpu.memory_space<vmem_shared>> -> memref<632x16xf32, #tpu.memory_space<vmem_shared>>
        tpu.wait_dma2 semaphore(%run_scoped3A : memref<!tpu.dma_semaphore, #tpu.memory_space<semaphore_mem>>) src(%dma_wait3A_191 : memref<632x16xf32, #tpu.memory_space<vmem_shared>>) dst(%dma_wait3A_188 : memref<632x16xf32, #tpu.memory_space<hbm>>)
        tpu.yield
      }) : () -> ()
    } else {
    }
    %eq3A_114 = arith.constant 3 : i32
    %eq3A_115 = arith.cmpi eq, %arg1, %eq3A_114 : i32
    %convert_element_type3A_116 = arith.extui %eq3A_115 : i1 to i32
    %cond3A_117 = arith.constant 0 : i32
    %cond3A_118 = arith.cmpi ne, %convert_element_type3A_116, %cond3A_117 : i32
    scf.if %cond3A_118 {
      %mul3A_179 = arith.constant 10112 : i32
      %mul3A_180 = arith.muli %arg0, %mul3A_179 : i32
      %add3A_181 = arith.constant 1896 : i32
      %add3A_182 = arith.addi %mul3A_180, %add3A_181 : i32
      "tpu.region"() ({
        %run_scoped3A = tpu.sem_alloc : memref<!tpu.dma_semaphore, #tpu.memory_space<semaphore_mem>>
        %dma_start3A_183 = arith.constant 0 : i32
        %dma_start3A_184 = tpu.memref_slice %arg8[%add3A_182, %dma_start3A_183] : memref<20224x128xf32, #tpu.memory_space<hbm>> -> memref<632x128xf32, #tpu.memory_space<hbm>>
        %dma_start3A_185 = arith.constant 1896 : i32
        %dma_start3A_186 = arith.constant 0 : i32
        %dma_start3A_187 = tpu.memref_slice %arg17[%dma_start3A_185, %dma_start3A_186] : memref<10112x128xf32, #tpu.memory_space<vmem_shared>> -> memref<632x128xf32, #tpu.memory_space<vmem_shared>>
        tpu.enqueue_dma source(%dma_start3A_187 : memref<632x128xf32, #tpu.memory_space<vmem_shared>>) target(%dma_start3A_184 : memref<632x128xf32, #tpu.memory_space<hbm>>) target_semaphore(%run_scoped3A : memref<!tpu.dma_semaphore, #tpu.memory_space<semaphore_mem>>)
        %dma_wait3A = arith.constant 0 : i32
        %dma_wait3A_188 = tpu.memref_slice %arg8[%add3A_182, %dma_wait3A] : memref<20224x128xf32, #tpu.memory_space<hbm>> -> memref<632x128xf32, #tpu.memory_space<hbm>>
        %dma_wait3A_189 = arith.constant 1896 : i32
        %dma_wait3A_190 = arith.constant 0 : i32
        %dma_wait3A_191 = tpu.memref_slice %arg17[%dma_wait3A_189, %dma_wait3A_190] : memref<10112x128xf32, #tpu.memory_space<vmem_shared>> -> memref<632x128xf32, #tpu.memory_space<vmem_shared>>
        tpu.wait_dma2 semaphore(%run_scoped3A : memref<!tpu.dma_semaphore, #tpu.memory_space<semaphore_mem>>) src(%dma_wait3A_191 : memref<632x128xf32, #tpu.memory_space<vmem_shared>>) dst(%dma_wait3A_188 : memref<632x128xf32, #tpu.memory_space<hbm>>)
        tpu.yield
      }) : () -> ()
      "tpu.region"() ({
        %run_scoped3A = tpu.sem_alloc : memref<!tpu.dma_semaphore, #tpu.memory_space<semaphore_mem>>
        %dma_start3A_183 = arith.constant 0 : i32
        %dma_start3A_184 = tpu.memref_slice %arg9[%add3A_182, %dma_start3A_183] : memref<20224x16xf32, #tpu.memory_space<hbm>> -> memref<632x16xf32, #tpu.memory_space<hbm>>
        %dma_start3A_185 = arith.constant 1896 : i32
        %dma_start3A_186 = arith.constant 0 : i32
        %dma_start3A_187 = tpu.memref_slice %arg18[%dma_start3A_185, %dma_start3A_186] : memref<10112x16xf32, #tpu.memory_space<vmem_shared>> -> memref<632x16xf32, #tpu.memory_space<vmem_shared>>
        tpu.enqueue_dma source(%dma_start3A_187 : memref<632x16xf32, #tpu.memory_space<vmem_shared>>) target(%dma_start3A_184 : memref<632x16xf32, #tpu.memory_space<hbm>>) target_semaphore(%run_scoped3A : memref<!tpu.dma_semaphore, #tpu.memory_space<semaphore_mem>>)
        %dma_wait3A = arith.constant 0 : i32
        %dma_wait3A_188 = tpu.memref_slice %arg9[%add3A_182, %dma_wait3A] : memref<20224x16xf32, #tpu.memory_space<hbm>> -> memref<632x16xf32, #tpu.memory_space<hbm>>
        %dma_wait3A_189 = arith.constant 1896 : i32
        %dma_wait3A_190 = arith.constant 0 : i32
        %dma_wait3A_191 = tpu.memref_slice %arg18[%dma_wait3A_189, %dma_wait3A_190] : memref<10112x16xf32, #tpu.memory_space<vmem_shared>> -> memref<632x16xf32, #tpu.memory_space<vmem_shared>>
        tpu.wait_dma2 semaphore(%run_scoped3A : memref<!tpu.dma_semaphore, #tpu.memory_space<semaphore_mem>>) src(%dma_wait3A_191 : memref<632x16xf32, #tpu.memory_space<vmem_shared>>) dst(%dma_wait3A_188 : memref<632x16xf32, #tpu.memory_space<hbm>>)
        tpu.yield
      }) : () -> ()
    } else {
    }
    %eq3A_119 = arith.constant 4 : i32
    %eq3A_120 = arith.cmpi eq, %arg1, %eq3A_119 : i32
    %convert_element_type3A_121 = arith.extui %eq3A_120 : i1 to i32
    %cond3A_122 = arith.constant 0 : i32
    %cond3A_123 = arith.cmpi ne, %convert_element_type3A_121, %cond3A_122 : i32
    scf.if %cond3A_123 {
      %mul3A_179 = arith.constant 10112 : i32
      %mul3A_180 = arith.muli %arg0, %mul3A_179 : i32
      %add3A_181 = arith.constant 2528 : i32
      %add3A_182 = arith.addi %mul3A_180, %add3A_181 : i32
      "tpu.region"() ({
        %run_scoped3A = tpu.sem_alloc : memref<!tpu.dma_semaphore, #tpu.memory_space<semaphore_mem>>
        %dma_start3A_183 = arith.constant 0 : i32
        %dma_start3A_184 = tpu.memref_slice %arg8[%add3A_182, %dma_start3A_183] : memref<20224x128xf32, #tpu.memory_space<hbm>> -> memref<632x128xf32, #tpu.memory_space<hbm>>
        %dma_start3A_185 = arith.constant 2528 : i32
        %dma_start3A_186 = arith.constant 0 : i32
        %dma_start3A_187 = tpu.memref_slice %arg17[%dma_start3A_185, %dma_start3A_186] : memref<10112x128xf32, #tpu.memory_space<vmem_shared>> -> memref<632x128xf32, #tpu.memory_space<vmem_shared>>
        tpu.enqueue_dma source(%dma_start3A_187 : memref<632x128xf32, #tpu.memory_space<vmem_shared>>) target(%dma_start3A_184 : memref<632x128xf32, #tpu.memory_space<hbm>>) target_semaphore(%run_scoped3A : memref<!tpu.dma_semaphore, #tpu.memory_space<semaphore_mem>>)
        %dma_wait3A = arith.constant 0 : i32
        %dma_wait3A_188 = tpu.memref_slice %arg8[%add3A_182, %dma_wait3A] : memref<20224x128xf32, #tpu.memory_space<hbm>> -> memref<632x128xf32, #tpu.memory_space<hbm>>
        %dma_wait3A_189 = arith.constant 2528 : i32
        %dma_wait3A_190 = arith.constant 0 : i32
        %dma_wait3A_191 = tpu.memref_slice %arg17[%dma_wait3A_189, %dma_wait3A_190] : memref<10112x128xf32, #tpu.memory_space<vmem_shared>> -> memref<632x128xf32, #tpu.memory_space<vmem_shared>>
        tpu.wait_dma2 semaphore(%run_scoped3A : memref<!tpu.dma_semaphore, #tpu.memory_space<semaphore_mem>>) src(%dma_wait3A_191 : memref<632x128xf32, #tpu.memory_space<vmem_shared>>) dst(%dma_wait3A_188 : memref<632x128xf32, #tpu.memory_space<hbm>>)
        tpu.yield
      }) : () -> ()
      "tpu.region"() ({
        %run_scoped3A = tpu.sem_alloc : memref<!tpu.dma_semaphore, #tpu.memory_space<semaphore_mem>>
        %dma_start3A_183 = arith.constant 0 : i32
        %dma_start3A_184 = tpu.memref_slice %arg9[%add3A_182, %dma_start3A_183] : memref<20224x16xf32, #tpu.memory_space<hbm>> -> memref<632x16xf32, #tpu.memory_space<hbm>>
        %dma_start3A_185 = arith.constant 2528 : i32
        %dma_start3A_186 = arith.constant 0 : i32
        %dma_start3A_187 = tpu.memref_slice %arg18[%dma_start3A_185, %dma_start3A_186] : memref<10112x16xf32, #tpu.memory_space<vmem_shared>> -> memref<632x16xf32, #tpu.memory_space<vmem_shared>>
        tpu.enqueue_dma source(%dma_start3A_187 : memref<632x16xf32, #tpu.memory_space<vmem_shared>>) target(%dma_start3A_184 : memref<632x16xf32, #tpu.memory_space<hbm>>) target_semaphore(%run_scoped3A : memref<!tpu.dma_semaphore, #tpu.memory_space<semaphore_mem>>)
        %dma_wait3A = arith.constant 0 : i32
        %dma_wait3A_188 = tpu.memref_slice %arg9[%add3A_182, %dma_wait3A] : memref<20224x16xf32, #tpu.memory_space<hbm>> -> memref<632x16xf32, #tpu.memory_space<hbm>>
        %dma_wait3A_189 = arith.constant 2528 : i32
        %dma_wait3A_190 = arith.constant 0 : i32
        %dma_wait3A_191 = tpu.memref_slice %arg18[%dma_wait3A_189, %dma_wait3A_190] : memref<10112x16xf32, #tpu.memory_space<vmem_shared>> -> memref<632x16xf32, #tpu.memory_space<vmem_shared>>
        tpu.wait_dma2 semaphore(%run_scoped3A : memref<!tpu.dma_semaphore, #tpu.memory_space<semaphore_mem>>) src(%dma_wait3A_191 : memref<632x16xf32, #tpu.memory_space<vmem_shared>>) dst(%dma_wait3A_188 : memref<632x16xf32, #tpu.memory_space<hbm>>)
        tpu.yield
      }) : () -> ()
    } else {
    }
    %eq3A_124 = arith.constant 5 : i32
    %eq3A_125 = arith.cmpi eq, %arg1, %eq3A_124 : i32
    %convert_element_type3A_126 = arith.extui %eq3A_125 : i1 to i32
    %cond3A_127 = arith.constant 0 : i32
    %cond3A_128 = arith.cmpi ne, %convert_element_type3A_126, %cond3A_127 : i32
    scf.if %cond3A_128 {
      %mul3A_179 = arith.constant 10112 : i32
      %mul3A_180 = arith.muli %arg0, %mul3A_179 : i32
      %add3A_181 = arith.constant 3160 : i32
      %add3A_182 = arith.addi %mul3A_180, %add3A_181 : i32
      "tpu.region"() ({
        %run_scoped3A = tpu.sem_alloc : memref<!tpu.dma_semaphore, #tpu.memory_space<semaphore_mem>>
        %dma_start3A_183 = arith.constant 0 : i32
        %dma_start3A_184 = tpu.memref_slice %arg8[%add3A_182, %dma_start3A_183] : memref<20224x128xf32, #tpu.memory_space<hbm>> -> memref<632x128xf32, #tpu.memory_space<hbm>>
        %dma_start3A_185 = arith.constant 3160 : i32
        %dma_start3A_186 = arith.constant 0 : i32
        %dma_start3A_187 = tpu.memref_slice %arg17[%dma_start3A_185, %dma_start3A_186] : memref<10112x128xf32, #tpu.memory_space<vmem_shared>> -> memref<632x128xf32, #tpu.memory_space<vmem_shared>>
        tpu.enqueue_dma source(%dma_start3A_187 : memref<632x128xf32, #tpu.memory_space<vmem_shared>>) target(%dma_start3A_184 : memref<632x128xf32, #tpu.memory_space<hbm>>) target_semaphore(%run_scoped3A : memref<!tpu.dma_semaphore, #tpu.memory_space<semaphore_mem>>)
        %dma_wait3A = arith.constant 0 : i32
        %dma_wait3A_188 = tpu.memref_slice %arg8[%add3A_182, %dma_wait3A] : memref<20224x128xf32, #tpu.memory_space<hbm>> -> memref<632x128xf32, #tpu.memory_space<hbm>>
        %dma_wait3A_189 = arith.constant 3160 : i32
        %dma_wait3A_190 = arith.constant 0 : i32
        %dma_wait3A_191 = tpu.memref_slice %arg17[%dma_wait3A_189, %dma_wait3A_190] : memref<10112x128xf32, #tpu.memory_space<vmem_shared>> -> memref<632x128xf32, #tpu.memory_space<vmem_shared>>
        tpu.wait_dma2 semaphore(%run_scoped3A : memref<!tpu.dma_semaphore, #tpu.memory_space<semaphore_mem>>) src(%dma_wait3A_191 : memref<632x128xf32, #tpu.memory_space<vmem_shared>>) dst(%dma_wait3A_188 : memref<632x128xf32, #tpu.memory_space<hbm>>)
        tpu.yield
      }) : () -> ()
      "tpu.region"() ({
        %run_scoped3A = tpu.sem_alloc : memref<!tpu.dma_semaphore, #tpu.memory_space<semaphore_mem>>
        %dma_start3A_183 = arith.constant 0 : i32
        %dma_start3A_184 = tpu.memref_slice %arg9[%add3A_182, %dma_start3A_183] : memref<20224x16xf32, #tpu.memory_space<hbm>> -> memref<632x16xf32, #tpu.memory_space<hbm>>
        %dma_start3A_185 = arith.constant 3160 : i32
        %dma_start3A_186 = arith.constant 0 : i32
        %dma_start3A_187 = tpu.memref_slice %arg18[%dma_start3A_185, %dma_start3A_186] : memref<10112x16xf32, #tpu.memory_space<vmem_shared>> -> memref<632x16xf32, #tpu.memory_space<vmem_shared>>
        tpu.enqueue_dma source(%dma_start3A_187 : memref<632x16xf32, #tpu.memory_space<vmem_shared>>) target(%dma_start3A_184 : memref<632x16xf32, #tpu.memory_space<hbm>>) target_semaphore(%run_scoped3A : memref<!tpu.dma_semaphore, #tpu.memory_space<semaphore_mem>>)
        %dma_wait3A = arith.constant 0 : i32
        %dma_wait3A_188 = tpu.memref_slice %arg9[%add3A_182, %dma_wait3A] : memref<20224x16xf32, #tpu.memory_space<hbm>> -> memref<632x16xf32, #tpu.memory_space<hbm>>
        %dma_wait3A_189 = arith.constant 3160 : i32
        %dma_wait3A_190 = arith.constant 0 : i32
        %dma_wait3A_191 = tpu.memref_slice %arg18[%dma_wait3A_189, %dma_wait3A_190] : memref<10112x16xf32, #tpu.memory_space<vmem_shared>> -> memref<632x16xf32, #tpu.memory_space<vmem_shared>>
        tpu.wait_dma2 semaphore(%run_scoped3A : memref<!tpu.dma_semaphore, #tpu.memory_space<semaphore_mem>>) src(%dma_wait3A_191 : memref<632x16xf32, #tpu.memory_space<vmem_shared>>) dst(%dma_wait3A_188 : memref<632x16xf32, #tpu.memory_space<hbm>>)
        tpu.yield
      }) : () -> ()
    } else {
    }
    %eq3A_129 = arith.constant 6 : i32
    %eq3A_130 = arith.cmpi eq, %arg1, %eq3A_129 : i32
    %convert_element_type3A_131 = arith.extui %eq3A_130 : i1 to i32
    %cond3A_132 = arith.constant 0 : i32
    %cond3A_133 = arith.cmpi ne, %convert_element_type3A_131, %cond3A_132 : i32
    scf.if %cond3A_133 {
      %mul3A_179 = arith.constant 10112 : i32
      %mul3A_180 = arith.muli %arg0, %mul3A_179 : i32
      %add3A_181 = arith.constant 3792 : i32
      %add3A_182 = arith.addi %mul3A_180, %add3A_181 : i32
      "tpu.region"() ({
        %run_scoped3A = tpu.sem_alloc : memref<!tpu.dma_semaphore, #tpu.memory_space<semaphore_mem>>
        %dma_start3A_183 = arith.constant 0 : i32
        %dma_start3A_184 = tpu.memref_slice %arg8[%add3A_182, %dma_start3A_183] : memref<20224x128xf32, #tpu.memory_space<hbm>> -> memref<632x128xf32, #tpu.memory_space<hbm>>
        %dma_start3A_185 = arith.constant 3792 : i32
        %dma_start3A_186 = arith.constant 0 : i32
        %dma_start3A_187 = tpu.memref_slice %arg17[%dma_start3A_185, %dma_start3A_186] : memref<10112x128xf32, #tpu.memory_space<vmem_shared>> -> memref<632x128xf32, #tpu.memory_space<vmem_shared>>
        tpu.enqueue_dma source(%dma_start3A_187 : memref<632x128xf32, #tpu.memory_space<vmem_shared>>) target(%dma_start3A_184 : memref<632x128xf32, #tpu.memory_space<hbm>>) target_semaphore(%run_scoped3A : memref<!tpu.dma_semaphore, #tpu.memory_space<semaphore_mem>>)
        %dma_wait3A = arith.constant 0 : i32
        %dma_wait3A_188 = tpu.memref_slice %arg8[%add3A_182, %dma_wait3A] : memref<20224x128xf32, #tpu.memory_space<hbm>> -> memref<632x128xf32, #tpu.memory_space<hbm>>
        %dma_wait3A_189 = arith.constant 3792 : i32
        %dma_wait3A_190 = arith.constant 0 : i32
        %dma_wait3A_191 = tpu.memref_slice %arg17[%dma_wait3A_189, %dma_wait3A_190] : memref<10112x128xf32, #tpu.memory_space<vmem_shared>> -> memref<632x128xf32, #tpu.memory_space<vmem_shared>>
        tpu.wait_dma2 semaphore(%run_scoped3A : memref<!tpu.dma_semaphore, #tpu.memory_space<semaphore_mem>>) src(%dma_wait3A_191 : memref<632x128xf32, #tpu.memory_space<vmem_shared>>) dst(%dma_wait3A_188 : memref<632x128xf32, #tpu.memory_space<hbm>>)
        tpu.yield
      }) : () -> ()
      "tpu.region"() ({
        %run_scoped3A = tpu.sem_alloc : memref<!tpu.dma_semaphore, #tpu.memory_space<semaphore_mem>>
        %dma_start3A_183 = arith.constant 0 : i32
        %dma_start3A_184 = tpu.memref_slice %arg9[%add3A_182, %dma_start3A_183] : memref<20224x16xf32, #tpu.memory_space<hbm>> -> memref<632x16xf32, #tpu.memory_space<hbm>>
        %dma_start3A_185 = arith.constant 3792 : i32
        %dma_start3A_186 = arith.constant 0 : i32
        %dma_start3A_187 = tpu.memref_slice %arg18[%dma_start3A_185, %dma_start3A_186] : memref<10112x16xf32, #tpu.memory_space<vmem_shared>> -> memref<632x16xf32, #tpu.memory_space<vmem_shared>>
        tpu.enqueue_dma source(%dma_start3A_187 : memref<632x16xf32, #tpu.memory_space<vmem_shared>>) target(%dma_start3A_184 : memref<632x16xf32, #tpu.memory_space<hbm>>) target_semaphore(%run_scoped3A : memref<!tpu.dma_semaphore, #tpu.memory_space<semaphore_mem>>)
        %dma_wait3A = arith.constant 0 : i32
        %dma_wait3A_188 = tpu.memref_slice %arg9[%add3A_182, %dma_wait3A] : memref<20224x16xf32, #tpu.memory_space<hbm>> -> memref<632x16xf32, #tpu.memory_space<hbm>>
        %dma_wait3A_189 = arith.constant 3792 : i32
        %dma_wait3A_190 = arith.constant 0 : i32
        %dma_wait3A_191 = tpu.memref_slice %arg18[%dma_wait3A_189, %dma_wait3A_190] : memref<10112x16xf32, #tpu.memory_space<vmem_shared>> -> memref<632x16xf32, #tpu.memory_space<vmem_shared>>
        tpu.wait_dma2 semaphore(%run_scoped3A : memref<!tpu.dma_semaphore, #tpu.memory_space<semaphore_mem>>) src(%dma_wait3A_191 : memref<632x16xf32, #tpu.memory_space<vmem_shared>>) dst(%dma_wait3A_188 : memref<632x16xf32, #tpu.memory_space<hbm>>)
        tpu.yield
      }) : () -> ()
    } else {
    }
    %eq3A_134 = arith.constant 7 : i32
    %eq3A_135 = arith.cmpi eq, %arg1, %eq3A_134 : i32
    %convert_element_type3A_136 = arith.extui %eq3A_135 : i1 to i32
    %cond3A_137 = arith.constant 0 : i32
    %cond3A_138 = arith.cmpi ne, %convert_element_type3A_136, %cond3A_137 : i32
    scf.if %cond3A_138 {
      %mul3A_179 = arith.constant 10112 : i32
      %mul3A_180 = arith.muli %arg0, %mul3A_179 : i32
      %add3A_181 = arith.constant 4424 : i32
      %add3A_182 = arith.addi %mul3A_180, %add3A_181 : i32
      "tpu.region"() ({
        %run_scoped3A = tpu.sem_alloc : memref<!tpu.dma_semaphore, #tpu.memory_space<semaphore_mem>>
        %dma_start3A_183 = arith.constant 0 : i32
        %dma_start3A_184 = tpu.memref_slice %arg8[%add3A_182, %dma_start3A_183] : memref<20224x128xf32, #tpu.memory_space<hbm>> -> memref<632x128xf32, #tpu.memory_space<hbm>>
        %dma_start3A_185 = arith.constant 4424 : i32
        %dma_start3A_186 = arith.constant 0 : i32
        %dma_start3A_187 = tpu.memref_slice %arg17[%dma_start3A_185, %dma_start3A_186] : memref<10112x128xf32, #tpu.memory_space<vmem_shared>> -> memref<632x128xf32, #tpu.memory_space<vmem_shared>>
        tpu.enqueue_dma source(%dma_start3A_187 : memref<632x128xf32, #tpu.memory_space<vmem_shared>>) target(%dma_start3A_184 : memref<632x128xf32, #tpu.memory_space<hbm>>) target_semaphore(%run_scoped3A : memref<!tpu.dma_semaphore, #tpu.memory_space<semaphore_mem>>)
        %dma_wait3A = arith.constant 0 : i32
        %dma_wait3A_188 = tpu.memref_slice %arg8[%add3A_182, %dma_wait3A] : memref<20224x128xf32, #tpu.memory_space<hbm>> -> memref<632x128xf32, #tpu.memory_space<hbm>>
        %dma_wait3A_189 = arith.constant 4424 : i32
        %dma_wait3A_190 = arith.constant 0 : i32
        %dma_wait3A_191 = tpu.memref_slice %arg17[%dma_wait3A_189, %dma_wait3A_190] : memref<10112x128xf32, #tpu.memory_space<vmem_shared>> -> memref<632x128xf32, #tpu.memory_space<vmem_shared>>
        tpu.wait_dma2 semaphore(%run_scoped3A : memref<!tpu.dma_semaphore, #tpu.memory_space<semaphore_mem>>) src(%dma_wait3A_191 : memref<632x128xf32, #tpu.memory_space<vmem_shared>>) dst(%dma_wait3A_188 : memref<632x128xf32, #tpu.memory_space<hbm>>)
        tpu.yield
      }) : () -> ()
      "tpu.region"() ({
        %run_scoped3A = tpu.sem_alloc : memref<!tpu.dma_semaphore, #tpu.memory_space<semaphore_mem>>
        %dma_start3A_183 = arith.constant 0 : i32
        %dma_start3A_184 = tpu.memref_slice %arg9[%add3A_182, %dma_start3A_183] : memref<20224x16xf32, #tpu.memory_space<hbm>> -> memref<632x16xf32, #tpu.memory_space<hbm>>
        %dma_start3A_185 = arith.constant 4424 : i32
        %dma_start3A_186 = arith.constant 0 : i32
        %dma_start3A_187 = tpu.memref_slice %arg18[%dma_start3A_185, %dma_start3A_186] : memref<10112x16xf32, #tpu.memory_space<vmem_shared>> -> memref<632x16xf32, #tpu.memory_space<vmem_shared>>
        tpu.enqueue_dma source(%dma_start3A_187 : memref<632x16xf32, #tpu.memory_space<vmem_shared>>) target(%dma_start3A_184 : memref<632x16xf32, #tpu.memory_space<hbm>>) target_semaphore(%run_scoped3A : memref<!tpu.dma_semaphore, #tpu.memory_space<semaphore_mem>>)
        %dma_wait3A = arith.constant 0 : i32
        %dma_wait3A_188 = tpu.memref_slice %arg9[%add3A_182, %dma_wait3A] : memref<20224x16xf32, #tpu.memory_space<hbm>> -> memref<632x16xf32, #tpu.memory_space<hbm>>
        %dma_wait3A_189 = arith.constant 4424 : i32
        %dma_wait3A_190 = arith.constant 0 : i32
        %dma_wait3A_191 = tpu.memref_slice %arg18[%dma_wait3A_189, %dma_wait3A_190] : memref<10112x16xf32, #tpu.memory_space<vmem_shared>> -> memref<632x16xf32, #tpu.memory_space<vmem_shared>>
        tpu.wait_dma2 semaphore(%run_scoped3A : memref<!tpu.dma_semaphore, #tpu.memory_space<semaphore_mem>>) src(%dma_wait3A_191 : memref<632x16xf32, #tpu.memory_space<vmem_shared>>) dst(%dma_wait3A_188 : memref<632x16xf32, #tpu.memory_space<hbm>>)
        tpu.yield
      }) : () -> ()
    } else {
    }
    %eq3A_139 = arith.constant 8 : i32
    %eq3A_140 = arith.cmpi eq, %arg1, %eq3A_139 : i32
    %convert_element_type3A_141 = arith.extui %eq3A_140 : i1 to i32
    %cond3A_142 = arith.constant 0 : i32
    %cond3A_143 = arith.cmpi ne, %convert_element_type3A_141, %cond3A_142 : i32
    scf.if %cond3A_143 {
      %mul3A_179 = arith.constant 10112 : i32
      %mul3A_180 = arith.muli %arg0, %mul3A_179 : i32
      %add3A_181 = arith.constant 5056 : i32
      %add3A_182 = arith.addi %mul3A_180, %add3A_181 : i32
      "tpu.region"() ({
        %run_scoped3A = tpu.sem_alloc : memref<!tpu.dma_semaphore, #tpu.memory_space<semaphore_mem>>
        %dma_start3A_183 = arith.constant 0 : i32
        %dma_start3A_184 = tpu.memref_slice %arg8[%add3A_182, %dma_start3A_183] : memref<20224x128xf32, #tpu.memory_space<hbm>> -> memref<632x128xf32, #tpu.memory_space<hbm>>
        %dma_start3A_185 = arith.constant 5056 : i32
        %dma_start3A_186 = arith.constant 0 : i32
        %dma_start3A_187 = tpu.memref_slice %arg17[%dma_start3A_185, %dma_start3A_186] : memref<10112x128xf32, #tpu.memory_space<vmem_shared>> -> memref<632x128xf32, #tpu.memory_space<vmem_shared>>
        tpu.enqueue_dma source(%dma_start3A_187 : memref<632x128xf32, #tpu.memory_space<vmem_shared>>) target(%dma_start3A_184 : memref<632x128xf32, #tpu.memory_space<hbm>>) target_semaphore(%run_scoped3A : memref<!tpu.dma_semaphore, #tpu.memory_space<semaphore_mem>>)
        %dma_wait3A = arith.constant 0 : i32
        %dma_wait3A_188 = tpu.memref_slice %arg8[%add3A_182, %dma_wait3A] : memref<20224x128xf32, #tpu.memory_space<hbm>> -> memref<632x128xf32, #tpu.memory_space<hbm>>
        %dma_wait3A_189 = arith.constant 5056 : i32
        %dma_wait3A_190 = arith.constant 0 : i32
        %dma_wait3A_191 = tpu.memref_slice %arg17[%dma_wait3A_189, %dma_wait3A_190] : memref<10112x128xf32, #tpu.memory_space<vmem_shared>> -> memref<632x128xf32, #tpu.memory_space<vmem_shared>>
        tpu.wait_dma2 semaphore(%run_scoped3A : memref<!tpu.dma_semaphore, #tpu.memory_space<semaphore_mem>>) src(%dma_wait3A_191 : memref<632x128xf32, #tpu.memory_space<vmem_shared>>) dst(%dma_wait3A_188 : memref<632x128xf32, #tpu.memory_space<hbm>>)
        tpu.yield
      }) : () -> ()
      "tpu.region"() ({
        %run_scoped3A = tpu.sem_alloc : memref<!tpu.dma_semaphore, #tpu.memory_space<semaphore_mem>>
        %dma_start3A_183 = arith.constant 0 : i32
        %dma_start3A_184 = tpu.memref_slice %arg9[%add3A_182, %dma_start3A_183] : memref<20224x16xf32, #tpu.memory_space<hbm>> -> memref<632x16xf32, #tpu.memory_space<hbm>>
        %dma_start3A_185 = arith.constant 5056 : i32
        %dma_start3A_186 = arith.constant 0 : i32
        %dma_start3A_187 = tpu.memref_slice %arg18[%dma_start3A_185, %dma_start3A_186] : memref<10112x16xf32, #tpu.memory_space<vmem_shared>> -> memref<632x16xf32, #tpu.memory_space<vmem_shared>>
        tpu.enqueue_dma source(%dma_start3A_187 : memref<632x16xf32, #tpu.memory_space<vmem_shared>>) target(%dma_start3A_184 : memref<632x16xf32, #tpu.memory_space<hbm>>) target_semaphore(%run_scoped3A : memref<!tpu.dma_semaphore, #tpu.memory_space<semaphore_mem>>)
        %dma_wait3A = arith.constant 0 : i32
        %dma_wait3A_188 = tpu.memref_slice %arg9[%add3A_182, %dma_wait3A] : memref<20224x16xf32, #tpu.memory_space<hbm>> -> memref<632x16xf32, #tpu.memory_space<hbm>>
        %dma_wait3A_189 = arith.constant 5056 : i32
        %dma_wait3A_190 = arith.constant 0 : i32
        %dma_wait3A_191 = tpu.memref_slice %arg18[%dma_wait3A_189, %dma_wait3A_190] : memref<10112x16xf32, #tpu.memory_space<vmem_shared>> -> memref<632x16xf32, #tpu.memory_space<vmem_shared>>
        tpu.wait_dma2 semaphore(%run_scoped3A : memref<!tpu.dma_semaphore, #tpu.memory_space<semaphore_mem>>) src(%dma_wait3A_191 : memref<632x16xf32, #tpu.memory_space<vmem_shared>>) dst(%dma_wait3A_188 : memref<632x16xf32, #tpu.memory_space<hbm>>)
        tpu.yield
      }) : () -> ()
    } else {
    }
    %eq3A_144 = arith.constant 9 : i32
    %eq3A_145 = arith.cmpi eq, %arg1, %eq3A_144 : i32
    %convert_element_type3A_146 = arith.extui %eq3A_145 : i1 to i32
    %cond3A_147 = arith.constant 0 : i32
    %cond3A_148 = arith.cmpi ne, %convert_element_type3A_146, %cond3A_147 : i32
    scf.if %cond3A_148 {
      %mul3A_179 = arith.constant 10112 : i32
      %mul3A_180 = arith.muli %arg0, %mul3A_179 : i32
      %add3A_181 = arith.constant 5688 : i32
      %add3A_182 = arith.addi %mul3A_180, %add3A_181 : i32
      "tpu.region"() ({
        %run_scoped3A = tpu.sem_alloc : memref<!tpu.dma_semaphore, #tpu.memory_space<semaphore_mem>>
        %dma_start3A_183 = arith.constant 0 : i32
        %dma_start3A_184 = tpu.memref_slice %arg8[%add3A_182, %dma_start3A_183] : memref<20224x128xf32, #tpu.memory_space<hbm>> -> memref<632x128xf32, #tpu.memory_space<hbm>>
        %dma_start3A_185 = arith.constant 5688 : i32
        %dma_start3A_186 = arith.constant 0 : i32
        %dma_start3A_187 = tpu.memref_slice %arg17[%dma_start3A_185, %dma_start3A_186] : memref<10112x128xf32, #tpu.memory_space<vmem_shared>> -> memref<632x128xf32, #tpu.memory_space<vmem_shared>>
        tpu.enqueue_dma source(%dma_start3A_187 : memref<632x128xf32, #tpu.memory_space<vmem_shared>>) target(%dma_start3A_184 : memref<632x128xf32, #tpu.memory_space<hbm>>) target_semaphore(%run_scoped3A : memref<!tpu.dma_semaphore, #tpu.memory_space<semaphore_mem>>)
        %dma_wait3A = arith.constant 0 : i32
        %dma_wait3A_188 = tpu.memref_slice %arg8[%add3A_182, %dma_wait3A] : memref<20224x128xf32, #tpu.memory_space<hbm>> -> memref<632x128xf32, #tpu.memory_space<hbm>>
        %dma_wait3A_189 = arith.constant 5688 : i32
        %dma_wait3A_190 = arith.constant 0 : i32
        %dma_wait3A_191 = tpu.memref_slice %arg17[%dma_wait3A_189, %dma_wait3A_190] : memref<10112x128xf32, #tpu.memory_space<vmem_shared>> -> memref<632x128xf32, #tpu.memory_space<vmem_shared>>
        tpu.wait_dma2 semaphore(%run_scoped3A : memref<!tpu.dma_semaphore, #tpu.memory_space<semaphore_mem>>) src(%dma_wait3A_191 : memref<632x128xf32, #tpu.memory_space<vmem_shared>>) dst(%dma_wait3A_188 : memref<632x128xf32, #tpu.memory_space<hbm>>)
        tpu.yield
      }) : () -> ()
      "tpu.region"() ({
        %run_scoped3A = tpu.sem_alloc : memref<!tpu.dma_semaphore, #tpu.memory_space<semaphore_mem>>
        %dma_start3A_183 = arith.constant 0 : i32
        %dma_start3A_184 = tpu.memref_slice %arg9[%add3A_182, %dma_start3A_183] : memref<20224x16xf32, #tpu.memory_space<hbm>> -> memref<632x16xf32, #tpu.memory_space<hbm>>
        %dma_start3A_185 = arith.constant 5688 : i32
        %dma_start3A_186 = arith.constant 0 : i32
        %dma_start3A_187 = tpu.memref_slice %arg18[%dma_start3A_185, %dma_start3A_186] : memref<10112x16xf32, #tpu.memory_space<vmem_shared>> -> memref<632x16xf32, #tpu.memory_space<vmem_shared>>
        tpu.enqueue_dma source(%dma_start3A_187 : memref<632x16xf32, #tpu.memory_space<vmem_shared>>) target(%dma_start3A_184 : memref<632x16xf32, #tpu.memory_space<hbm>>) target_semaphore(%run_scoped3A : memref<!tpu.dma_semaphore, #tpu.memory_space<semaphore_mem>>)
        %dma_wait3A = arith.constant 0 : i32
        %dma_wait3A_188 = tpu.memref_slice %arg9[%add3A_182, %dma_wait3A] : memref<20224x16xf32, #tpu.memory_space<hbm>> -> memref<632x16xf32, #tpu.memory_space<hbm>>
        %dma_wait3A_189 = arith.constant 5688 : i32
        %dma_wait3A_190 = arith.constant 0 : i32
        %dma_wait3A_191 = tpu.memref_slice %arg18[%dma_wait3A_189, %dma_wait3A_190] : memref<10112x16xf32, #tpu.memory_space<vmem_shared>> -> memref<632x16xf32, #tpu.memory_space<vmem_shared>>
        tpu.wait_dma2 semaphore(%run_scoped3A : memref<!tpu.dma_semaphore, #tpu.memory_space<semaphore_mem>>) src(%dma_wait3A_191 : memref<632x16xf32, #tpu.memory_space<vmem_shared>>) dst(%dma_wait3A_188 : memref<632x16xf32, #tpu.memory_space<hbm>>)
        tpu.yield
      }) : () -> ()
    } else {
    }
    %eq3A_149 = arith.constant 10 : i32
    %eq3A_150 = arith.cmpi eq, %arg1, %eq3A_149 : i32
    %convert_element_type3A_151 = arith.extui %eq3A_150 : i1 to i32
    %cond3A_152 = arith.constant 0 : i32
    %cond3A_153 = arith.cmpi ne, %convert_element_type3A_151, %cond3A_152 : i32
    scf.if %cond3A_153 {
      %mul3A_179 = arith.constant 10112 : i32
      %mul3A_180 = arith.muli %arg0, %mul3A_179 : i32
      %add3A_181 = arith.constant 6320 : i32
      %add3A_182 = arith.addi %mul3A_180, %add3A_181 : i32
      "tpu.region"() ({
        %run_scoped3A = tpu.sem_alloc : memref<!tpu.dma_semaphore, #tpu.memory_space<semaphore_mem>>
        %dma_start3A_183 = arith.constant 0 : i32
        %dma_start3A_184 = tpu.memref_slice %arg8[%add3A_182, %dma_start3A_183] : memref<20224x128xf32, #tpu.memory_space<hbm>> -> memref<632x128xf32, #tpu.memory_space<hbm>>
        %dma_start3A_185 = arith.constant 6320 : i32
        %dma_start3A_186 = arith.constant 0 : i32
        %dma_start3A_187 = tpu.memref_slice %arg17[%dma_start3A_185, %dma_start3A_186] : memref<10112x128xf32, #tpu.memory_space<vmem_shared>> -> memref<632x128xf32, #tpu.memory_space<vmem_shared>>
        tpu.enqueue_dma source(%dma_start3A_187 : memref<632x128xf32, #tpu.memory_space<vmem_shared>>) target(%dma_start3A_184 : memref<632x128xf32, #tpu.memory_space<hbm>>) target_semaphore(%run_scoped3A : memref<!tpu.dma_semaphore, #tpu.memory_space<semaphore_mem>>)
        %dma_wait3A = arith.constant 0 : i32
        %dma_wait3A_188 = tpu.memref_slice %arg8[%add3A_182, %dma_wait3A] : memref<20224x128xf32, #tpu.memory_space<hbm>> -> memref<632x128xf32, #tpu.memory_space<hbm>>
        %dma_wait3A_189 = arith.constant 6320 : i32
        %dma_wait3A_190 = arith.constant 0 : i32
        %dma_wait3A_191 = tpu.memref_slice %arg17[%dma_wait3A_189, %dma_wait3A_190] : memref<10112x128xf32, #tpu.memory_space<vmem_shared>> -> memref<632x128xf32, #tpu.memory_space<vmem_shared>>
        tpu.wait_dma2 semaphore(%run_scoped3A : memref<!tpu.dma_semaphore, #tpu.memory_space<semaphore_mem>>) src(%dma_wait3A_191 : memref<632x128xf32, #tpu.memory_space<vmem_shared>>) dst(%dma_wait3A_188 : memref<632x128xf32, #tpu.memory_space<hbm>>)
        tpu.yield
      }) : () -> ()
      "tpu.region"() ({
        %run_scoped3A = tpu.sem_alloc : memref<!tpu.dma_semaphore, #tpu.memory_space<semaphore_mem>>
        %dma_start3A_183 = arith.constant 0 : i32
        %dma_start3A_184 = tpu.memref_slice %arg9[%add3A_182, %dma_start3A_183] : memref<20224x16xf32, #tpu.memory_space<hbm>> -> memref<632x16xf32, #tpu.memory_space<hbm>>
        %dma_start3A_185 = arith.constant 6320 : i32
        %dma_start3A_186 = arith.constant 0 : i32
        %dma_start3A_187 = tpu.memref_slice %arg18[%dma_start3A_185, %dma_start3A_186] : memref<10112x16xf32, #tpu.memory_space<vmem_shared>> -> memref<632x16xf32, #tpu.memory_space<vmem_shared>>
        tpu.enqueue_dma source(%dma_start3A_187 : memref<632x16xf32, #tpu.memory_space<vmem_shared>>) target(%dma_start3A_184 : memref<632x16xf32, #tpu.memory_space<hbm>>) target_semaphore(%run_scoped3A : memref<!tpu.dma_semaphore, #tpu.memory_space<semaphore_mem>>)
        %dma_wait3A = arith.constant 0 : i32
        %dma_wait3A_188 = tpu.memref_slice %arg9[%add3A_182, %dma_wait3A] : memref<20224x16xf32, #tpu.memory_space<hbm>> -> memref<632x16xf32, #tpu.memory_space<hbm>>
        %dma_wait3A_189 = arith.constant 6320 : i32
        %dma_wait3A_190 = arith.constant 0 : i32
        %dma_wait3A_191 = tpu.memref_slice %arg18[%dma_wait3A_189, %dma_wait3A_190] : memref<10112x16xf32, #tpu.memory_space<vmem_shared>> -> memref<632x16xf32, #tpu.memory_space<vmem_shared>>
        tpu.wait_dma2 semaphore(%run_scoped3A : memref<!tpu.dma_semaphore, #tpu.memory_space<semaphore_mem>>) src(%dma_wait3A_191 : memref<632x16xf32, #tpu.memory_space<vmem_shared>>) dst(%dma_wait3A_188 : memref<632x16xf32, #tpu.memory_space<hbm>>)
        tpu.yield
      }) : () -> ()
    } else {
    }
    %eq3A_154 = arith.constant 11 : i32
    %eq3A_155 = arith.cmpi eq, %arg1, %eq3A_154 : i32
    %convert_element_type3A_156 = arith.extui %eq3A_155 : i1 to i32
    %cond3A_157 = arith.constant 0 : i32
    %cond3A_158 = arith.cmpi ne, %convert_element_type3A_156, %cond3A_157 : i32
    scf.if %cond3A_158 {
      %mul3A_179 = arith.constant 10112 : i32
      %mul3A_180 = arith.muli %arg0, %mul3A_179 : i32
      %add3A_181 = arith.constant 6952 : i32
      %add3A_182 = arith.addi %mul3A_180, %add3A_181 : i32
      "tpu.region"() ({
        %run_scoped3A = tpu.sem_alloc : memref<!tpu.dma_semaphore, #tpu.memory_space<semaphore_mem>>
        %dma_start3A_183 = arith.constant 0 : i32
        %dma_start3A_184 = tpu.memref_slice %arg8[%add3A_182, %dma_start3A_183] : memref<20224x128xf32, #tpu.memory_space<hbm>> -> memref<632x128xf32, #tpu.memory_space<hbm>>
        %dma_start3A_185 = arith.constant 6952 : i32
        %dma_start3A_186 = arith.constant 0 : i32
        %dma_start3A_187 = tpu.memref_slice %arg17[%dma_start3A_185, %dma_start3A_186] : memref<10112x128xf32, #tpu.memory_space<vmem_shared>> -> memref<632x128xf32, #tpu.memory_space<vmem_shared>>
        tpu.enqueue_dma source(%dma_start3A_187 : memref<632x128xf32, #tpu.memory_space<vmem_shared>>) target(%dma_start3A_184 : memref<632x128xf32, #tpu.memory_space<hbm>>) target_semaphore(%run_scoped3A : memref<!tpu.dma_semaphore, #tpu.memory_space<semaphore_mem>>)
        %dma_wait3A = arith.constant 0 : i32
        %dma_wait3A_188 = tpu.memref_slice %arg8[%add3A_182, %dma_wait3A] : memref<20224x128xf32, #tpu.memory_space<hbm>> -> memref<632x128xf32, #tpu.memory_space<hbm>>
        %dma_wait3A_189 = arith.constant 6952 : i32
        %dma_wait3A_190 = arith.constant 0 : i32
        %dma_wait3A_191 = tpu.memref_slice %arg17[%dma_wait3A_189, %dma_wait3A_190] : memref<10112x128xf32, #tpu.memory_space<vmem_shared>> -> memref<632x128xf32, #tpu.memory_space<vmem_shared>>
        tpu.wait_dma2 semaphore(%run_scoped3A : memref<!tpu.dma_semaphore, #tpu.memory_space<semaphore_mem>>) src(%dma_wait3A_191 : memref<632x128xf32, #tpu.memory_space<vmem_shared>>) dst(%dma_wait3A_188 : memref<632x128xf32, #tpu.memory_space<hbm>>)
        tpu.yield
      }) : () -> ()
      "tpu.region"() ({
        %run_scoped3A = tpu.sem_alloc : memref<!tpu.dma_semaphore, #tpu.memory_space<semaphore_mem>>
        %dma_start3A_183 = arith.constant 0 : i32
        %dma_start3A_184 = tpu.memref_slice %arg9[%add3A_182, %dma_start3A_183] : memref<20224x16xf32, #tpu.memory_space<hbm>> -> memref<632x16xf32, #tpu.memory_space<hbm>>
        %dma_start3A_185 = arith.constant 6952 : i32
        %dma_start3A_186 = arith.constant 0 : i32
        %dma_start3A_187 = tpu.memref_slice %arg18[%dma_start3A_185, %dma_start3A_186] : memref<10112x16xf32, #tpu.memory_space<vmem_shared>> -> memref<632x16xf32, #tpu.memory_space<vmem_shared>>
        tpu.enqueue_dma source(%dma_start3A_187 : memref<632x16xf32, #tpu.memory_space<vmem_shared>>) target(%dma_start3A_184 : memref<632x16xf32, #tpu.memory_space<hbm>>) target_semaphore(%run_scoped3A : memref<!tpu.dma_semaphore, #tpu.memory_space<semaphore_mem>>)
        %dma_wait3A = arith.constant 0 : i32
        %dma_wait3A_188 = tpu.memref_slice %arg9[%add3A_182, %dma_wait3A] : memref<20224x16xf32, #tpu.memory_space<hbm>> -> memref<632x16xf32, #tpu.memory_space<hbm>>
        %dma_wait3A_189 = arith.constant 6952 : i32
        %dma_wait3A_190 = arith.constant 0 : i32
        %dma_wait3A_191 = tpu.memref_slice %arg18[%dma_wait3A_189, %dma_wait3A_190] : memref<10112x16xf32, #tpu.memory_space<vmem_shared>> -> memref<632x16xf32, #tpu.memory_space<vmem_shared>>
        tpu.wait_dma2 semaphore(%run_scoped3A : memref<!tpu.dma_semaphore, #tpu.memory_space<semaphore_mem>>) src(%dma_wait3A_191 : memref<632x16xf32, #tpu.memory_space<vmem_shared>>) dst(%dma_wait3A_188 : memref<632x16xf32, #tpu.memory_space<hbm>>)
        tpu.yield
      }) : () -> ()
    } else {
    }
    %eq3A_159 = arith.constant 12 : i32
    %eq3A_160 = arith.cmpi eq, %arg1, %eq3A_159 : i32
    %convert_element_type3A_161 = arith.extui %eq3A_160 : i1 to i32
    %cond3A_162 = arith.constant 0 : i32
    %cond3A_163 = arith.cmpi ne, %convert_element_type3A_161, %cond3A_162 : i32
    scf.if %cond3A_163 {
      %mul3A_179 = arith.constant 10112 : i32
      %mul3A_180 = arith.muli %arg0, %mul3A_179 : i32
      %add3A_181 = arith.constant 7584 : i32
      %add3A_182 = arith.addi %mul3A_180, %add3A_181 : i32
      "tpu.region"() ({
        %run_scoped3A = tpu.sem_alloc : memref<!tpu.dma_semaphore, #tpu.memory_space<semaphore_mem>>
        %dma_start3A_183 = arith.constant 0 : i32
        %dma_start3A_184 = tpu.memref_slice %arg8[%add3A_182, %dma_start3A_183] : memref<20224x128xf32, #tpu.memory_space<hbm>> -> memref<632x128xf32, #tpu.memory_space<hbm>>
        %dma_start3A_185 = arith.constant 7584 : i32
        %dma_start3A_186 = arith.constant 0 : i32
        %dma_start3A_187 = tpu.memref_slice %arg17[%dma_start3A_185, %dma_start3A_186] : memref<10112x128xf32, #tpu.memory_space<vmem_shared>> -> memref<632x128xf32, #tpu.memory_space<vmem_shared>>
        tpu.enqueue_dma source(%dma_start3A_187 : memref<632x128xf32, #tpu.memory_space<vmem_shared>>) target(%dma_start3A_184 : memref<632x128xf32, #tpu.memory_space<hbm>>) target_semaphore(%run_scoped3A : memref<!tpu.dma_semaphore, #tpu.memory_space<semaphore_mem>>)
        %dma_wait3A = arith.constant 0 : i32
        %dma_wait3A_188 = tpu.memref_slice %arg8[%add3A_182, %dma_wait3A] : memref<20224x128xf32, #tpu.memory_space<hbm>> -> memref<632x128xf32, #tpu.memory_space<hbm>>
        %dma_wait3A_189 = arith.constant 7584 : i32
        %dma_wait3A_190 = arith.constant 0 : i32
        %dma_wait3A_191 = tpu.memref_slice %arg17[%dma_wait3A_189, %dma_wait3A_190] : memref<10112x128xf32, #tpu.memory_space<vmem_shared>> -> memref<632x128xf32, #tpu.memory_space<vmem_shared>>
        tpu.wait_dma2 semaphore(%run_scoped3A : memref<!tpu.dma_semaphore, #tpu.memory_space<semaphore_mem>>) src(%dma_wait3A_191 : memref<632x128xf32, #tpu.memory_space<vmem_shared>>) dst(%dma_wait3A_188 : memref<632x128xf32, #tpu.memory_space<hbm>>)
        tpu.yield
      }) : () -> ()
      "tpu.region"() ({
        %run_scoped3A = tpu.sem_alloc : memref<!tpu.dma_semaphore, #tpu.memory_space<semaphore_mem>>
        %dma_start3A_183 = arith.constant 0 : i32
        %dma_start3A_184 = tpu.memref_slice %arg9[%add3A_182, %dma_start3A_183] : memref<20224x16xf32, #tpu.memory_space<hbm>> -> memref<632x16xf32, #tpu.memory_space<hbm>>
        %dma_start3A_185 = arith.constant 7584 : i32
        %dma_start3A_186 = arith.constant 0 : i32
        %dma_start3A_187 = tpu.memref_slice %arg18[%dma_start3A_185, %dma_start3A_186] : memref<10112x16xf32, #tpu.memory_space<vmem_shared>> -> memref<632x16xf32, #tpu.memory_space<vmem_shared>>
        tpu.enqueue_dma source(%dma_start3A_187 : memref<632x16xf32, #tpu.memory_space<vmem_shared>>) target(%dma_start3A_184 : memref<632x16xf32, #tpu.memory_space<hbm>>) target_semaphore(%run_scoped3A : memref<!tpu.dma_semaphore, #tpu.memory_space<semaphore_mem>>)
        %dma_wait3A = arith.constant 0 : i32
        %dma_wait3A_188 = tpu.memref_slice %arg9[%add3A_182, %dma_wait3A] : memref<20224x16xf32, #tpu.memory_space<hbm>> -> memref<632x16xf32, #tpu.memory_space<hbm>>
        %dma_wait3A_189 = arith.constant 7584 : i32
        %dma_wait3A_190 = arith.constant 0 : i32
        %dma_wait3A_191 = tpu.memref_slice %arg18[%dma_wait3A_189, %dma_wait3A_190] : memref<10112x16xf32, #tpu.memory_space<vmem_shared>> -> memref<632x16xf32, #tpu.memory_space<vmem_shared>>
        tpu.wait_dma2 semaphore(%run_scoped3A : memref<!tpu.dma_semaphore, #tpu.memory_space<semaphore_mem>>) src(%dma_wait3A_191 : memref<632x16xf32, #tpu.memory_space<vmem_shared>>) dst(%dma_wait3A_188 : memref<632x16xf32, #tpu.memory_space<hbm>>)
        tpu.yield
      }) : () -> ()
    } else {
    }
    %eq3A_164 = arith.constant 13 : i32
    %eq3A_165 = arith.cmpi eq, %arg1, %eq3A_164 : i32
    %convert_element_type3A_166 = arith.extui %eq3A_165 : i1 to i32
    %cond3A_167 = arith.constant 0 : i32
    %cond3A_168 = arith.cmpi ne, %convert_element_type3A_166, %cond3A_167 : i32
    scf.if %cond3A_168 {
      %mul3A_179 = arith.constant 10112 : i32
      %mul3A_180 = arith.muli %arg0, %mul3A_179 : i32
      %add3A_181 = arith.constant 8216 : i32
      %add3A_182 = arith.addi %mul3A_180, %add3A_181 : i32
      "tpu.region"() ({
        %run_scoped3A = tpu.sem_alloc : memref<!tpu.dma_semaphore, #tpu.memory_space<semaphore_mem>>
        %dma_start3A_183 = arith.constant 0 : i32
        %dma_start3A_184 = tpu.memref_slice %arg8[%add3A_182, %dma_start3A_183] : memref<20224x128xf32, #tpu.memory_space<hbm>> -> memref<632x128xf32, #tpu.memory_space<hbm>>
        %dma_start3A_185 = arith.constant 8216 : i32
        %dma_start3A_186 = arith.constant 0 : i32
        %dma_start3A_187 = tpu.memref_slice %arg17[%dma_start3A_185, %dma_start3A_186] : memref<10112x128xf32, #tpu.memory_space<vmem_shared>> -> memref<632x128xf32, #tpu.memory_space<vmem_shared>>
        tpu.enqueue_dma source(%dma_start3A_187 : memref<632x128xf32, #tpu.memory_space<vmem_shared>>) target(%dma_start3A_184 : memref<632x128xf32, #tpu.memory_space<hbm>>) target_semaphore(%run_scoped3A : memref<!tpu.dma_semaphore, #tpu.memory_space<semaphore_mem>>)
        %dma_wait3A = arith.constant 0 : i32
        %dma_wait3A_188 = tpu.memref_slice %arg8[%add3A_182, %dma_wait3A] : memref<20224x128xf32, #tpu.memory_space<hbm>> -> memref<632x128xf32, #tpu.memory_space<hbm>>
        %dma_wait3A_189 = arith.constant 8216 : i32
        %dma_wait3A_190 = arith.constant 0 : i32
        %dma_wait3A_191 = tpu.memref_slice %arg17[%dma_wait3A_189, %dma_wait3A_190] : memref<10112x128xf32, #tpu.memory_space<vmem_shared>> -> memref<632x128xf32, #tpu.memory_space<vmem_shared>>
        tpu.wait_dma2 semaphore(%run_scoped3A : memref<!tpu.dma_semaphore, #tpu.memory_space<semaphore_mem>>) src(%dma_wait3A_191 : memref<632x128xf32, #tpu.memory_space<vmem_shared>>) dst(%dma_wait3A_188 : memref<632x128xf32, #tpu.memory_space<hbm>>)
        tpu.yield
      }) : () -> ()
      "tpu.region"() ({
        %run_scoped3A = tpu.sem_alloc : memref<!tpu.dma_semaphore, #tpu.memory_space<semaphore_mem>>
        %dma_start3A_183 = arith.constant 0 : i32
        %dma_start3A_184 = tpu.memref_slice %arg9[%add3A_182, %dma_start3A_183] : memref<20224x16xf32, #tpu.memory_space<hbm>> -> memref<632x16xf32, #tpu.memory_space<hbm>>
        %dma_start3A_185 = arith.constant 8216 : i32
        %dma_start3A_186 = arith.constant 0 : i32
        %dma_start3A_187 = tpu.memref_slice %arg18[%dma_start3A_185, %dma_start3A_186] : memref<10112x16xf32, #tpu.memory_space<vmem_shared>> -> memref<632x16xf32, #tpu.memory_space<vmem_shared>>
        tpu.enqueue_dma source(%dma_start3A_187 : memref<632x16xf32, #tpu.memory_space<vmem_shared>>) target(%dma_start3A_184 : memref<632x16xf32, #tpu.memory_space<hbm>>) target_semaphore(%run_scoped3A : memref<!tpu.dma_semaphore, #tpu.memory_space<semaphore_mem>>)
        %dma_wait3A = arith.constant 0 : i32
        %dma_wait3A_188 = tpu.memref_slice %arg9[%add3A_182, %dma_wait3A] : memref<20224x16xf32, #tpu.memory_space<hbm>> -> memref<632x16xf32, #tpu.memory_space<hbm>>
        %dma_wait3A_189 = arith.constant 8216 : i32
        %dma_wait3A_190 = arith.constant 0 : i32
        %dma_wait3A_191 = tpu.memref_slice %arg18[%dma_wait3A_189, %dma_wait3A_190] : memref<10112x16xf32, #tpu.memory_space<vmem_shared>> -> memref<632x16xf32, #tpu.memory_space<vmem_shared>>
        tpu.wait_dma2 semaphore(%run_scoped3A : memref<!tpu.dma_semaphore, #tpu.memory_space<semaphore_mem>>) src(%dma_wait3A_191 : memref<632x16xf32, #tpu.memory_space<vmem_shared>>) dst(%dma_wait3A_188 : memref<632x16xf32, #tpu.memory_space<hbm>>)
        tpu.yield
      }) : () -> ()
    } else {
    }
    %eq3A_169 = arith.constant 14 : i32
    %eq3A_170 = arith.cmpi eq, %arg1, %eq3A_169 : i32
    %convert_element_type3A_171 = arith.extui %eq3A_170 : i1 to i32
    %cond3A_172 = arith.constant 0 : i32
    %cond3A_173 = arith.cmpi ne, %convert_element_type3A_171, %cond3A_172 : i32
    scf.if %cond3A_173 {
      %mul3A_179 = arith.constant 10112 : i32
      %mul3A_180 = arith.muli %arg0, %mul3A_179 : i32
      %add3A_181 = arith.constant 8848 : i32
      %add3A_182 = arith.addi %mul3A_180, %add3A_181 : i32
      "tpu.region"() ({
        %run_scoped3A = tpu.sem_alloc : memref<!tpu.dma_semaphore, #tpu.memory_space<semaphore_mem>>
        %dma_start3A_183 = arith.constant 0 : i32
        %dma_start3A_184 = tpu.memref_slice %arg8[%add3A_182, %dma_start3A_183] : memref<20224x128xf32, #tpu.memory_space<hbm>> -> memref<632x128xf32, #tpu.memory_space<hbm>>
        %dma_start3A_185 = arith.constant 8848 : i32
        %dma_start3A_186 = arith.constant 0 : i32
        %dma_start3A_187 = tpu.memref_slice %arg17[%dma_start3A_185, %dma_start3A_186] : memref<10112x128xf32, #tpu.memory_space<vmem_shared>> -> memref<632x128xf32, #tpu.memory_space<vmem_shared>>
        tpu.enqueue_dma source(%dma_start3A_187 : memref<632x128xf32, #tpu.memory_space<vmem_shared>>) target(%dma_start3A_184 : memref<632x128xf32, #tpu.memory_space<hbm>>) target_semaphore(%run_scoped3A : memref<!tpu.dma_semaphore, #tpu.memory_space<semaphore_mem>>)
        %dma_wait3A = arith.constant 0 : i32
        %dma_wait3A_188 = tpu.memref_slice %arg8[%add3A_182, %dma_wait3A] : memref<20224x128xf32, #tpu.memory_space<hbm>> -> memref<632x128xf32, #tpu.memory_space<hbm>>
        %dma_wait3A_189 = arith.constant 8848 : i32
        %dma_wait3A_190 = arith.constant 0 : i32
        %dma_wait3A_191 = tpu.memref_slice %arg17[%dma_wait3A_189, %dma_wait3A_190] : memref<10112x128xf32, #tpu.memory_space<vmem_shared>> -> memref<632x128xf32, #tpu.memory_space<vmem_shared>>
        tpu.wait_dma2 semaphore(%run_scoped3A : memref<!tpu.dma_semaphore, #tpu.memory_space<semaphore_mem>>) src(%dma_wait3A_191 : memref<632x128xf32, #tpu.memory_space<vmem_shared>>) dst(%dma_wait3A_188 : memref<632x128xf32, #tpu.memory_space<hbm>>)
        tpu.yield
      }) : () -> ()
      "tpu.region"() ({
        %run_scoped3A = tpu.sem_alloc : memref<!tpu.dma_semaphore, #tpu.memory_space<semaphore_mem>>
        %dma_start3A_183 = arith.constant 0 : i32
        %dma_start3A_184 = tpu.memref_slice %arg9[%add3A_182, %dma_start3A_183] : memref<20224x16xf32, #tpu.memory_space<hbm>> -> memref<632x16xf32, #tpu.memory_space<hbm>>
        %dma_start3A_185 = arith.constant 8848 : i32
        %dma_start3A_186 = arith.constant 0 : i32
        %dma_start3A_187 = tpu.memref_slice %arg18[%dma_start3A_185, %dma_start3A_186] : memref<10112x16xf32, #tpu.memory_space<vmem_shared>> -> memref<632x16xf32, #tpu.memory_space<vmem_shared>>
        tpu.enqueue_dma source(%dma_start3A_187 : memref<632x16xf32, #tpu.memory_space<vmem_shared>>) target(%dma_start3A_184 : memref<632x16xf32, #tpu.memory_space<hbm>>) target_semaphore(%run_scoped3A : memref<!tpu.dma_semaphore, #tpu.memory_space<semaphore_mem>>)
        %dma_wait3A = arith.constant 0 : i32
        %dma_wait3A_188 = tpu.memref_slice %arg9[%add3A_182, %dma_wait3A] : memref<20224x16xf32, #tpu.memory_space<hbm>> -> memref<632x16xf32, #tpu.memory_space<hbm>>
        %dma_wait3A_189 = arith.constant 8848 : i32
        %dma_wait3A_190 = arith.constant 0 : i32
        %dma_wait3A_191 = tpu.memref_slice %arg18[%dma_wait3A_189, %dma_wait3A_190] : memref<10112x16xf32, #tpu.memory_space<vmem_shared>> -> memref<632x16xf32, #tpu.memory_space<vmem_shared>>
        tpu.wait_dma2 semaphore(%run_scoped3A : memref<!tpu.dma_semaphore, #tpu.memory_space<semaphore_mem>>) src(%dma_wait3A_191 : memref<632x16xf32, #tpu.memory_space<vmem_shared>>) dst(%dma_wait3A_188 : memref<632x16xf32, #tpu.memory_space<hbm>>)
        tpu.yield
      }) : () -> ()
    } else {
    }
    %eq3A_174 = arith.constant 15 : i32
    %eq3A_175 = arith.cmpi eq, %arg1, %eq3A_174 : i32
    %convert_element_type3A_176 = arith.extui %eq3A_175 : i1 to i32
    %cond3A_177 = arith.constant 0 : i32
    %cond3A_178 = arith.cmpi ne, %convert_element_type3A_176, %cond3A_177 : i32
    scf.if %cond3A_178 {
      %mul3A_179 = arith.constant 10112 : i32
      %mul3A_180 = arith.muli %arg0, %mul3A_179 : i32
      %add3A_181 = arith.constant 9480 : i32
      %add3A_182 = arith.addi %mul3A_180, %add3A_181 : i32
      "tpu.region"() ({
        %run_scoped3A = tpu.sem_alloc : memref<!tpu.dma_semaphore, #tpu.memory_space<semaphore_mem>>
        %dma_start3A_183 = arith.constant 0 : i32
        %dma_start3A_184 = tpu.memref_slice %arg8[%add3A_182, %dma_start3A_183] : memref<20224x128xf32, #tpu.memory_space<hbm>> -> memref<632x128xf32, #tpu.memory_space<hbm>>
        %dma_start3A_185 = arith.constant 9480 : i32
        %dma_start3A_186 = arith.constant 0 : i32
        %dma_start3A_187 = tpu.memref_slice %arg17[%dma_start3A_185, %dma_start3A_186] : memref<10112x128xf32, #tpu.memory_space<vmem_shared>> -> memref<632x128xf32, #tpu.memory_space<vmem_shared>>
        tpu.enqueue_dma source(%dma_start3A_187 : memref<632x128xf32, #tpu.memory_space<vmem_shared>>) target(%dma_start3A_184 : memref<632x128xf32, #tpu.memory_space<hbm>>) target_semaphore(%run_scoped3A : memref<!tpu.dma_semaphore, #tpu.memory_space<semaphore_mem>>)
        %dma_wait3A = arith.constant 0 : i32
        %dma_wait3A_188 = tpu.memref_slice %arg8[%add3A_182, %dma_wait3A] : memref<20224x128xf32, #tpu.memory_space<hbm>> -> memref<632x128xf32, #tpu.memory_space<hbm>>
        %dma_wait3A_189 = arith.constant 9480 : i32
        %dma_wait3A_190 = arith.constant 0 : i32
        %dma_wait3A_191 = tpu.memref_slice %arg17[%dma_wait3A_189, %dma_wait3A_190] : memref<10112x128xf32, #tpu.memory_space<vmem_shared>> -> memref<632x128xf32, #tpu.memory_space<vmem_shared>>
        tpu.wait_dma2 semaphore(%run_scoped3A : memref<!tpu.dma_semaphore, #tpu.memory_space<semaphore_mem>>) src(%dma_wait3A_191 : memref<632x128xf32, #tpu.memory_space<vmem_shared>>) dst(%dma_wait3A_188 : memref<632x128xf32, #tpu.memory_space<hbm>>)
        tpu.yield
      }) : () -> ()
      "tpu.region"() ({
        %run_scoped3A = tpu.sem_alloc : memref<!tpu.dma_semaphore, #tpu.memory_space<semaphore_mem>>
        %dma_start3A_183 = arith.constant 0 : i32
        %dma_start3A_184 = tpu.memref_slice %arg9[%add3A_182, %dma_start3A_183] : memref<20224x16xf32, #tpu.memory_space<hbm>> -> memref<632x16xf32, #tpu.memory_space<hbm>>
        %dma_start3A_185 = arith.constant 9480 : i32
        %dma_start3A_186 = arith.constant 0 : i32
        %dma_start3A_187 = tpu.memref_slice %arg18[%dma_start3A_185, %dma_start3A_186] : memref<10112x16xf32, #tpu.memory_space<vmem_shared>> -> memref<632x16xf32, #tpu.memory_space<vmem_shared>>
        tpu.enqueue_dma source(%dma_start3A_187 : memref<632x16xf32, #tpu.memory_space<vmem_shared>>) target(%dma_start3A_184 : memref<632x16xf32, #tpu.memory_space<hbm>>) target_semaphore(%run_scoped3A : memref<!tpu.dma_semaphore, #tpu.memory_space<semaphore_mem>>)
        %dma_wait3A = arith.constant 0 : i32
        %dma_wait3A_188 = tpu.memref_slice %arg9[%add3A_182, %dma_wait3A] : memref<20224x16xf32, #tpu.memory_space<hbm>> -> memref<632x16xf32, #tpu.memory_space<hbm>>
        %dma_wait3A_189 = arith.constant 9480 : i32
        %dma_wait3A_190 = arith.constant 0 : i32
        %dma_wait3A_191 = tpu.memref_slice %arg18[%dma_wait3A_189, %dma_wait3A_190] : memref<10112x16xf32, #tpu.memory_space<vmem_shared>> -> memref<632x16xf32, #tpu.memory_space<vmem_shared>>
        tpu.wait_dma2 semaphore(%run_scoped3A : memref<!tpu.dma_semaphore, #tpu.memory_space<semaphore_mem>>) src(%dma_wait3A_191 : memref<632x16xf32, #tpu.memory_space<vmem_shared>>) dst(%dma_wait3A_188 : memref<632x16xf32, #tpu.memory_space<hbm>>)
        tpu.yield
      }) : () -> ()
    } else {
    }
    return
  }
}

module attributes {stable_mosaic.version = 14 : i64} {
  func.func @_dense_body(%arg0: i32, %arg1: memref<1000x128xf32, #tpu.memory_space<vmem>>, %arg2: memref<1000x128xf32, #tpu.memory_space<vmem>>, %arg3: memref<1000x128xf32, #tpu.memory_space<vmem>>, %arg4: memref<1000x16xf32, #tpu.memory_space<vmem>>, %arg5: memref<1000x16xf32, #tpu.memory_space<vmem>>, %arg6: memref<128x128xf32, #tpu.memory_space<vmem>>, %arg7: memref<128x128xf32, #tpu.memory_space<vmem>>, %arg8: memref<1000x128xf32, #tpu.memory_space<vmem>>) attributes {dimension_semantics = [#tpu.dimension_semantics<arbitrary>], iteration_bounds = array<i64: 10>, scalar_prefetch = 0 : i64, scratch_operands = 0 : i64, tpu.core_type = #tpu.core_type<tc>, window_params = [{transform_indices = @transform_0, window_bounds = array<i64: 1000, 128>}, {transform_indices = @transform_1, window_bounds = array<i64: 1000, 128>}, {transform_indices = @transform_2, window_bounds = array<i64: 1000, 128>}, {transform_indices = @transform_3, window_bounds = array<i64: 1000, 16>}, {transform_indices = @transform_4, window_bounds = array<i64: 1000, 16>}, {pipeline_mode = #tpu.pipeline_mode<synchronous>, transform_indices = @transform_5, window_bounds = array<i64: 128, 128>}, {pipeline_mode = #tpu.pipeline_mode<synchronous>, transform_indices = @transform_6, window_bounds = array<i64: 128, 128>}, {transform_indices = @transform_7, window_bounds = array<i64: 1000, 128>}]} {
    %get3A = arith.constant 0 : index
    %get3A_0 = arith.constant 0 : index
    %get3A_1 = vector.load %arg1[%get3A, %get3A_0] : memref<1000x128xf32, #tpu.memory_space<vmem>>, vector<1000x128xf32>
    %get3A_2 = arith.constant 0 : index
    %get3A_3 = arith.constant 0 : index
    %get3A_4 = vector.load %arg2[%get3A_2, %get3A_3] : memref<1000x128xf32, #tpu.memory_space<vmem>>, vector<1000x128xf32>
    %get3A_5 = arith.constant 0 : index
    %get3A_6 = arith.constant 0 : index
    %get3A_7 = vector.load %arg3[%get3A_5, %get3A_6] : memref<1000x128xf32, #tpu.memory_space<vmem>>, vector<1000x128xf32>
    %add3A = arith.addf %get3A_4, %get3A_7 : vector<1000x128xf32>
    %get3A_8 = arith.constant 0 : index
    %get3A_9 = arith.constant 0 : index
    %get3A_10 = vector.load %arg4[%get3A_8, %get3A_9] : memref<1000x16xf32, #tpu.memory_space<vmem>>, vector<1000x16xf32>
    %slice3A = vector.extract_strided_slice %get3A_10 {offsets = [0, 0], sizes = [1000, 1], strides = [1, 1]} : vector<1000x16xf32> to vector<1000x1xf32>
    %get3A_11 = arith.constant 0 : index
    %get3A_12 = arith.constant 0 : index
    %get3A_13 = vector.load %arg5[%get3A_11, %get3A_12] : memref<1000x16xf32, #tpu.memory_space<vmem>>, vector<1000x16xf32>
    %slice3A_14 = vector.extract_strided_slice %get3A_13 {offsets = [0, 0], sizes = [1000, 1], strides = [1, 1]} : vector<1000x16xf32> to vector<1000x1xf32>
    %add3A_15 = arith.addf %slice3A, %slice3A_14 : vector<1000x1xf32>
    %max3A = arith.constant 1.000000e+00 : f32
    %max3A_16 = vector.broadcast %max3A : f32 to vector<1000x1xf32>
    %max3A_17 = arith.maximumf %add3A_15, %max3A_16 : vector<1000x1xf32>
    %div3A = vector.broadcast %max3A_17 : vector<1000x1xf32> to vector<1000x128xf32>
    %div3A_18 = arith.divf %add3A, %div3A : vector<1000x128xf32>
    %get3A_19 = arith.constant 0 : index
    %get3A_20 = arith.constant 0 : index
    %get3A_21 = vector.load %arg6[%get3A_19, %get3A_20] : memref<128x128xf32, #tpu.memory_space<vmem>>, vector<128x128xf32>
    %dot_general3A = arith.constant dense<0.000000e+00> : vector<1000x128xf32>
    %dot_general3A_22 = tpu.matmul %get3A_1, %get3A_21, %dot_general3A {dimension_numbers = #tpu.dot_dimension_numbers<[1], [1], [0], [0], [0, 0, 1, 0], [], []>, transpose_lhs_hint = false} : vector<1000x128xf32>, vector<128x128xf32>, vector<1000x128xf32> -> vector<1000x128xf32>
    %get3A_23 = arith.constant 0 : index
    %get3A_24 = arith.constant 0 : index
    %get3A_25 = vector.load %arg7[%get3A_23, %get3A_24] : memref<128x128xf32, #tpu.memory_space<vmem>>, vector<128x128xf32>
    %dot_general3A_26 = arith.constant dense<0.000000e+00> : vector<1000x128xf32>
    %dot_general3A_27 = tpu.matmul %div3A_18, %get3A_25, %dot_general3A_26 {dimension_numbers = #tpu.dot_dimension_numbers<[1], [1], [0], [0], [0, 0, 1, 0], [], []>, transpose_lhs_hint = false} : vector<1000x128xf32>, vector<128x128xf32>, vector<1000x128xf32> -> vector<1000x128xf32>
    %add3A_28 = arith.addf %dot_general3A_22, %dot_general3A_27 : vector<1000x128xf32>
    %tanh3A = math.tanh %add3A_28 : vector<1000x128xf32>
    %swap3A = arith.constant 0 : index
    %swap3A_29 = arith.constant 0 : index
    %swap3A_30 = vector.load %arg8[%swap3A, %swap3A_29] : memref<1000x128xf32, #tpu.memory_space<vmem>>, vector<1000x128xf32>
    tpu.vector_store %arg8[%swap3A, %swap3A_29], %tanh3A {strides = array<i32>} : memref<1000x128xf32, #tpu.memory_space<vmem>>, vector<1000x128xf32>,
    return
  }
  func.func @transform_0(%arg0: i32) -> (i32, i32) {
    %c0_i32 = arith.constant 0 : i32
    %c0_i32_0 = arith.constant 0 : i32
    return %arg0, %c0_i32 : i32, i32
  }
  func.func @transform_1(%arg0: i32) -> (i32, i32) {
    %c0_i32 = arith.constant 0 : i32
    %c0_i32_0 = arith.constant 0 : i32
    return %arg0, %c0_i32 : i32, i32
  }
  func.func @transform_2(%arg0: i32) -> (i32, i32) {
    %c0_i32 = arith.constant 0 : i32
    %c0_i32_0 = arith.constant 0 : i32
    return %arg0, %c0_i32 : i32, i32
  }
  func.func @transform_3(%arg0: i32) -> (i32, i32) {
    %c0_i32 = arith.constant 0 : i32
    %c0_i32_0 = arith.constant 0 : i32
    return %arg0, %c0_i32 : i32, i32
  }
  func.func @transform_4(%arg0: i32) -> (i32, i32) {
    %c0_i32 = arith.constant 0 : i32
    %c0_i32_0 = arith.constant 0 : i32
    return %arg0, %c0_i32 : i32, i32
  }
  func.func @transform_5(%arg0: i32) -> (i32, i32) {
    %c0_i32 = arith.constant 0 : i32
    %c0_i32_0 = arith.constant 0 : i32
    %c0_i32_1 = arith.constant 0 : i32
    return %c0_i32, %c0_i32_0 : i32, i32
  }
  func.func @transform_6(%arg0: i32) -> (i32, i32) {
    %c0_i32 = arith.constant 0 : i32
    %c0_i32_0 = arith.constant 0 : i32
    %c0_i32_1 = arith.constant 0 : i32
    return %c0_i32, %c0_i32_0 : i32, i32
  }
  func.func @transform_7(%arg0: i32) -> (i32, i32) {
    %c0_i32 = arith.constant 0 : i32
    %c0_i32_0 = arith.constant 0 : i32
    return %arg0, %c0_i32 : i32, i32
  }
}

</mosaic_0001>

<sc_bundles>
// kernel: kernel.4.cloned.1.call-start
scs
__scs_entry_jumppad:
0x0: {  	(pc) =	sbr.rel $0x88, $3  }
0x1: {  	(tag) =	ssettag $0x0;
	lr =	simm.s32 $0x1  }
0x2: {  	[smem:$0x3F9C] =	sst lr;
	_ =	strace $0xD0000000  }
0x3: {  	_ = 	snop  }
0x4: {  	_ = 	snop  }
0x5: {  	_ = 	snop  }
0x6: {  	_ = 	snop  }
0x7: {  	_ = 	snop  }
__scs_overlays_trampoline_lowered:
0x8: {  	[smem:$0x3FAB] =	sst s0  }
0x9: {  	[smem:$0x3FAC] =	sst s1  }
0xa: {  	[smem:$0x3FAD] =	sst s2  }
0xb: {  	[smem:$0x3FAE] =	sst s3  }
0xc: {  	[smem:$0x3FAF] =	sst s4  }
0xd: {  	[smem:$0x3FB0] =	sst s5  }
0xe: {  	[smem:$0x3FB1] =	sst s6  }
0xf: {  	[smem:$0x3FB2] =	sst s7  }
0x10: {  	[smem:$0x3FB3] =	sst s8  }
0x11: {  	[smem:$0x3FB4] =	sst s9;
	s0 =	simm.s32 @!p0 $0x0  }
0x12: {  	s1 =	sld [smem:$0x3F9A];
	s0 =	simm.s32 @p0 $0x1  }
0x13: {  	[smem:$0x3FB5] =	sst s0;
	s0 =	simm.s32 @!p1 $0x0  }
0x14: {  	s2 =	sld [smem:$0x3F99];
	s0 =	simm.s32 @p1 $0x1  }
0x15: {  	[smem:$0x3FB6] =	sst s0;
	s0 =	simm.s32 @!p2 $0x0  }
0x16: {  	s3 =	sld [smem:$0x3FDB];
	s0 =	simm.s32 @p2 $0x1  }
0x17: {  	s4 =	simm.s32 $0x1BF5;
	[smem:$0x3FB8] =	sst s0  }
0x18: {  	s0 =	sld [smem:$0x3F9B];
	_ =	swait.ge [sflag:s4], $0x0  }
0x19: {  	s7 =	sld [smem:$0x3F9C]  }
0x1a: {  	s8 =	sadd.s32 $0xFFFFE003, lr  }
0x1b: {  	s9 =	sadd.s32 $0xFFFFFEF7, lr;
	s5 =	simm.s32 $0xFFFFFFFF;
	p2 =	slt.u32 s8, $0xFFFFF086  }
0x1c: {  	p1 =	slt.u32 s9, $0xF7A;
	s5 =	simm.s32 @!p2 $0x0  }
0x1d: {  	s5 =	simm.s32 @p1 $0x1;
	p0 =	seq.s32 s7, s2  }
0x1e: {  	s7 =	smul.u32 @!p0 $0xF7A, s2;
	p2 =	seq.s32 @!p0 s5, $0x0  }
0x1f: {  	s9 =	smul.u32 $0xF7A, s1;
	s8 =	simm.s32 @!p0 $0x1BF5;
	p2 =	por !p2, p0  }
0x20: {  	[sflag:s8] =	ssyncset.s32 @!p0 $0xFFFFF086;
	s6 =	sadd.s32 @!p0 s3, s7;
	s7 =	simm.s32 @!p0 $0x108  }
0x21: {  	s3 =	sadd.s32 s3, s9;
	s6 =	sadd.s32 @!p0 $0x88, s6;
	s7 =	simm.s32 @p2 $0x1082  }
0x22: {  	[simem:s7], [sflag:s8] =	dma.local @!p0 [hbm:s6], $0xF7A  }
0x23: {  	s9 =	sor.u32 $0xD0000000, s2;
	s6 =	simm.s32 $0x108;
	_ =	swait.ge @!p0 [sflag:s8], $0x0  }
0x24: {  	s3 =	sadd.s32 $0x88, s3;
	s6 =	simm.s32 @!p1 $0x1082;
	[sflag:s4] =	ssyncset.s32 $0xFFFFF086  }
0x25: {  	[simem:s6], [sflag:s4] =	dma.local [hbm:s3], $0xF7A  }
0x26: {  	[smem:$0x3F9C] =	sst s1;
	(tag) =	ssettag s2;
	_ =	strace s9  }
0x27: {  	s1 =	sld [smem:$0x3FAC]  }
0x28: {  	s2 =	sld [smem:$0x3FAD]  }
0x29: {  	s4 =	sld [smem:$0x3FAF]  }
0x2a: {  	p0 =	seq.s32 s5, $0x0;
	s5 =	sld [smem:$0x3FB0]  }
0x2b: {  	s6 =	sld [smem:$0x3FB1]  }
0x2c: {  	s7 =	sld [smem:$0x3FB2]  }
0x2d: {  	s3 =	simm.s32 $0x108;
	s8 =	sld [smem:$0x3FB3]  }
0x2e: {  	s3 =	simm.s32 @!p0 $0x1082;
	s9 =	sld [smem:$0x3FB4]  }
0x2f: {  	lr =	sadd.s32 s0, s3;
	s0 =	sld [smem:$0x3FAB]  }
0x30: {  	s3 =	sld [smem:$0x3FAE]  }
0x31: {  	[smem:$0x3FB7] =	sst s10  }
0x32: {  	s10 =	sld [smem:$0x3FB5];
	_ =	sdelay $0x3  }
0x33: {  	p0 =	seq.s32 s10, $0x1;
	s10 =	sld [smem:$0x3FB7];
	_ =	sdelay $0x3  }
0x34: {  	[smem:$0x3FB7] =	sst s10  }
0x35: {  	s10 =	sld [smem:$0x3FB6];
	_ =	sdelay $0x3  }
0x36: {  	p1 =	seq.s32 s10, $0x1;
	s10 =	sld [smem:$0x3FB7];
	_ =	sdelay $0x3  }
0x37: {  	[smem:$0x3FB7] =	sst s10  }
0x38: {  	s10 =	sld [smem:$0x3FB8]  }
0x39: {  	_ = 	snop;
	(pc) =	sbr.ind lr, $3  }
0x3a: {  	_ = 	snop  }
0x3b: {  	_ = 	snop  }
0x3c: {  	p2 =	seq.s32 s10, $0x1;
	s10 =	sld [smem:$0x3FB7]  }
0x3d: {  	_ =	shalt  }
0x3e: {  	_ =	shalt  }
0x3f: {  	_ =	shalt  }
0x40: {  	_ =	shalt  }
0x41: {  	_ =	shalt  }
0x42: {  	_ =	shalt  }
0x43: {  	_ =	shalt  }
0x44: {  	_ =	shalt  }
0x45: {  	_ =	shalt  }
0x46: {  	_ =	shalt  }
0x47: {  	_ =	shalt  }
0x48: {  	_ =	shalt  }
0x49: {  	_ =	shalt  }
0x4a: {  	_ =	shalt  }
0x4b: {  	_ =	shalt  }
0x4c: {  	_ =	shalt  }
0x4d: {  	_ =	shalt  }
0x4e: {  	_ =	shalt  }
0x4f: {  	_ =	shalt  }
0x50: {  	_ =	shalt  }
0x51: {  	_ =	shalt  }
0x52: {  	_ =	shalt  }
0x53: {  	_ =	shalt  }
0x54: {  	_ =	shalt  }
0x55: {  	_ =	shalt  }
0x56: {  	_ =	shalt  }
0x57: {  	_ =	shalt  }
0x58: {  	_ =	shalt  }
0x59: {  	_ =	shalt  }
0x5a: {  	_ =	shalt  }
0x5b: {  	_ =	shalt  }
0x5c: {  	_ =	shalt  }
0x5d: {  	_ =	shalt  }
0x5e: {  	_ =	shalt  }
0x5f: {  	_ =	shalt  }
0x60: {  	_ =	shalt  }
0x61: {  	_ =	shalt  }
0x62: {  	_ =	shalt  }
0x63: {  	_ =	shalt  }
0x64: {  	_ =	shalt  }
0x65: {  	_ =	shalt  }
0x66: {  	_ =	shalt  }
0x67: {  	_ =	shalt  }
0x68: {  	_ =	shalt  }
0x69: {  	_ =	shalt  }
0x6a: {  	_ =	shalt  }
0x6b: {  	_ =	shalt  }
0x6c: {  	_ =	shalt  }
0x6d: {  	_ =	shalt  }
0x6e: {  	_ =	shalt  }
0x6f: {  	_ =	shalt  }
0x70: {  	_ =	shalt  }
0x71: {  	_ =	shalt  }
0x72: {  	_ =	shalt  }
0x73: {  	_ =	shalt  }
0x74: {  	_ =	shalt  }
0x75: {  	_ =	shalt  }
0x76: {  	_ =	shalt  }
0x77: {  	_ =	shalt  }
0x78: {  	_ =	shalt  }
0x79: {  	_ =	shalt  }
0x7a: {  	_ =	shalt  }
0x7b: {  	_ =	shalt  }
0x7c: {  	_ =	shalt  }
0x7d: {  	_ =	shalt  }
0x7e: {  	_ =	shalt  }
0x7f: {  	_ =	shalt  }
0x80: {  	_ =	shalt  }
0x81: {  	_ =	shalt  }
0x82: {  	_ =	shalt  }
0x83: {  	_ =	shalt  }
0x84: {  	_ =	shalt  }
0x85: {  	_ =	shalt  }
0x86: {  	_ =	shalt  }
0x87: {  	_ =	shalt  }
.Lfunc_end0:
.L_simem_size_0:
called_computation_lowered:
.L_overlay_start_0:
0x88: {  	s2 =	sld [smem:$0x3FD9]  }
0x89: {  	s3 =	sld [smem:$0x3FFE];
	_ =	sdelay $0x1  }
0x8a: {  	s1 =	srdreg.scid  }
0x8b: {  	s0 =	sand.u32 $0x1, s1  }
0x8c: {  	s17 =	sshll.u32 s0, $0xA;
	s2 =	sadd.s32 s3, s2  }
0x8d: {  	s2 =	sadd.s32 s2, s17  }
0x8e: {  	[smem:$0x3FC3] =	sst s2  }
0x8f: {  	_ = 	snop  }
0x90: {  	s2 =	sld [smem:$0x3FC9]  }
0x91: {  	s18 =	sld [smem:$0x3FC8]  }
0x92: {  	s4 =	sld [smem:$0x3FD0];
	(tm) =	ssettm $0x1  }
0x93: {  	s5 =	sld [smem:$0x3FFB];
	_ =	sdelay $0x3  }
0x94: {  	_ =	strace s5  }
0x95: {  	s5 =	sld [smem:$0x3FFC];
	_ =	sdelay $0x3  }
0x96: {  	_ =	strace s5  }
0x97: {  	s5 =	sld [smem:$0x3FFD];
	_ =	sdelay $0x3  }
0x98: {  	_ =	strace s5  }
0x99: {  	_ =	strace $0x8FFFFFFF  }
0x9a: {  	s19 =	sld [smem:$0x3FDB];
	_ =	sdelay $0x1  }
0x9b: {  	s6 =	simm.s32 $_scs_section_size  }
0x9c: {  	s7 =	simm.s32 $_size__tile_overlayer_lowered;
	s8 =	simm.s32 $_tile_overlayer_lowered  }
0x9d: {  	s22 =	simm.s32 $0x1BFF;
	s21 =	sshll.u32 s8, $0x1;
	s5 =	sadd.s32 s6, s19  }
0x9e: {  	s9 =	simm.s32 $0x0;
	s20 =	sshll.u32 s7, $0x1;
	s7 =	sadd.s32 s21, s5  }
0x9f: {  	[timem:s9], [sflag:s22] =	dma.local [hbm:s7], s20  }
0xa0: {  	_ =	swait.ge [sflag:s22], s20  }
0xa1: {  	s6 =	ssub.s32 $0x0, s20;
	[sflag:s22] =	ssyncset.done $0x0  }
0xa2: {  	[sflag:s22] =	ssyncadd.s32 s6;
	_ =	sdelay $0x1  }
0xa3: {  	s23 =	simm.s32 $0x1B8B  }
0xa4: {  	_ =	swait.ge [sflag:s23], $0x1  }
0xa5: {  	[sflag:s23] =	ssyncset.done $0x0  }
0xa6: {  	s25 =	simm.s32 $0x1B8E;
	s24 =	sld [smem:$0x3FFE];
	[sflag:s23] =	ssyncadd.s32 $0xFFFFFFFF  }
0xa7: {  	s26 =	simm.s32 $execute0_lowered;
	[smem:$0x3FD2] =	sst s25  }
0xa8: {  	s7 =	sshll.u32 s26, $0x1;
	_ =	strace $0x80000046;
	[dreg:$0x1] =	wrdreg $0xFFFFFFFF  }
0xa9: {  	s28 =	simm.s32 $_size_execute0_lowered;
	s5 =	sadd.s32 s5, s7;
	[dreg:$0x0] =	wrdreg $0x0  }
0xaa: {  	s7 =	sshll.u32 s28, $0x1;
	[dreg:$0x2] =	wrdreg s5  }
0xab: {  	[dreg:$0x3] =	wrdreg s7  }
0xac: {  	[dreg:$0x4] =	wrdreg $0xC0  }
0xad: {  	_ =	task [dreg:s9], $0x5FFFF  }
0xae: {  	[dreg:$0x1] =	wrdreg $0xFFFFFFFF  }
0xaf: {  	[dreg:$0x0] =	wrdreg $0x60  }
0xb0: {  	[dreg:$0x2] =	wrdreg s4  }
0xb1: {  	[dreg:$0x3] =	wrdreg s2  }
0xb2: {  	[dreg:$0x4] =	wrdreg s18  }
0xb3: {  	[dreg:$0x5] =	wrdreg s24  }
0xb4: {  	[dreg:$0x6] =	wrdreg $0x53700  }
0xb5: {  	[dreg:$0x7] =	wrdreg $0x18F700  }
0xb6: {  	[dreg:$0x8] =	wrdreg $0x9  }
0xb7: {  	_ =	task.clear_ibuf [dreg:s9], $0x9FFFF;
	_ =	strace $0x90000046  }
0xb8: {  	s29 =	simm.s32 $0x9;
	_ =	strace $0x80000048  }
0xb9: {  	_ =	swait.ge [sflag:s29], $0x1  }
0xba: {  	[sflag:s29] =	ssyncadd.s32 $0xFFFFFFFF  }
0xbb: {  	_ =	strace $0x90000048  }
0xbc: {  	_ =	sfence  }
0xbd: {  	s30 =	sld [smem:$0x0];
	_ =	sdelay $0x2  }
0xbe: {  	s31 =	sshll.u32 s1, $0xD;
	s1 =	sshrl.u32 s1, $0x2  }
0xbf: {  	s3 =	sand.u32 $0x4000, s31;
	s1 =	sadd.s32 s1, s30  }
0xc0: {  	s0 =	sor.u32 s3, s0;
	s1 =	sshll.u32 s1, $0x11  }
0xc1: {  	s0 =	sor.u32 s1, s0  }
0xc2: {  	s0 =	sadd.s32 $0x8F2B, s0  }
0xc3: {  	[sflag:s0] =	ssyncadd.remote.s32 $0x1  }
0xc4: {  	_ =	sfence.sel $0xFFFF  }
0xc5: {  	[dreg:$0x0] =	wrdreg $0xFFFFFFFF;
	(pc) =	sbr.abs _section_cstart, $3  }
0xc6: {  	[dreg:$0x1] =	wrdreg $0xFFFFFFFF  }
0xc7: {  	_ =	task.clear_ibuf [dreg:s9], $0x2FFFF;
	_ =	strace $0x9FFFFFFF  }
0xc8: {  	(tm) =	ssettm $0x7FFFFFFF  }
0xc9: {  	_ =	shalt  }
tec
execute0_lowered:
.L_overlay_start_1:
0x0: {  	(tag) =	ssettag $0x1  }
0x1: {  	s0 =	srdreg.scid  }
0x2: {  	s4 =	sand.u32 $0x1, s0  }
0x3: {  	s0 =	smul.u32 $0x27800, s4;
	s2 =	ssub.s32 $0x2, s4  }
0x4: {  	s1 =	rddreg [dreg:$0x3];
	s5 =	smul.u32 $0x2780, s4;
	s3 =	sshrl.u32 s2, $0x1  }
0x5: {  	s6 =	sadd.s32 $0x4A00, s1;
	s3 =	ssub.s32 s2, s3  }
0x6: {  	s0 =	sadd.s32 s6, s0;
	s7 =	sadd.s32 $0x4F0, s5;
	s8 =	sadd.s32 $0x768, s5  }
0x7: {  	s10 =	sadd.s32 $0xC58, s5;
	s11 =	sadd.s32 $0xED0, s5;
	s13 =	sadd.s32 $0x13C0, s5  }
0x8: {  	s14 =	sadd.s32 $0x1638, s5;
	[dreg:$0x7] =	wrdreg s0;
	s0 =	sadd.s32 $0x278, s5  }
0x9: {  	s18 =	sshll.u32 s7, $0x4;
	s9 =	sshll.u32 s8, $0x4;
	s17 =	sshll.u32 s0, $0x4  }
0xa: {  	s21 =	sshll.u32 s10, $0x4;
	s12 =	sshll.u32 s11, $0x4;
	s2 =	sadd.s32 s6, s17  }
0xb: {  	s24 =	sshll.u32 s13, $0x4;
	[dreg:$0x8] =	wrdreg s2;
	s2 =	sadd.s32 s6, s18  }
0xc: {  	s19 =	sadd.s32 s6, s9;
	[dreg:$0x9] =	wrdreg s2;
	s2 =	sadd.s32 $0x9E0, s5  }
0xd: {  	s22 =	sadd.s32 s6, s12;
	[dreg:$0xa] =	wrdreg s19;
	s20 =	sshll.u32 s2, $0x4  }
0xe: {  	s15 =	sshll.u32 s14, $0x4;
	[dreg:$0xd] =	wrdreg s22;
	s9 =	sadd.s32 s6, s20  }
0xf: {  	s7 =	sshll.u32 s7, $0x1;
	[dreg:$0xb] =	wrdreg s9;
	s9 =	sadd.s32 s6, s21  }
0x10: {  	s25 =	sadd.s32 s6, s15;
	[dreg:$0xc] =	wrdreg s9;
	s9 =	sadd.s32 $0x1148, s5  }
0x11: {  	s0 =	sshll.u32 s0, $0x1;
	[dreg:$0x10] =	wrdreg s25;
	s23 =	sshll.u32 s9, $0x4  }
0x12: {  	s19 =	sadd.s32 $0x1DA0, s5;
	s22 =	sshll.u32 s4, $0x4;
	s12 =	sadd.s32 s6, s23  }
0x13: {  	s18 =	sadd.s32 $0x1B28, s5;
	[dreg:$0xe] =	wrdreg s12;
	s12 =	sadd.s32 s6, s24  }
0x14: {  	s16 =	sshll.u32 s19, $0x4;
	[dreg:$0xf] =	wrdreg s12;
	s12 =	sadd.s32 $0x18B0, s5  }
0x15: {  	s28 =	sshll.u32 s18, $0x4;
	s16 =	sadd.s32 s6, s16;
	s26 =	sshll.u32 s12, $0x4  }
0x16: {  	[dreg:$0x13] =	wrdreg s16;
	s20 =	sadd.s32 $0x2290, s5;
	s15 =	sadd.s32 s6, s26  }
0x17: {  	s21 =	sshll.u32 s20, $0x4;
	[dreg:$0x11] =	wrdreg s15;
	s15 =	sadd.s32 s6, s28  }
0x18: {  	s26 =	sshll.u32 s10, $0x1;
	[dreg:$0x12] =	wrdreg s15;
	s15 =	sadd.s32 $0x2018, s5  }
0x19: {  	s10 =	sshll.u32 s14, $0x1;
	s14 =	sshll.u32 s19, $0x1;
	s17 =	sshll.u32 s15, $0x4  }
0x1a: {  	s19 =	sshll.u32 s20, $0x1;
	s5 =	sadd.s32 $0x2508, s5;
	s16 =	sadd.s32 s6, s17  }
0x1b: {  	s20 =	smul.u32 $0x75300, s4;
	s17 =	sshll.u32 s5, $0x4;
	[dreg:$0x14] =	wrdreg s16  }
0x1c: {  	s16 =	sadd.s32 s6, s21;
	s21 =	smul.u32 $0x4F00, s4;
	s4 =	rddreg [dreg:$0x2]  }
0x1d: {  	s25 =	sshll.u32 s2, $0x1;
	s6 =	sadd.s32 s6, s17;
	[dreg:$0x15] =	wrdreg s16  }
0x1e: {  	s2 =	sshll.u32 s11, $0x1;
	s17 =	stileid.u32;
	[dreg:$0x16] =	wrdreg s6  }
0x1f: {  	s16 =	simm.s32 $0x0;
	s6 =	sor.u32 s17, s22;
	s22 =	sadd.s32 $0x53A00, s1  }
0x20: {  	s24 =	sshll.u32 s8, $0x1;
	[smem:$0x7FF] =	sst s16;
	s21 =	sadd.s32 s22, s21  }
0x21: {  	s8 =	sshll.u32 s13, $0x1;
	s0 =	sadd.s32 s22, s0;
	[dreg:$0x17] =	wrdreg s21  }
0x22: {  	s11 =	sshll.u32 s12, $0x1;
	s23 =	sadd.s32 s22, s7;
	[dreg:$0x18] =	wrdreg s0  }
0x23: {  	s12 =	sshll.u32 s18, $0x1;
	s28 =	sadd.s32 s22, s26;
	[dreg:$0x19] =	wrdreg s23  }
0x24: {  	s7 =	sshll.u32 s9, $0x1;
	s9 =	sadd.s32 s22, s8;
	[dreg:$0x1c] =	wrdreg s28  }
0x25: {  	s13 =	sadd.s32 s22, s12;
	[dreg:$0x1f] =	wrdreg s9  }
0x26: {  	[smem:$0x7CA] =	sst s13  }
0x27: {  	s0 =	sadd.s32 s22, s24;
	s21 =	sshll.u32 s5, $0x1;
	s5 =	rddreg [dreg:$0x4]  }
0x28: {  	[dreg:$0x1a] =	wrdreg s0;
	s0 =	sadd.s32 s22, s25  }
0x29: {  	s18 =	sshll.u32 s15, $0x1;
	[dreg:$0x1b] =	wrdreg s0;
	s0 =	sadd.s32 s22, s2  }
0x2a: {  	s2 =	sadd.s32 s22, s18;
	[dreg:$0x1d] =	wrdreg s0  }
0x2b: {  	[smem:$0x7CC] =	sst s2  }
0x2c: {  	s0 =	sadd.s32 s22, s7;
	s2 =	rddreg [dreg:$0x1]  }
0x2d: {  	s7 =	sadd.s32 s22, s19;
	[dreg:$0x1e] =	wrdreg s0  }
0x2e: {  	s0 =	sadd.s32 s22, s10;
	[smem:$0x7CD] =	sst s7  }
0x2f: {  	s7 =	sadd.s32 s22, s21;
	[smem:$0x7C8] =	sst s0  }
0x30: {  	[smem:$0x7CE] =	sst s7  }
0x31: {  	s0 =	sadd.s32 s22, s11;
	s7 =	rddreg [dreg:$0x5]  }
0x32: {  	s3 =	smax.u32 s3, $0x1;
	[smem:$0x7C9] =	sst s0;
	s0 =	sadd.s32 s22, s14  }
0x33: {  	s8 =	sadd.s32 $0x2200, s1;
	s23 =	smul.u32 $0x7530, s17;
	[smem:$0x7CB] =	sst s0  }
0x34: {  	s9 =	sadd.s32 $0x1C00, s1;
	s1 =	sadd.s32 $0x1A00, s1;
	s0 =	rddreg [dreg:$0x0]  }
0x35: {  	s25 =	sadd.s32 s23, s20;
	_ =	strace $0x80000047;
	[smem:$0x7CF] =	sst s1  }
0x36: {  	s11 =	sadd.s32 $0xF0, s25;
	[smem:$0x7D1] =	sst s3  }
0x37: {  	s12 =	sadd.s32 $0x128400, s5;
	[smem:$0x7D3] =	sst s11  }
0x38: {  	s13 =	sadd.s32 $0x25080, s7;
	[smem:$0x7E0] =	sst s12  }
0x39: {  	s14 =	sadd.s32 $0x114800, s5;
	[smem:$0x7E1] =	sst s13  }
0x3a: {  	s18 =	sadd.s32 $0x22900, s7;
	[smem:$0x7E2] =	sst s14  }
0x3b: {  	s19 =	sadd.s32 $0x100C00, s5;
	[smem:$0x7E3] =	sst s18  }
0x3c: {  	s24 =	smul.u32 $0xEA6, s6;
	s20 =	sadd.s32 $0x20180, s7;
	[smem:$0x7E4] =	sst s19  }
0x3d: {  	s6 =	smul.u32 $0x7530, s6;
	s21 =	sadd.s32 $0xED000, s5;
	[smem:$0x7E5] =	sst s20  }
0x3e: {  	s22 =	sadd.s32 $0x1DA00, s7;
	[smem:$0x7E6] =	sst s21  }
0x3f: {  	s28 =	sadd.s32 $0x74B8, s6;
	s23 =	sadd.s32 $0xD9400, s5;
	[smem:$0x7E7] =	sst s22  }
0x40: {  	s6 =	sadd.s32 $0x78, s25;
	s25 =	sadd.s32 $0xC5800, s5;
	[smem:$0x7E8] =	sst s23  }
0x41: {  	s10 =	sshrl.u32 s6, $0x3;
	s6 =	sadd.s32 $0x9E000, s5;
	[smem:$0x7EA] =	sst s25  }
0x42: {  	s26 =	sadd.s32 s0, s24;
	[smem:$0x7EE] =	sst s6  }
0x43: {  	s29 =	simm.s32 $0x50F0;
	s24 =	sadd.s32 $0x1B280, s7;
	[smem:$0x7D0] =	sst s26  }
0x44: {  	s1 =	sshrl.u32 s28, $0x3;
	s28 =	sadd.s32 $0xB1C00, s5;
	[smem:$0x7E9] =	sst s24  }
0x45: {  	s30 =	simm.s32 $0x5;
	s3 =	sadd.s32 $0x16380, s7;
	[smem:$0x7EC] =	sst s28  }
0x46: {  	s15 =	sadd.s32 s10, s0;
	s10 =	sadd.s32 $0x13C00, s7;
	[smem:$0x7ED] =	sst s3  }
0x47: {  	s31 =	simm.s32 $0x28;
	s11 =	sadd.s32 $0x8A400, s5;
	[smem:$0x7EF] =	sst s10  }
0x48: {  	p2 =	sgt.s32 s17, $0x1;
	s12 =	sadd.s32 $0x11480, s7;
	[smem:$0x7F0] =	sst s11  }
0x49: {  	p3 =	sgt.s32 s17, $0x5;
	s13 =	sadd.s32 $0x76800, s5;
	[smem:$0x7F1] =	sst s12  }
0x4a: {  	p0 =	seq.s32 @p2 s17, $0x2;
	s14 =	sadd.s32 $0xED00, s7;
	[smem:$0x7F2] =	sst s13  }
0x4b: {  	p1 =	por !p0, !p2;
	s18 =	sadd.s32 $0x62C00, s5;
	[smem:$0x7F3] =	sst s14  }
0x4c: {  	p0 =	por p0, !p2;
	s19 =	sadd.s32 $0xC580, s7;
	[smem:$0x7F4] =	sst s18  }
0x4d: {  	s20 =	sadd.s32 $0x4F000, s5;
	s21 =	sadd.s32 $0x9E00, s7;
	[smem:$0x7F5] =	sst s19  }
0x4e: {  	s22 =	sadd.s32 $0x3B400, s5;
	s1 =	sadd.s32 s0, s1;
	[smem:$0x7F6] =	sst s20  }
0x4f: {  	s23 =	sadd.s32 $0x7680, s7;
	[smem:$0x7D2] =	sst s1;
	s1 =	simm.s32 @!p1 $0x0  }
0x50: {  	s25 =	sadd.s32 $0x4F00, s7;
	[smem:$0x7F7] =	sst s21;
	s1 =	simm.s32 @p1 $0x1  }
0x51: {  	p1 =	seq.s32 @!p2 s17, $0x0;
	[smem:$0x7D4] =	sst s1;
	s1 =	simm.s32 @!p0 $0x0  }
0x52: {  	[smem:$0x7F8] =	sst s22;
	s1 =	simm.s32 @p0 $0x1;
	p0 =	por !p1, p2  }
0x53: {  	s6 =	simm.s32 $0x78;
	[smem:$0x7D5] =	sst s1;
	s1 =	simm.s32 @!p0 $0x0  }
0x54: {  	s26 =	sadd.s32 $0x18B00, s7;
	[smem:$0x7F9] =	sst s23;
	s1 =	simm.s32 @p0 $0x1  }
0x55: {  	s24 =	sadd.s32 $0x27800, s5;
	[smem:$0x7D6] =	sst s1;
	s1 =	simm.s32 @!p2 $0x0  }
0x56: {  	[smem:$0x7FB] =	sst s25;
	p1 =	por p1, p2;
	s1 =	simm.s32 @p2 $0x1  }
0x57: {  	p0 =	seq.s32 @p3 s17, $0x6;
	[smem:$0x7D7] =	sst s1;
	s1 =	simm.s32 @!p1 $0x0  }
0x58: {  	s28 =	sadd.s32 $0x2780, s7;
	s1 =	simm.s32 @p1 $0x1;
	p1 =	por !p0, !p3  }
0x59: {  	s3 =	simm.s32 $0x14F0;
	[smem:$0x7D8] =	sst s1;
	s1 =	simm.s32 @!p1 $0x0  }
0x5a: {  	s10 =	simm.s32 $0x28F0;
	p0 =	por p0, !p3;
	s1 =	simm.s32 @p1 $0x1  }
0x5b: {  	p1 =	seq.s32 @!p3 s17, $0x4;
	[smem:$0x7D9] =	sst s1;
	s1 =	simm.s32 @!p0 $0x0  }
0x5c: {  	s11 =	simm.s32 $0xA0;
	s1 =	simm.s32 @p0 $0x1;
	p0 =	por !p1, p3  }
0x5d: {  	s12 =	simm.s32 $0x3CF0;
	[smem:$0x7DA] =	sst s1;
	s1 =	simm.s32 @!p0 $0x0  }
0x5e: {  	s13 =	simm.s32 $0x1;
	s18 =	simm.s32 $0x50;
	s1 =	simm.s32 @p0 $0x1  }
0x5f: {  	s19 =	simm.s32 $0x2;
	[smem:$0x7DB] =	sst s1;
	s1 =	simm.s32 @!p3 $0x0  }
0x60: {  	[smem:$0x7EB] =	sst s26;
	p0 =	por p1, p3;
	s1 =	simm.s32 @p3 $0x1  }
0x61: {  	s20 =	simm.s32 $0x3;
	[smem:$0x7DC] =	sst s1;
	s1 =	simm.s32 @!p0 $0x0  }
0x62: {  	[smem:$0x7FA] =	sst s24;
	s1 =	simm.s32 @p0 $0x1;
	p0 =	sgt.s32 s17, $0x7  }
0x63: {  	s21 =	simm.s32 $0xC8;
	[smem:$0x7DD] =	sst s1;
	s1 =	simm.s32 @!p0 $0x0  }
0x64: {  	[smem:$0x7FD] =	sst s28;
	s1 =	simm.s32 @p0 $0x1;
	p0 =	sgt.s32 s17, $0x3  }
0x65: {  	s26 =	sadd.s32 $0x13C00, s5;
	[smem:$0x7DE] =	sst s1;
	s1 =	simm.s32 @!p0 $0x0  }
0x66: {  	s22 =	simm.s32 $0x4;
	[smem:$0x7FC] =	sst s26;
	s1 =	simm.s32 @p0 $0x1  }
0x67: {  	s23 =	simm.s32 $0x0;
	[smem:$0x7DF] =	sst s1;
	s1 =	simm.s32 $0xF0  }
.LBB2_1:
0x68: {  	s14 =	sld [smem:$0x7CF];
	_ =	sdelay $0x2  }
0x69: {  	[tilespmem:s29], [sflag:$0x5] =	stream.linear.gather [hbm4b:s14+s16], $0x280, $0x38;
	[tilespmem:$0x1B6F0] =	vst v63  }
0x6a: {  	_ =	swait.ge [sflag:s30], $0x280  }
0x6b: {  	s28 =	sld [smem:$0x7DE];
	_ =	sdelay $0x2  }
0x6c: {  	p0 =	seq.s32 s28, $0x1  }
.Ltmp0:
0x6d: {  	_ = 	snop;
	(pc) =	sbr.rel @p0 .LBB2_5-.Ltmp0, $3  }
0x6e: {  	_ =	sdelay $0x1  }
0x6f: {  	[sflag:s30] =	ssyncset.done $0x0  }
0x70: {  	[sflag:s30] =	ssyncadd.s32 $0xFFFFFD80  }
0x71: {  	s14 =	sld [smem:$0x7DF];
	_ =	sdelay $0x2  }
0x72: {  	p0 =	seq.s32 s14, $0x1  }
.Ltmp1:
0x73: {  	_ = 	snop;
	(pc) =	sbr.rel @p0 .LBB2_4-.Ltmp1, $1  }
0x74: {  	_ =	sdelay $0x3  }
0x75: {  	s14 =	sld [smem:$0x7D4];
	_ =	sdelay $0x2  }
0x76: {  	p3 =	seq.s32 s14, $0x1;
	s14 =	sld [smem:$0x7FA];
	_ =	sdelay $0x2  }
0x77: {  	s25 =	simm.s32 @!p3 $0x1C85;
	s24 =	sshrl.u32 @!p3 s14, $0x3  }
0x78: {  	[spmem:s24], [sflag:s25] =	dma.local @!p3 [hbm:s8], $0x2780  }
0x79: {  	s24 =	simm.s32 @!p3 $0x5  }
0x7a: {  	_ =	swait.ge @!p3 [sflag:s24], $0x2780  }
0x7b: {  	s14 =	sld [smem:$0x7FB];
	_ =	sdelay $0x1  }
0x7c: {  	[sflag:s24] =	ssyncset.done @!p3 $0x0  }
0x7d: {  	[sflag:s24] =	ssyncadd.s32 @!p3 $0xFFFFD880;
	s24 =	sshrl.u32 @!p3 s14, $0x3  }
0x7e: {  	[spmem:s24], [sflag:s25] =	dma.local @!p3 [hbm:s9], $0x4F0  }
0x7f: {  	s25 =	sld [smem:$0x7D5]  }
0x80: {  	s14 =	sld [smem:$0x7F8];
	_ =	sdelay $0x1  }
0x81: {  	p4 =	seq.s32 s25, $0x1  }
0x82: {  	s24 =	sshrl.u32 @!p4 s14, $0x3;
	s25 =	simm.s32 @!p4 $0x1CC5  }
0x83: {  	[spmem:s24], [sflag:s25] =	dma.local @!p4 [hbm:s8], $0x2780  }
0x84: {  	s24 =	simm.s32 @!p4 $0x5  }
0x85: {  	_ =	swait.ge @!p4 [sflag:s24], $0x2780  }
0x86: {  	s14 =	sld [smem:$0x7F9];
	_ =	sdelay $0x1  }
0x87: {  	[sflag:s24] =	ssyncset.done @!p4 $0x0  }
0x88: {  	[sflag:s24] =	ssyncadd.s32 @!p4 $0xFFFFD880;
	s24 =	sshrl.u32 @!p4 s14, $0x3  }
0x89: {  	[spmem:s24], [sflag:s25] =	dma.local @!p4 [hbm:s9], $0x4F0  }
0x8a: {  	s26 =	sld [smem:$0x7D6];
	_ =	sdelay $0x2  }
0x8b: {  	p6 =	seq.s32 s26, $0x1  }
0x8c: {  	s24 =	sshrl.u32 @!p6 s5, $0x3;
	s25 =	simm.s32 @!p6 $0x1C05  }
0x8d: {  	[spmem:s24], [sflag:s25] =	dma.local @!p6 [hbm:s8], $0x2780  }
0x8e: {  	s24 =	simm.s32 @!p6 $0x5  }
0x8f: {  	_ =	swait.ge @!p6 [sflag:s24], $0x2780  }
0x90: {  	[sflag:s24] =	ssyncset.done @!p6 $0x0  }
0x91: {  	[sflag:s24] =	ssyncadd.s32 @!p6 $0xFFFFD880;
	s24 =	sshrl.u32 @!p6 s7, $0x3  }
0x92: {  	[spmem:s24], [sflag:s25] =	dma.local @!p6 [hbm:s9], $0x4F0  }
0x93: {  	s28 =	sld [smem:$0x7D8]  }
0x94: {  	s14 =	sld [smem:$0x7FC];
	_ =	sdelay $0x1  }
0x95: {  	p0 =	seq.s32 s28, $0x1  }
0x96: {  	s24 =	sshrl.u32 @!p0 s14, $0x3;
	s25 =	simm.s32 @!p0 $0x1C45  }
0x97: {  	[spmem:s24], [sflag:s25] =	dma.local @!p0 [hbm:s8], $0x2780  }
0x98: {  	s24 =	simm.s32 @!p0 $0x5  }
0x99: {  	_ =	swait.ge @!p0 [sflag:s24], $0x2780  }
0x9a: {  	p2 =	por @!p4 $0x1, $0x1;
	s14 =	sld [smem:$0x7FD]  }
0x9b: {  	p1 =	por @!p4 $0x0, $0x0;
	p5 =	por @!p4 $0x0, $0x0;
	p4 =	por @!p3 $0x0, $0x0  }
0x9c: {  	p5 =	por @!p3 p4, p4;
	p2 =	por @!p3 p4, p4;
	[sflag:s24] =	ssyncset.done @!p0 $0x0  }
0x9d: {  	[sflag:s24] =	ssyncadd.s32 @!p0 $0xFFFFD880;
	s24 =	sshrl.u32 @!p0 s14, $0x3;
	s14 =	simm.s32 @!p2 $0x0  }
0x9e: {  	[spmem:s24], [sflag:s25] =	dma.local @!p0 [hbm:s9], $0x4F0  }
0x9f: {  	s14 =	simm.s32 @p2 $0x1;
	p2 =	por @!p3 $0x1, $0x1;
	s24 =	sld [smem:$0x7D7]  }
0xa0: {  	p4 =	por @!p0 $0x1, $0x1;
	p1 =	por @!p3 p2, p2;
	p2 =	por @!p6 $0x0, $0x0  }
0xa1: {  	p0 =	por @!p0 $0x0, $0x0;
	[smem:$0x7C3] =	sst s14;
	p4 =	por @!p6 p2, p2  }
0xa2: {  	p0 =	por @!p6 p2, p2;
	p2 =	por p5, p5;
	p6 =	seq.s32 s24, $0x1  }
0xa3: {  	p3 =	por p1, p1;
	p1 =	por p5, p5;
	p2 =	por @!p6 p0, p0  }
0xa4: {  	p1 =	por @!p6 p4, p4;
	p4 =	por p5, p5;
	s14 =	simm.s32 @!p2 $0x0  }
0xa5: {  	p4 =	por @!p6 p0, p0;
	s14 =	simm.s32 @p2 $0x1  }
0xa6: {  	p2 =	por p5, p5;
	[smem:$0x7BD] =	sst s14;
	s14 =	simm.s32 @!p4 $0x0  }
0xa7: {  	p2 =	por @!p6 p0, p0;
	s14 =	simm.s32 @p4 $0x1  }
0xa8: {  	p4 =	por p5, p5;
	[smem:$0x7BE] =	sst s14;
	s14 =	simm.s32 @!p2 $0x0  }
0xa9: {  	p4 =	por @!p6 p0, p0;
	s14 =	simm.s32 @p2 $0x1  }
0xaa: {  	p2 =	por p5, p5;
	[smem:$0x7BF] =	sst s14;
	s14 =	simm.s32 @!p4 $0x0  }
0xab: {  	s25 =	sld [smem:$0x7C3];
	p2 =	por @!p6 p0, p0;
	s14 =	simm.s32 @p4 $0x1  }
0xac: {  	p4 =	por p5, p5;
	[smem:$0x7C0] =	sst s14;
	s14 =	simm.s32 @!p2 $0x0  }
0xad: {  	p4 =	por @!p6 p0, p0;
	s14 =	simm.s32 @p2 $0x1  }
0xae: {  	p2 =	seq.s32 s25, $0x1;
	[smem:$0x7C1] =	sst s14;
	s14 =	simm.s32 @!p4 $0x0  }
0xaf: {  	p2 =	por @!p6 p0, p0;
	s14 =	simm.s32 @p4 $0x1  }
0xb0: {  	[smem:$0x7C2] =	sst s14;
	s14 =	simm.s32 @!p2 $0x0  }
0xb1: {  	s14 =	simm.s32 @p2 $0x1;
	p2 =	por p5, p5  }
0xb2: {  	p2 =	por @!p6 p0, p0  }
0xb3: {  	[smem:$0x7C3] =	sst s14;
	s14 =	simm.s32 @!p2 $0x0  }
0xb4: {  	s14 =	simm.s32 @p2 $0x1  }
0xb5: {  	[smem:$0x7C4] =	sst s14;
	s14 =	simm.s32 @!p5 $0x0  }
0xb6: {  	s14 =	simm.s32 @p5 $0x1  }
0xb7: {  	[smem:$0x7C5] =	sst s14  }
0xb8: {  	s14 =	simm.s32 @!p5 $0x0;
	s26 =	sld [smem:$0x7C5]  }
0xb9: {  	s14 =	simm.s32 @p5 $0x1  }
0xba: {  	[smem:$0x7C6] =	sst s14  }
0xbb: {  	s28 =	sld [smem:$0x7C6];
	p2 =	seq.s32 s26, $0x1  }
0xbc: {  	p2 =	por @!p6 p0, p0  }
0xbd: {  	s14 =	simm.s32 @!p2 $0x0  }
0xbe: {  	s14 =	simm.s32 @p2 $0x1;
	p2 =	seq.s32 s28, $0x1  }
0xbf: {  	p2 =	por @!p6 p0, p0  }
0xc0: {  	[smem:$0x7C5] =	sst s14;
	s14 =	simm.s32 @!p2 $0x0  }
.Ltmp2:
0xc1: {  	s14 =	simm.s32 @p2 $0x1;
	p2 =	por p5, p5;
	(pc) =	sbr.rel .LBB2_8-.Ltmp2, $4  }
0xc2: {  	p2 =	por @!p6 p0, p0  }
0xc3: {  	[smem:$0x7C6] =	sst s14;
	s14 =	simm.s32 @!p2 $0x0  }
0xc4: {  	p3 =	por @!p6 p0, p0;
	p4 =	por p5, p5;
	s14 =	simm.s32 @p2 $0x1  }
0xc5: {  	p4 =	por @!p6 p0, p0;
	p5 =	por @!p6 p0, p0;
	[smem:$0x7C7] =	sst s14  }
.LBB2_5:
0xc6: {  	p0 =	sgt.s32 s17, $0xB  }
.Ltmp3:
0xc7: {  	_ = 	snop;
	(pc) =	sbr.rel @p0 .LBB2_7-.Ltmp3, $1  }
0xc8: {  	_ =	sdelay $0x3  }
0xc9: {  	p6 =	sgt.s32 s17, $0x9;
	s14 =	sld [smem:$0x7EA]  }
0xca: {  	p1 =	seq.s32 @p6 s17, $0xA  }
0xcb: {  	p0 =	por !p1, !p6  }
0xcc: {  	s24 =	sshrl.u32 @!p0 s14, $0x3;
	s25 =	simm.s32 @!p0 $0x1E85  }
0xcd: {  	[spmem:s24], [sflag:s25] =	dma.local @!p0 [hbm:s8], $0x2780  }
0xce: {  	s24 =	simm.s32 @!p0 $0x5  }
0xcf: {  	_ =	swait.ge @!p0 [sflag:s24], $0x2780  }
0xd0: {  	s14 =	sld [smem:$0x7EB];
	_ =	sdelay $0x1  }
0xd1: {  	[sflag:s24] =	ssyncset.done @!p0 $0x0  }
0xd2: {  	[sflag:s24] =	ssyncadd.s32 @!p0 $0xFFFFD880;
	s24 =	sshrl.u32 @!p0 s14, $0x3  }
0xd3: {  	[spmem:s24], [sflag:s25] =	dma.local @!p0 [hbm:s9], $0x4F0  }
0xd4: {  	s14 =	sld [smem:$0x7E8];
	_ =	sdelay $0x1  }
0xd5: {  	p2 =	por p1, !p6  }
0xd6: {  	s25 =	simm.s32 @!p2 $0x1EC5;
	s24 =	sshrl.u32 @!p2 s14, $0x3  }
0xd7: {  	[spmem:s24], [sflag:s25] =	dma.local @!p2 [hbm:s8], $0x2780  }
0xd8: {  	s24 =	simm.s32 @!p2 $0x5  }
0xd9: {  	_ =	swait.ge @!p2 [sflag:s24], $0x2780  }
0xda: {  	s14 =	sld [smem:$0x7E9];
	_ =	sdelay $0x1  }
0xdb: {  	[sflag:s24] =	ssyncset.done @!p2 $0x0  }
0xdc: {  	[sflag:s24] =	ssyncadd.s32 @!p2 $0xFFFFD880;
	s24 =	sshrl.u32 @!p2 s14, $0x3  }
0xdd: {  	[spmem:s24], [sflag:s25] =	dma.local @!p2 [hbm:s9], $0x4F0  }
0xde: {  	s14 =	sld [smem:$0x7EE]  }
0xdf: {  	p3 =	seq.s32 @!p6 s17, $0x8  }
0xe0: {  	p1 =	por !p3, p6  }
0xe1: {  	s25 =	simm.s32 @!p1 $0x1E05;
	s24 =	sshrl.u32 @!p1 s14, $0x3  }
0xe2: {  	[spmem:s24], [sflag:s25] =	dma.local @!p1 [hbm:s8], $0x2780  }
0xe3: {  	s24 =	simm.s32 @!p1 $0x5  }
0xe4: {  	_ =	swait.ge @!p1 [sflag:s24], $0x2780  }
0xe5: {  	s14 =	sld [smem:$0x7EF];
	_ =	sdelay $0x1  }
0xe6: {  	[sflag:s24] =	ssyncset.done @!p1 $0x0  }
0xe7: {  	[sflag:s24] =	ssyncadd.s32 @!p1 $0xFFFFD880;
	s24 =	sshrl.u32 @!p1 s14, $0x3  }
0xe8: {  	[spmem:s24], [sflag:s25] =	dma.local @!p1 [hbm:s9], $0x4F0  }
0xe9: {  	s14 =	sld [smem:$0x7EC];
	_ =	sdelay $0x1  }
0xea: {  	p3 =	por p3, p6;
	p5 =	por @!p2 $0x0, $0x0  }
0xeb: {  	p2 =	por @!p2 $0x1, $0x1;
	s25 =	simm.s32 @!p3 $0x1E45;
	s24 =	sshrl.u32 @!p3 s14, $0x3  }
0xec: {  	[spmem:s24], [sflag:s25] =	dma.local @!p3 [hbm:s8], $0x2780  }
0xed: {  	s14 =	simm.s32 @!p2 $0x0;
	s24 =	simm.s32 @!p3 $0x5  }
0xee: {  	s14 =	simm.s32 @p2 $0x1;
	_ =	swait.ge @!p3 [sflag:s24], $0x2780  }
0xef: {  	[smem:$0x7BF] =	sst s14;
	s14 =	simm.s32 @!p5 $0x0  }
0xf0: {  	s14 =	simm.s32 @p5 $0x1  }
0xf1: {  	[smem:$0x7C6] =	sst s14  }
0xf2: {  	s14 =	sld [smem:$0x7ED];
	_ =	sdelay $0x1  }
0xf3: {  	[sflag:s24] =	ssyncset.done @!p3 $0x0  }
0xf4: {  	[sflag:s24] =	ssyncadd.s32 @!p3 $0xFFFFD880;
	s24 =	sshrl.u32 @!p3 s14, $0x3  }
0xf5: {  	[spmem:s24], [sflag:s25] =	dma.local @!p3 [hbm:s9], $0x4F0  }
0xf6: {  	s28 =	sld [smem:$0x7BF];
	_ =	sdelay $0x1  }
0xf7: {  	p4 =	por @!p0 $0x0, $0x0  }
0xf8: {  	p2 =	por @!p0 $0x0, $0x0;
	p5 =	por @!p0 p4, p4;
	p4 =	seq.s32 s28, $0x1  }
0xf9: {  	p4 =	por @!p0 p2, p2  }
0xfa: {  	s24 =	sld [smem:$0x7C6];
	s14 =	simm.s32 @!p4 $0x0  }
0xfb: {  	p2 =	por @!p3 $0x0, $0x0;
	s14 =	simm.s32 @p4 $0x1  }
0xfc: {  	[smem:$0x7BF] =	sst s14;
	s14 =	simm.s32 @!p2 $0x0  }
0xfd: {  	p4 =	por @!p0 $0x1, $0x1;
	s14 =	simm.s32 @p2 $0x1;
	p2 =	seq.s32 s24, $0x1  }
0xfe: {  	p2 =	por @!p0 p4, p4  }
0xff: {  	[smem:$0x7BB] =	sst s14;
	s14 =	simm.s32 @!p2 $0x0  }
0x100: {  	p3 =	por @!p3 $0x1, $0x1;
	s14 =	simm.s32 @p2 $0x1;
	p2 =	por @!p1 $0x0, $0x0  }
0x101: {  	s25 =	sld [smem:$0x7BB];
	p3 =	por @!p1 p2, p2  }
0x102: {  	[smem:$0x7C6] =	sst s14;
	s14 =	simm.s32 @!p3 $0x0  }
0x103: {  	s14 =	simm.s32 @p3 $0x1  }
0x104: {  	[smem:$0x7BC] =	sst s14  }
0x105: {  	p4 =	seq.s32 s25, $0x1;
	s14 =	sld [smem:$0x7BC]  }
0x106: {  	p0 =	por p4, p4  }
0x107: {  	p3 =	por @!p1 $0x1, $0x1;
	p0 =	por @!p1 p2, p2  }
0x108: {  	p2 =	por p5, p5;
	p4 =	por @!p1 p3, p3;
	p1 =	seq.s32 s14, $0x1  }
0x109: {  	p2 =	por @!p6 p1, p1  }
0x10a: {  	s14 =	simm.s32 @!p2 $0x0  }
0x10b: {  	s14 =	simm.s32 @p2 $0x1;
	p2 =	por p5, p5  }
0x10c: {  	p2 =	por @!p6 p4, p4  }
0x10d: {  	p1 =	por p5, p5;
	[smem:$0x7C0] =	sst s14;
	s14 =	simm.s32 @!p2 $0x0  }
0x10e: {  	p1 =	por @!p6 p0, p0;
	s14 =	simm.s32 @p2 $0x1  }
0x10f: {  	[smem:$0x7C5] =	sst s14;
	s14 =	simm.s32 @!p1 $0x0  }
0x110: {  	s26 =	sld [smem:$0x7BF];
	s14 =	simm.s32 @p1 $0x1;
	p1 =	por p5, p5  }
0x111: {  	p1 =	por @!p6 p0, p0  }
0x112: {  	[smem:$0x7BD] =	sst s14;
	s14 =	simm.s32 @!p1 $0x0  }
0x113: {  	s14 =	simm.s32 @p1 $0x1;
	p1 =	seq.s32 s26, $0x1  }
0x114: {  	p1 =	por @!p6 p0, p0  }
0x115: {  	[smem:$0x7BE] =	sst s14;
	s14 =	simm.s32 @!p1 $0x0  }
0x116: {  	s14 =	simm.s32 @p1 $0x1;
	p1 =	por p5, p5  }
0x117: {  	p1 =	por @!p6 p0, p0  }
0x118: {  	p2 =	por p5, p5;
	[smem:$0x7BF] =	sst s14;
	s14 =	simm.s32 @!p1 $0x0  }
0x119: {  	p2 =	por @!p6 p0, p0;
	s14 =	simm.s32 @p1 $0x1  }
0x11a: {  	[smem:$0x7C1] =	sst s14;
	s14 =	simm.s32 @!p2 $0x0  }
0x11b: {  	s14 =	simm.s32 @p2 $0x1;
	p2 =	por p5, p5  }
0x11c: {  	p2 =	por @!p6 p0, p0  }
0x11d: {  	[smem:$0x7C2] =	sst s14;
	s14 =	simm.s32 @!p2 $0x0  }
0x11e: {  	s28 =	sld [smem:$0x7C6];
	s14 =	simm.s32 @p2 $0x1;
	p2 =	por p5, p5  }
0x11f: {  	p2 =	por @!p6 p0, p0  }
0x120: {  	[smem:$0x7C3] =	sst s14;
	s14 =	simm.s32 @!p2 $0x0  }
0x121: {  	s14 =	simm.s32 @p2 $0x1;
	p2 =	seq.s32 s28, $0x1  }
0x122: {  	p2 =	por @!p6 p0, p0  }
0x123: {  	p3 =	por p5, p5;
	[smem:$0x7C4] =	sst s14;
	s14 =	simm.s32 @!p2 $0x0  }
.Ltmp4:
0x124: {  	s14 =	simm.s32 @p2 $0x1;
	p2 =	por p5, p5;
	(pc) =	sbr.rel .LBB2_8-.Ltmp4, $4  }
0x125: {  	p3 =	por @!p6 p0, p0;
	p2 =	por @!p6 p0, p0  }
0x126: {  	p4 =	por p5, p5;
	[smem:$0x7C6] =	sst s14;
	s14 =	simm.s32 @!p2 $0x0  }
0x127: {  	p4 =	por @!p6 p0, p0;
	p1 =	por p5, p5;
	s14 =	simm.s32 @p2 $0x1  }
0x128: {  	p1 =	por @!p6 p0, p0;
	p5 =	por @!p6 p0, p0;
	[smem:$0x7C7] =	sst s14  }
.LBB2_4:
0x129: {  	s14 =	sld [smem:$0x7D9];
	_ =	sdelay $0x2  }
0x12a: {  	p2 =	seq.s32 s14, $0x1;
	s14 =	sld [smem:$0x7F2];
	_ =	sdelay $0x2  }
0x12b: {  	s25 =	simm.s32 @!p2 $0x1D85;
	s24 =	sshrl.u32 @!p2 s14, $0x3  }
0x12c: {  	[spmem:s24], [sflag:s25] =	dma.local @!p2 [hbm:s8], $0x2780  }
0x12d: {  	s24 =	simm.s32 @!p2 $0x5  }
0x12e: {  	_ =	swait.ge @!p2 [sflag:s24], $0x2780  }
0x12f: {  	s14 =	sld [smem:$0x7F3];
	_ =	sdelay $0x1  }
0x130: {  	[sflag:s24] =	ssyncset.done @!p2 $0x0  }
0x131: {  	[sflag:s24] =	ssyncadd.s32 @!p2 $0xFFFFD880;
	s24 =	sshrl.u32 @!p2 s14, $0x3  }
0x132: {  	[spmem:s24], [sflag:s25] =	dma.local @!p2 [hbm:s9], $0x4F0  }
0x133: {  	s24 =	sld [smem:$0x7DA]  }
0x134: {  	s14 =	sld [smem:$0x7F0];
	_ =	sdelay $0x1  }
0x135: {  	p3 =	seq.s32 s24, $0x1  }
0x136: {  	s24 =	sshrl.u32 @!p3 s14, $0x3;
	s25 =	simm.s32 @!p3 $0x1DC5  }
0x137: {  	[spmem:s24], [sflag:s25] =	dma.local @!p3 [hbm:s8], $0x2780  }
0x138: {  	s24 =	simm.s32 @!p3 $0x5  }
0x139: {  	_ =	swait.ge @!p3 [sflag:s24], $0x2780  }
0x13a: {  	s14 =	sld [smem:$0x7F1];
	_ =	sdelay $0x1  }
0x13b: {  	[sflag:s24] =	ssyncset.done @!p3 $0x0  }
0x13c: {  	[sflag:s24] =	ssyncadd.s32 @!p3 $0xFFFFD880;
	s24 =	sshrl.u32 @!p3 s14, $0x3  }
0x13d: {  	[spmem:s24], [sflag:s25] =	dma.local @!p3 [hbm:s9], $0x4F0  }
0x13e: {  	s25 =	sld [smem:$0x7DB]  }
0x13f: {  	s14 =	sld [smem:$0x7F6];
	_ =	sdelay $0x1  }
0x140: {  	p4 =	seq.s32 s25, $0x1  }
0x141: {  	s24 =	sshrl.u32 @!p4 s14, $0x3;
	s25 =	simm.s32 @!p4 $0x1D05  }
0x142: {  	[spmem:s24], [sflag:s25] =	dma.local @!p4 [hbm:s8], $0x2780  }
0x143: {  	s24 =	simm.s32 @!p4 $0x5  }
0x144: {  	_ =	swait.ge @!p4 [sflag:s24], $0x2780  }
0x145: {  	s14 =	sld [smem:$0x7F7];
	_ =	sdelay $0x1  }
0x146: {  	[sflag:s24] =	ssyncset.done @!p4 $0x0  }
0x147: {  	[sflag:s24] =	ssyncadd.s32 @!p4 $0xFFFFD880;
	s24 =	sshrl.u32 @!p4 s14, $0x3  }
0x148: {  	[spmem:s24], [sflag:s25] =	dma.local @!p4 [hbm:s9], $0x4F0  }
0x149: {  	s26 =	sld [smem:$0x7DD]  }
0x14a: {  	s14 =	sld [smem:$0x7F4]  }
0x14b: {  	p6 =	por @!p2 $0x0, $0x0;
	p1 =	por @!p3 $0x1, $0x1;
	p5 =	por @!p3 $0x0, $0x0  }
0x14c: {  	p1 =	por @!p2 p6, p6;
	p3 =	por @!p3 $0x0, $0x0;
	p0 =	seq.s32 s26, $0x1  }
0x14d: {  	s24 =	sshrl.u32 @!p0 s14, $0x3;
	s25 =	simm.s32 @!p0 $0x1D45;
	s14 =	simm.s32 @!p1 $0x0  }
0x14e: {  	[spmem:s24], [sflag:s25] =	dma.local @!p0 [hbm:s8], $0x2780  }
0x14f: {  	s24 =	simm.s32 @!p0 $0x5;
	s14 =	simm.s32 @p1 $0x1;
	p1 =	por @!p2 $0x1, $0x1  }
0x150: {  	_ =	swait.ge @!p0 [sflag:s24], $0x2780;
	p3 =	por @!p2 p1, p1  }
0x151: {  	[smem:$0x7C1] =	sst s14;
	s14 =	simm.s32 @!p3 $0x0  }
0x152: {  	s14 =	simm.s32 @p3 $0x1  }
0x153: {  	[smem:$0x7C4] =	sst s14  }
0x154: {  	s14 =	sld [smem:$0x7F5];
	_ =	sdelay $0x1  }
0x155: {  	[sflag:s24] =	ssyncset.done @!p0 $0x0  }
0x156: {  	p5 =	por @!p2 p6, p6;
	[sflag:s24] =	ssyncadd.s32 @!p0 $0xFFFFD880;
	s24 =	sshrl.u32 @!p0 s14, $0x3  }
0x157: {  	[spmem:s24], [sflag:s25] =	dma.local @!p0 [hbm:s9], $0x4F0  }
0x158: {  	p6 =	por @!p0 $0x0, $0x0;
	p1 =	por @!p4 $0x0, $0x0;
	s28 =	sld [smem:$0x7DC]  }
0x159: {  	p2 =	por @!p0 $0x1, $0x1;
	p6 =	por @!p4 p1, p1  }
0x15a: {  	p2 =	por @!p4 p1, p1;
	p3 =	por @!p0 $0x0, $0x0;
	p0 =	por @!p4 $0x1, $0x1  }
0x15b: {  	p1 =	por p5, p5;
	p3 =	por @!p4 p0, p0;
	p0 =	seq.s32 s28, $0x1  }
0x15c: {  	p1 =	por @!p0 p2, p2  }
0x15d: {  	p2 =	por p5, p5;
	s14 =	simm.s32 @!p1 $0x0  }
0x15e: {  	p2 =	por @!p0 p6, p6;
	s14 =	simm.s32 @p1 $0x1  }
0x15f: {  	p1 =	por p5, p5;
	[smem:$0x7C2] =	sst s14;
	s14 =	simm.s32 @!p2 $0x0  }
0x160: {  	p1 =	por @!p0 p6, p6;
	s14 =	simm.s32 @p2 $0x1  }
0x161: {  	p2 =	por p5, p5;
	[smem:$0x7BD] =	sst s14;
	s14 =	simm.s32 @!p1 $0x0  }
0x162: {  	s24 =	sld [smem:$0x7C1];
	p2 =	por @!p0 p6, p6;
	s14 =	simm.s32 @p1 $0x1  }
0x163: {  	p1 =	por p5, p5;
	[smem:$0x7BE] =	sst s14;
	s14 =	simm.s32 @!p2 $0x0  }
0x164: {  	p1 =	por @!p0 p6, p6;
	s14 =	simm.s32 @p2 $0x1  }
0x165: {  	[smem:$0x7BF] =	sst s14;
	s14 =	simm.s32 @!p1 $0x0  }
0x166: {  	s14 =	simm.s32 @p1 $0x1;
	p1 =	seq.s32 s24, $0x1  }
0x167: {  	s25 =	sld [smem:$0x7C4];
	p1 =	por @!p0 p6, p6  }
0x168: {  	p2 =	por p5, p5;
	[smem:$0x7C0] =	sst s14;
	s14 =	simm.s32 @!p1 $0x0  }
0x169: {  	p2 =	por @!p0 p6, p6;
	s14 =	simm.s32 @p1 $0x1  }
0x16a: {  	[smem:$0x7C1] =	sst s14;
	s14 =	simm.s32 @!p2 $0x0  }
0x16b: {  	s14 =	simm.s32 @p2 $0x1;
	p2 =	seq.s32 s25, $0x1  }
0x16c: {  	p2 =	por @!p0 p6, p6  }
0x16d: {  	[smem:$0x7C3] =	sst s14;
	s14 =	simm.s32 @!p2 $0x0  }
0x16e: {  	s14 =	simm.s32 @p2 $0x1  }
0x16f: {  	[smem:$0x7C4] =	sst s14;
	s14 =	simm.s32 @!p5 $0x0  }
0x170: {  	s14 =	simm.s32 @p5 $0x1  }
0x171: {  	[smem:$0x7C5] =	sst s14  }
0x172: {  	s14 =	simm.s32 @!p5 $0x0;
	s26 =	sld [smem:$0x7C5]  }
0x173: {  	s14 =	simm.s32 @p5 $0x1  }
0x174: {  	[smem:$0x7C6] =	sst s14  }
0x175: {  	s28 =	sld [smem:$0x7C6];
	p2 =	seq.s32 s26, $0x1  }
0x176: {  	p2 =	por @!p0 p6, p6  }
0x177: {  	s14 =	simm.s32 @!p2 $0x0  }
0x178: {  	s14 =	simm.s32 @p2 $0x1;
	p2 =	seq.s32 s28, $0x1  }
0x179: {  	p2 =	por @!p0 p6, p6  }
0x17a: {  	p4 =	por p5, p5;
	[smem:$0x7C5] =	sst s14;
	s14 =	simm.s32 @!p2 $0x0  }
.Ltmp5:
0x17b: {  	s14 =	simm.s32 @p2 $0x1;
	p2 =	por p5, p5;
	(pc) =	sbr.rel .LBB2_8-.Ltmp5, $4  }
0x17c: {  	p4 =	por @!p0 p3, p3;
	p2 =	por @!p0 p6, p6  }
0x17d: {  	p3 =	por p5, p5;
	[smem:$0x7C6] =	sst s14;
	s14 =	simm.s32 @!p2 $0x0  }
0x17e: {  	p3 =	por @!p0 p6, p6;
	p1 =	por p5, p5;
	s14 =	simm.s32 @p2 $0x1  }
0x17f: {  	p1 =	por @!p0 p6, p6;
	p5 =	por @!p0 p6, p6;
	[smem:$0x7C7] =	sst s14  }
.LBB2_7:
0x180: {  	p4 =	sgt.s32 s17, $0xD;
	s14 =	sld [smem:$0x7E2]  }
0x181: {  	p1 =	seq.s32 @p4 s17, $0xE  }
0x182: {  	p0 =	por !p1, !p4  }
0x183: {  	s24 =	sshrl.u32 @!p0 s14, $0x3;
	s25 =	simm.s32 @!p0 $0x1F85  }
0x184: {  	[spmem:s24], [sflag:s25] =	dma.local @!p0 [hbm:s8], $0x2780  }
0x185: {  	s24 =	simm.s32 @!p0 $0x5  }
0x186: {  	_ =	swait.ge @!p0 [sflag:s24], $0x2780  }
0x187: {  	s14 =	sld [smem:$0x7E3];
	_ =	sdelay $0x1  }
0x188: {  	[sflag:s24] =	ssyncset.done @!p0 $0x0  }
0x189: {  	[sflag:s24] =	ssyncadd.s32 @!p0 $0xFFFFD880;
	s24 =	sshrl.u32 @!p0 s14, $0x3  }
0x18a: {  	[spmem:s24], [sflag:s25] =	dma.local @!p0 [hbm:s9], $0x4F0  }
0x18b: {  	s14 =	sld [smem:$0x7E0];
	_ =	sdelay $0x1  }
0x18c: {  	p2 =	por p1, !p4  }
0x18d: {  	s25 =	simm.s32 @!p2 $0x1FC5;
	s24 =	sshrl.u32 @!p2 s14, $0x3  }
0x18e: {  	[spmem:s24], [sflag:s25] =	dma.local @!p2 [hbm:s8], $0x2780  }
0x18f: {  	s24 =	simm.s32 @!p2 $0x5  }
0x190: {  	_ =	swait.ge @!p2 [sflag:s24], $0x2780  }
0x191: {  	s14 =	sld [smem:$0x7E1];
	_ =	sdelay $0x1  }
0x192: {  	[sflag:s24] =	ssyncset.done @!p2 $0x0  }
0x193: {  	[sflag:s24] =	ssyncadd.s32 @!p2 $0xFFFFD880;
	s24 =	sshrl.u32 @!p2 s14, $0x3;
	s14 =	simm.s32 @!p4 $0x0  }
0x194: {  	[spmem:s24], [sflag:s25] =	dma.local @!p2 [hbm:s9], $0x4F0  }
0x195: {  	s14 =	simm.s32 @p4 $0x1  }
0x196: {  	[smem:$0x7B8] =	sst s14  }
0x197: {  	s14 =	sld [smem:$0x7E6]  }
0x198: {  	p3 =	seq.s32 @!p4 s17, $0xC  }
0x199: {  	p1 =	por !p3, p4  }
0x19a: {  	s25 =	simm.s32 @!p1 $0x1F05;
	s24 =	sshrl.u32 @!p1 s14, $0x3  }
0x19b: {  	[spmem:s24], [sflag:s25] =	dma.local @!p1 [hbm:s8], $0x2780  }
0x19c: {  	s24 =	simm.s32 @!p1 $0x5  }
0x19d: {  	_ =	swait.ge @!p1 [sflag:s24], $0x2780  }
0x19e: {  	s14 =	sld [smem:$0x7E7];
	_ =	sdelay $0x1  }
0x19f: {  	[sflag:s24] =	ssyncset.done @!p1 $0x0  }
0x1a0: {  	[sflag:s24] =	ssyncadd.s32 @!p1 $0xFFFFD880;
	s24 =	sshrl.u32 @!p1 s14, $0x3  }
0x1a1: {  	[spmem:s24], [sflag:s25] =	dma.local @!p1 [hbm:s9], $0x4F0  }
0x1a2: {  	s14 =	sld [smem:$0x7E4]  }
0x1a3: {  	p5 =	por p3, p4  }
0x1a4: {  	p3 =	por @!p0 $0x0, $0x0;
	p6 =	por @!p2 $0x0, $0x0;
	p2 =	por @!p2 $0x1, $0x1  }
0x1a5: {  	p2 =	por @!p0 p3, p3;
	s25 =	simm.s32 @!p5 $0x1F45;
	s24 =	sshrl.u32 @!p5 s14, $0x3  }
0x1a6: {  	[spmem:s24], [sflag:s25] =	dma.local @!p5 [hbm:s8], $0x2780  }
0x1a7: {  	s14 =	simm.s32 @!p2 $0x0;
	s24 =	simm.s32 @!p5 $0x5  }
0x1a8: {  	s14 =	simm.s32 @p2 $0x1;
	_ =	swait.ge @!p5 [sflag:s24], $0x2780  }
0x1a9: {  	[smem:$0x7BD] =	sst s14  }
0x1aa: {  	p4 =	por @!p0 $0x1, $0x1;
	s14 =	sld [smem:$0x7E5]  }
0x1ab: {  	p3 =	por p6, p6;
	p6 =	por @!p0 p4, p4  }
0x1ac: {  	p4 =	por @!p5 $0x1, $0x1;
	p2 =	por @!p0 $0x0, $0x0;
	[sflag:s24] =	ssyncset.done @!p5 $0x0  }
0x1ad: {  	p3 =	por @!p0 p2, p2;
	[sflag:s24] =	ssyncadd.s32 @!p5 $0xFFFFD880;
	s24 =	sshrl.u32 @!p5 s14, $0x3  }
0x1ae: {  	[spmem:s24], [sflag:s25] =	dma.local @!p5 [hbm:s9], $0x4F0  }
0x1af: {  	p2 =	por @!p5 $0x0, $0x0;
	s14 =	simm.s32 @!p6 $0x0;
	s24 =	sld [smem:$0x7B8]  }
0x1b0: {  	p0 =	por p2, p2;
	s14 =	simm.s32 @p6 $0x1;
	p5 =	por @!p1 $0x0, $0x0  }
0x1b1: {  	p6 =	por @!p1 $0x1, $0x1;
	p0 =	por @!p1 p5, p5;
	p4 =	por @!p1 p5, p5  }
0x1b2: {  	p5 =	por p3, p3;
	p2 =	por @!p1 p6, p6;
	p6 =	seq.s32 s24, $0x1  }
0x1b3: {  	p5 =	por @!p6 p4, p4  }
0x1b4: {  	[smem:$0x7B9] =	sst s14;
	s14 =	simm.s32 @!p5 $0x0  }
0x1b5: {  	s14 =	simm.s32 @p5 $0x1  }
0x1b6: {  	[smem:$0x7BE] =	sst s14;
	s14 =	simm.s32 @!p3 $0x0  }
0x1b7: {  	s14 =	simm.s32 @p3 $0x1  }
0x1b8: {  	[smem:$0x7BF] =	sst s14;
	s14 =	simm.s32 @!p3 $0x0  }
0x1b9: {  	s14 =	simm.s32 @p3 $0x1  }
0x1ba: {  	[smem:$0x7C0] =	sst s14;
	s14 =	simm.s32 @!p3 $0x0  }
0x1bb: {  	s14 =	simm.s32 @p3 $0x1  }
0x1bc: {  	[smem:$0x7C1] =	sst s14;
	s14 =	simm.s32 @!p3 $0x0  }
0x1bd: {  	s14 =	simm.s32 @p3 $0x1  }
0x1be: {  	[smem:$0x7C2] =	sst s14;
	s14 =	simm.s32 @!p3 $0x0  }
0x1bf: {  	s14 =	simm.s32 @p3 $0x1  }
0x1c0: {  	[smem:$0x7C3] =	sst s14;
	s14 =	simm.s32 @!p3 $0x0  }
0x1c1: {  	s14 =	simm.s32 @p3 $0x1  }
0x1c2: {  	[smem:$0x7BA] =	sst s14;
	s14 =	simm.s32 @!p3 $0x0  }
0x1c3: {  	s26 =	sld [smem:$0x7BD];
	s14 =	simm.s32 @p3 $0x1  }
0x1c4: {  	[smem:$0x7C4] =	sst s14;
	s14 =	simm.s32 @!p3 $0x0  }
0x1c5: {  	p1 =	por p3, p3;
	s25 =	sld [smem:$0x7B9];
	s14 =	simm.s32 @p3 $0x1  }
0x1c6: {  	p4 =	por p3, p3;
	[smem:$0x7C5] =	sst s14;
	s14 =	simm.s32 @!p3 $0x0  }
0x1c7: {  	s24 =	sld [smem:$0x7BF];
	s14 =	simm.s32 @p3 $0x1;
	p3 =	por @!p6 p2, p2  }
0x1c8: {  	[smem:$0x7C6] =	sst s14;
	s14 =	simm.s32 @!p3 $0x0  }
0x1c9: {  	s14 =	simm.s32 @p3 $0x1;
	p3 =	por p4, p4;
	p4 =	seq.s32 s26, $0x1  }
0x1ca: {  	p5 =	seq.s32 s25, $0x1;
	s25 =	sld [smem:$0x7C0];
	p4 =	por @!p6 p0, p0  }
0x1cb: {  	p2 =	seq.s32 s24, $0x1;
	[smem:$0x7C7] =	sst s14;
	s14 =	simm.s32 @!p4 $0x0  }
0x1cc: {  	s28 =	sld [smem:$0x7BA];
	p2 =	por @!p6 p0, p0;
	s14 =	simm.s32 @p4 $0x1  }
0x1cd: {  	[smem:$0x7BD] =	sst s14;
	s14 =	simm.s32 @!p2 $0x0  }
0x1ce: {  	s26 =	sld [smem:$0x7C1];
	s14 =	simm.s32 @p2 $0x1;
	p2 =	seq.s32 s25, $0x1  }
0x1cf: {  	p2 =	por @!p6 p0, p0  }
0x1d0: {  	p4 =	seq.s32 s28, $0x1;
	[smem:$0x7BF] =	sst s14;
	s14 =	simm.s32 @!p2 $0x0  }
0x1d1: {  	s28 =	sld [smem:$0x7C2];
	s14 =	simm.s32 @p2 $0x1;
	p2 =	seq.s32 s26, $0x1  }
0x1d2: {  	p2 =	por @!p6 p0, p0  }
0x1d3: {  	[smem:$0x7C0] =	sst s14;
	s14 =	simm.s32 @!p2 $0x0  }
0x1d4: {  	s24 =	sld [smem:$0x7C3];
	s14 =	simm.s32 @p2 $0x1;
	p2 =	seq.s32 s28, $0x1  }
0x1d5: {  	p2 =	por @!p6 p0, p0  }
0x1d6: {  	[smem:$0x7C1] =	sst s14;
	s14 =	simm.s32 @!p2 $0x0  }
0x1d7: {  	s25 =	sld [smem:$0x7C4];
	s14 =	simm.s32 @p2 $0x1;
	p2 =	seq.s32 s24, $0x1  }
0x1d8: {  	p2 =	por @!p6 p0, p0  }
0x1d9: {  	[smem:$0x7C2] =	sst s14;
	s14 =	simm.s32 @!p2 $0x0  }
0x1da: {  	s26 =	sld [smem:$0x7C5];
	s14 =	simm.s32 @p2 $0x1;
	p2 =	seq.s32 s25, $0x1  }
0x1db: {  	p2 =	por @!p6 p0, p0  }
0x1dc: {  	[smem:$0x7C3] =	sst s14;
	s14 =	simm.s32 @!p2 $0x0  }
0x1dd: {  	s28 =	sld [smem:$0x7C6];
	s14 =	simm.s32 @p2 $0x1;
	p2 =	seq.s32 s26, $0x1  }
0x1de: {  	p2 =	por @!p6 p0, p0  }
0x1df: {  	[smem:$0x7C4] =	sst s14;
	s14 =	simm.s32 @!p2 $0x0  }
0x1e0: {  	s14 =	simm.s32 @p2 $0x1;
	p2 =	seq.s32 s28, $0x1  }
0x1e1: {  	p2 =	por @!p6 p0, p0  }
0x1e2: {  	[smem:$0x7C5] =	sst s14;
	s14 =	simm.s32 @!p2 $0x0  }
0x1e3: {  	p1 =	por @!p6 p0, p0;
	p5 =	por @!p6 p0, p0;
	s14 =	simm.s32 @p2 $0x1  }
0x1e4: {  	p3 =	por @!p6 p0, p0;
	p4 =	por @!p6 p0, p0;
	[smem:$0x7C6] =	sst s14  }
.LBB2_8:
0x1e5: {  	_ =	swait.ge [sflag:s30], $0x4F0  }
0x1e6: {  	[sflag:s30] =	ssyncset.done $0x0  }
0x1e7: {  	[sflag:s30] =	ssyncadd.s32 $0xFFFFFB10  }
0x1e8: {  	[bflag:$0x0] =	sbarrier.arrive $0xFFFF  }
0x1e9: {  	s14 =	sld [smem:$0x7D0];
	_ =	sdelay $0x1  }
0x1ea: {  	s24 =	simm.s32 $0x0  }
0x1eb: {  	[tilespmem:s24], [sflag:$0x5] =	stream.linear.gather [hbm4b:s14+s24], $0x78, $0x38;
	[tilespmem:$0x1B6F0] =	vst v63  }
0x1ec: {  	_ =	swait.ge [sflag:s30], $0x78  }
0x1ed: {  	[sflag:s30] =	ssyncset.done $0x0  }
0x1ee: {  	[sflag:s30] =	ssyncadd.s32 $0xFFFFFF88  }
0x1ef: {  	[tilespmem:s1], [sflag:$0x1] =	stream.indirect.gather [hbm4b:s2+s31], $0x80, s24, s31, $0xb8;
	[tilespmem:$0x1B6F0] =	vst v63  }
0x1f0: {  	_ = 	snop  }
0x1f1: {  	[tilespmem:s3], [sflag:$0x2] =	stream.indirect.gather [hbm4b:s4+s31], $0x80, s31, s31, $0xb8;
	[tilespmem:$0x1B6F0] =	vst v63  }
0x1f2: {  	s26 =	sadd.s32 $0x0, s15  }
0x1f3: {  	[tilespmem:s6], [sflag:$0x5] =	stream.linear.gather [hbm4b:s26+s16], $0x78, $0x38;
	[tilespmem:$0x1B6F0] =	vst v63  }
0x1f4: {  	_ =	swait.ge [sflag:s30], $0x78  }
0x1f5: {  	[sflag:s30] =	ssyncset.done $0x0  }
0x1f6: {  	[sflag:s30] =	ssyncadd.s32 $0xFFFFFF88  }
0x1f7: {  	[tilespmem:s10], [sflag:$0x3] =	stream.indirect.gather [hbm4b:s2+s31], $0x80, s6, s31, $0xb8;
	[tilespmem:$0x1B6F0] =	vst v63  }
0x1f8: {  	_ = 	snop  }
0x1f9: {  	[tilespmem:s12], [sflag:$0x4] =	stream.indirect.gather [hbm4b:s4+s31], $0x80, s11, s31, $0xb8;
	[tilespmem:$0x1B6F0] =	vst v63  }
0x1fa: {  	_ =	swait.ge [sflag:s13], $0x1400  }
0x1fb: {  	[sflag:s13] =	ssyncset.done $0x0  }
0x1fc: {  	[sflag:s13] =	ssyncadd.s32 $0xFFFFEC00  }
0x1fd: {  	[spmem:s5] =	stream.indirect.scatter.add.f32 [tilespmem:s1], [sflag:$0x5], $0x80, s18, s31, $0xb8;
	[tilespmem:$0x1B6F0] =	vst v63  }
0x1fe: {  	_ =	swait.ge [sflag:s30], $0x1400  }
0x1ff: {  	[sflag:s30] =	ssyncset.done $0x0  }
0x200: {  	[sflag:s30] =	ssyncadd.s32 $0xFFFFEC00  }
0x201: {  	_ =	swait.ge [sflag:s19], $0x1400  }
0x202: {  	[sflag:s19] =	ssyncset.done $0x0  }
0x203: {  	[sflag:s19] =	ssyncadd.s32 $0xFFFFEC00  }
0x204: {  	[spmem:s5] =	stream.indirect.scatter.add.f32 [tilespmem:s3], [sflag:$0x5], $0x80, s18, s31, $0xb8;
	[tilespmem:$0x1B6F0] =	vst v63  }
0x205: {  	_ =	swait.ge [sflag:s30], $0x1400  }
0x206: {  	[sflag:s30] =	ssyncset.done $0x0  }
0x207: {  	[sflag:s30] =	ssyncadd.s32 $0xFFFFEC00  }
0x208: {  	[spmem:s7] =	stream.indirect.scatter.add.f32 [tilespmem:s29], [sflag:$0x5], $0x10, s18, s31, $0xb8;
	[tilespmem:$0x1B6F0] =	vst v63  }
0x209: {  	_ =	swait.ge [sflag:s30], $0x280  }
0x20a: {  	s14 =	sld [smem:$0x7D3];
	_ =	sdelay $0x2  }
0x20b: {  	[sflag:s30] =	ssyncset.done $0x0;
	s28 =	sshrl.u32 s14, $0x3  }
0x20c: {  	[sflag:s30] =	ssyncadd.s32 $0xFFFFFD80;
	s24 =	sadd.s32 s0, s28  }
0x20d: {  	[tilespmem:s16], [sflag:$0x5] =	stream.linear.gather [hbm4b:s24+s16], $0x78, $0x38;
	[tilespmem:$0x1B6F0] =	vst v63  }
0x20e: {  	_ =	swait.ge [sflag:s30], $0x78  }
0x20f: {  	[sflag:s30] =	ssyncset.done $0x0  }
0x210: {  	[sflag:s30] =	ssyncadd.s32 $0xFFFFFF88  }
0x211: {  	[tilespmem:s1], [sflag:$0x1] =	stream.indirect.gather [hbm4b:s2+s31], $0x80, s16, s31, $0xb8;
	[tilespmem:$0x1B6F0] =	vst v63  }
0x212: {  	_ = 	snop  }
0x213: {  	[tilespmem:s3], [sflag:$0x2] =	stream.indirect.gather [hbm4b:s4+s31], $0x80, s31, s31, $0xb8;
	[tilespmem:$0x1B6F0] =	vst v63  }
0x214: {  	_ =	swait.ge [sflag:s20], $0x1400  }
0x215: {  	[sflag:s20] =	ssyncset.done $0x0  }
0x216: {  	[sflag:s20] =	ssyncadd.s32 $0xFFFFEC00  }
0x217: {  	[spmem:s5] =	stream.indirect.scatter.add.f32 [tilespmem:s10], [sflag:$0x5], $0x80, s21, s31, $0xb8;
	[tilespmem:$0x1B6F0] =	vst v63  }
0x218: {  	_ =	swait.ge [sflag:s30], $0x1400  }
0x219: {  	[sflag:s30] =	ssyncset.done $0x0  }
0x21a: {  	[sflag:s30] =	ssyncadd.s32 $0xFFFFEC00  }
0x21b: {  	_ =	swait.ge [sflag:s22], $0x1400  }
0x21c: {  	[sflag:s22] =	ssyncset.done $0x0  }
0x21d: {  	[sflag:s22] =	ssyncadd.s32 $0xFFFFEC00  }
0x21e: {  	[spmem:s5] =	stream.indirect.scatter.add.f32 [tilespmem:s12], [sflag:$0x5], $0x80, s21, s31, $0xb8;
	[tilespmem:$0x1B6F0] =	vst v63  }
0x21f: {  	_ =	swait.ge [sflag:s30], $0x1400  }
0x220: {  	[sflag:s30] =	ssyncset.done $0x0  }
0x221: {  	[sflag:s30] =	ssyncadd.s32 $0xFFFFEC00  }
0x222: {  	[spmem:s7] =	stream.indirect.scatter.add.f32 [tilespmem:s29], [sflag:$0x5], $0x10, s21, s31, $0xb8;
	[tilespmem:$0x1B6F0] =	vst v63  }
0x223: {  	s25 =	simm.s32 $0x1E;
	_ =	swait.ge [sflag:s30], $0x280  }
0x224: {  	s26 =	simm.s32 $0x3C;
	s24 =	sadd.s32 $0xF0, s14;
	[sflag:s30] =	ssyncset.done $0x0  }
.LBB2_9:
0x225: {  	s14 =	sadd.s32 s25, s15  }
0x226: {  	[sflag:s30] =	ssyncadd.s32 $0xFFFFFD80;
	s25 =	smov.u32 s26;
	s28 =	sadd.s32 $0x1E, s26  }
0x227: {  	[tilespmem:s6], [sflag:$0x5] =	stream.linear.gather [hbm4b:s14+s16], $0x78, $0x38;
	[tilespmem:$0x1B6F0] =	vst v63  }
0x228: {  	p6 =	sne.s32 s26, $0xE6A;
	_ =	swait.ge [sflag:s30], $0x78  }
0x229: {  	[sflag:s30] =	ssyncset.done $0x0  }
0x22a: {  	[sflag:s30] =	ssyncadd.s32 $0xFFFFFF88  }
0x22b: {  	[tilespmem:s10], [sflag:$0x3] =	stream.indirect.gather [hbm4b:s2+s31], $0x80, s6, s31, $0xb8;
	[tilespmem:$0x1B6F0] =	vst v63  }
0x22c: {  	_ = 	snop  }
0x22d: {  	[tilespmem:s12], [sflag:$0x4] =	stream.indirect.gather [hbm4b:s4+s31], $0x80, s11, s31, $0xb8;
	[tilespmem:$0x1B6F0] =	vst v63  }
0x22e: {  	_ =	swait.ge [sflag:s13], $0x1400  }
0x22f: {  	[sflag:s13] =	ssyncset.done $0x0  }
0x230: {  	[sflag:s13] =	ssyncadd.s32 $0xFFFFEC00  }
0x231: {  	[spmem:s5] =	stream.indirect.scatter.add.f32 [tilespmem:s1], [sflag:$0x5], $0x80, s18, s31, $0xb8;
	[tilespmem:$0x1B6F0] =	vst v63  }
0x232: {  	_ =	swait.ge [sflag:s30], $0x1400  }
0x233: {  	[sflag:s30] =	ssyncset.done $0x0  }
0x234: {  	[sflag:s30] =	ssyncadd.s32 $0xFFFFEC00  }
0x235: {  	_ =	swait.ge [sflag:s19], $0x1400  }
0x236: {  	[sflag:s19] =	ssyncset.done $0x0  }
0x237: {  	[sflag:s19] =	ssyncadd.s32 $0xFFFFEC00  }
0x238: {  	[spmem:s5] =	stream.indirect.scatter.add.f32 [tilespmem:s3], [sflag:$0x5], $0x80, s18, s31, $0xb8;
	[tilespmem:$0x1B6F0] =	vst v63  }
0x239: {  	_ =	swait.ge [sflag:s30], $0x1400  }
0x23a: {  	[sflag:s30] =	ssyncset.done $0x0  }
0x23b: {  	[sflag:s30] =	ssyncadd.s32 $0xFFFFEC00  }
0x23c: {  	[spmem:s7] =	stream.indirect.scatter.add.f32 [tilespmem:s29], [sflag:$0x5], $0x10, s18, s31, $0xb8;
	[tilespmem:$0x1B6F0] =	vst v63  }
0x23d: {  	_ =	swait.ge [sflag:s30], $0x280  }
0x23e: {  	s14 =	sshrl.u32 s24, $0x3;
	[sflag:s30] =	ssyncset.done $0x0  }
0x23f: {  	s14 =	sadd.s32 s0, s14;
	[sflag:s30] =	ssyncadd.s32 $0xFFFFFD80  }
0x240: {  	[tilespmem:s16], [sflag:$0x5] =	stream.linear.gather [hbm4b:s14+s16], $0x78, $0x38;
	[tilespmem:$0x1B6F0] =	vst v63  }
0x241: {  	_ =	swait.ge [sflag:s30], $0x78  }
0x242: {  	[sflag:s30] =	ssyncset.done $0x0  }
0x243: {  	[sflag:s30] =	ssyncadd.s32 $0xFFFFFF88  }
0x244: {  	[tilespmem:s1], [sflag:$0x1] =	stream.indirect.gather [hbm4b:s2+s31], $0x80, s16, s31, $0xb8;
	[tilespmem:$0x1B6F0] =	vst v63  }
0x245: {  	_ = 	snop  }
0x246: {  	[tilespmem:s3], [sflag:$0x2] =	stream.indirect.gather [hbm4b:s4+s31], $0x80, s31, s31, $0xb8;
	[tilespmem:$0x1B6F0] =	vst v63  }
0x247: {  	_ =	swait.ge [sflag:s20], $0x1400  }
0x248: {  	[sflag:s20] =	ssyncset.done $0x0  }
0x249: {  	[sflag:s20] =	ssyncadd.s32 $0xFFFFEC00  }
0x24a: {  	[spmem:s5] =	stream.indirect.scatter.add.f32 [tilespmem:s10], [sflag:$0x5], $0x80, s21, s31, $0xb8;
	[tilespmem:$0x1B6F0] =	vst v63  }
0x24b: {  	_ =	swait.ge [sflag:s30], $0x1400  }
0x24c: {  	[sflag:s30] =	ssyncset.done $0x0  }
0x24d: {  	[sflag:s30] =	ssyncadd.s32 $0xFFFFEC00  }
0x24e: {  	_ =	swait.ge [sflag:s22], $0x1400  }
0x24f: {  	[sflag:s22] =	ssyncset.done $0x0  }
0x250: {  	[sflag:s22] =	ssyncadd.s32 $0xFFFFEC00  }
0x251: {  	[spmem:s5] =	stream.indirect.scatter.add.f32 [tilespmem:s12], [sflag:$0x5], $0x80, s21, s31, $0xb8;
	[tilespmem:$0x1B6F0] =	vst v63  }
0x252: {  	_ =	swait.ge [sflag:s30], $0x1400  }
.Ltmp6:
0x253: {  	[sflag:s30] =	ssyncset.done $0x0;
	(pc) =	sbr.rel @p6 .LBB2_9-.Ltmp6, $4  }
0x254: {  	[sflag:s30] =	ssyncadd.s32 $0xFFFFEC00  }
0x255: {  	[spmem:s7] =	stream.indirect.scatter.add.f32 [tilespmem:s29], [sflag:$0x5], $0x10, s21, s31, $0xb8;
	[tilespmem:$0x1B6F0] =	vst v63  }
0x256: {  	_ =	swait.ge [sflag:s30], $0x280  }
0x257: {  	s24 =	sadd.s32 $0xF0, s24;
	s26 =	smov.u32 s28;
	[sflag:s30] =	ssyncset.done $0x0  }
0x258: {  	s14 =	sadd.s32 s25, s15;
	[sflag:s30] =	ssyncadd.s32 $0xFFFFFD80  }
0x259: {  	[tilespmem:s6], [sflag:$0x5] =	stream.linear.gather [hbm4b:s14+s16], $0x78, $0x38;
	[tilespmem:$0x1B6F0] =	vst v63  }
0x25a: {  	_ =	swait.ge [sflag:s30], $0x78  }
0x25b: {  	[sflag:s30] =	ssyncset.done $0x0  }
0x25c: {  	[sflag:s30] =	ssyncadd.s32 $0xFFFFFF88  }
0x25d: {  	[tilespmem:s10], [sflag:$0x3] =	stream.indirect.gather [hbm4b:s2+s31], $0x80, s6, s31, $0xb8;
	[tilespmem:$0x1B6F0] =	vst v63  }
0x25e: {  	_ = 	snop  }
0x25f: {  	[tilespmem:s12], [sflag:$0x4] =	stream.indirect.gather [hbm4b:s4+s31], $0x80, s11, s31, $0xb8;
	[tilespmem:$0x1B6F0] =	vst v63  }
0x260: {  	_ =	swait.ge [sflag:s13], $0x1400  }
0x261: {  	[sflag:s13] =	ssyncset.done $0x0  }
0x262: {  	[sflag:s13] =	ssyncadd.s32 $0xFFFFEC00  }
0x263: {  	[spmem:s5] =	stream.indirect.scatter.add.f32 [tilespmem:s1], [sflag:$0x5], $0x80, s18, s31, $0xb8;
	[tilespmem:$0x1B6F0] =	vst v63  }
0x264: {  	_ =	swait.ge [sflag:s30], $0x1400  }
0x265: {  	[sflag:s30] =	ssyncset.done $0x0  }
0x266: {  	[sflag:s30] =	ssyncadd.s32 $0xFFFFEC00  }
0x267: {  	_ =	swait.ge [sflag:s19], $0x1400  }
0x268: {  	[sflag:s19] =	ssyncset.done $0x0  }
0x269: {  	[sflag:s19] =	ssyncadd.s32 $0xFFFFEC00  }
0x26a: {  	[spmem:s5] =	stream.indirect.scatter.add.f32 [tilespmem:s3], [sflag:$0x5], $0x80, s18, s31, $0xb8;
	[tilespmem:$0x1B6F0] =	vst v63  }
0x26b: {  	_ =	swait.ge [sflag:s30], $0x1400  }
0x26c: {  	[sflag:s30] =	ssyncset.done $0x0  }
0x26d: {  	[sflag:s30] =	ssyncadd.s32 $0xFFFFEC00  }
0x26e: {  	[spmem:s7] =	stream.indirect.scatter.add.f32 [tilespmem:s29], [sflag:$0x5], $0x10, s18, s31, $0xb8;
	[tilespmem:$0x1B6F0] =	vst v63  }
0x26f: {  	_ =	swait.ge [sflag:s30], $0x280  }
0x270: {  	s28 =	sshrl.u32 s24, $0x3;
	[sflag:s30] =	ssyncset.done $0x0  }
0x271: {  	s14 =	sadd.s32 s0, s28;
	[sflag:s30] =	ssyncadd.s32 $0xFFFFFD80  }
0x272: {  	[tilespmem:s16], [sflag:$0x5] =	stream.linear.gather [hbm4b:s14+s16], $0x78, $0x38;
	[tilespmem:$0x1B6F0] =	vst v63  }
0x273: {  	_ =	swait.ge [sflag:s30], $0x78  }
0x274: {  	[sflag:s30] =	ssyncset.done $0x0  }
0x275: {  	[sflag:s30] =	ssyncadd.s32 $0xFFFFFF88  }
0x276: {  	[tilespmem:s1], [sflag:$0x1] =	stream.indirect.gather [hbm4b:s2+s31], $0x80, s16, s31, $0xb8;
	[tilespmem:$0x1B6F0] =	vst v63  }
0x277: {  	_ = 	snop  }
0x278: {  	[tilespmem:s3], [sflag:$0x2] =	stream.indirect.gather [hbm4b:s4+s31], $0x80, s31, s31, $0xb8;
	[tilespmem:$0x1B6F0] =	vst v63  }
0x279: {  	_ =	swait.ge [sflag:s20], $0x1400  }
0x27a: {  	[sflag:s20] =	ssyncset.done $0x0  }
0x27b: {  	[sflag:s20] =	ssyncadd.s32 $0xFFFFEC00  }
0x27c: {  	[spmem:s5] =	stream.indirect.scatter.add.f32 [tilespmem:s10], [sflag:$0x5], $0x80, s21, s31, $0xb8;
	[tilespmem:$0x1B6F0] =	vst v63  }
0x27d: {  	_ =	swait.ge [sflag:s30], $0x1400  }
0x27e: {  	[sflag:s30] =	ssyncset.done $0x0  }
0x27f: {  	[sflag:s30] =	ssyncadd.s32 $0xFFFFEC00  }
0x280: {  	_ =	swait.ge [sflag:s22], $0x1400  }
0x281: {  	[sflag:s22] =	ssyncset.done $0x0  }
0x282: {  	[sflag:s22] =	ssyncadd.s32 $0xFFFFEC00  }
0x283: {  	[spmem:s5] =	stream.indirect.scatter.add.f32 [tilespmem:s12], [sflag:$0x5], $0x80, s21, s31, $0xb8;
	[tilespmem:$0x1B6F0] =	vst v63  }
0x284: {  	_ =	swait.ge [sflag:s30], $0x1400  }
0x285: {  	[sflag:s30] =	ssyncset.done $0x0  }
0x286: {  	[sflag:s30] =	ssyncadd.s32 $0xFFFFEC00  }
0x287: {  	[spmem:s7] =	stream.indirect.scatter.add.f32 [tilespmem:s29], [sflag:$0x5], $0x10, s21, s31, $0xb8;
	[tilespmem:$0x1B6F0] =	vst v63  }
0x288: {  	_ =	swait.ge [sflag:s30], $0x280  }
0x289: {  	s24 =	sld [smem:$0x7D2]  }
0x28a: {  	[sflag:s30] =	ssyncset.done $0x0  }
0x28b: {  	[sflag:s30] =	ssyncadd.s32 $0xFFFFFD80  }
0x28c: {  	[tilespmem:s6], [sflag:$0x5] =	stream.linear.gather [hbm4b:s24+s16], $0x78, $0x38;
	[tilespmem:$0x1B6F0] =	vst v63  }
0x28d: {  	_ =	swait.ge [sflag:s30], $0x78  }
0x28e: {  	[sflag:s30] =	ssyncset.done $0x0  }
0x28f: {  	[sflag:s30] =	ssyncadd.s32 $0xFFFFFF88  }
0x290: {  	[tilespmem:s10], [sflag:$0x3] =	stream.indirect.gather [hbm4b:s2+s31], $0x80, s6, s31, $0xb8;
	[tilespmem:$0x1B6F0] =	vst v63  }
0x291: {  	_ = 	snop  }
0x292: {  	[tilespmem:s12], [sflag:$0x4] =	stream.indirect.gather [hbm4b:s4+s31], $0x80, s11, s31, $0xb8;
	[tilespmem:$0x1B6F0] =	vst v63  }
0x293: {  	_ =	swait.ge [sflag:s13], $0x1400  }
0x294: {  	[sflag:s13] =	ssyncset.done $0x0  }
0x295: {  	[sflag:s13] =	ssyncadd.s32 $0xFFFFEC00  }
0x296: {  	[spmem:s5] =	stream.indirect.scatter.add.f32 [tilespmem:s1], [sflag:$0x5], $0x80, s18, s31, $0xb8;
	[tilespmem:$0x1B6F0] =	vst v63  }
0x297: {  	_ =	swait.ge [sflag:s30], $0x1400  }
0x298: {  	[sflag:s30] =	ssyncset.done $0x0  }
0x299: {  	[sflag:s30] =	ssyncadd.s32 $0xFFFFEC00  }
0x29a: {  	_ =	swait.ge [sflag:s19], $0x1400  }
0x29b: {  	[sflag:s19] =	ssyncset.done $0x0  }
0x29c: {  	[sflag:s19] =	ssyncadd.s32 $0xFFFFEC00  }
0x29d: {  	[spmem:s5] =	stream.indirect.scatter.add.f32 [tilespmem:s3], [sflag:$0x5], $0x80, s18, s31, $0xb8;
	[tilespmem:$0x1B6F0] =	vst v63  }
0x29e: {  	_ =	swait.ge [sflag:s30], $0x1400  }
0x29f: {  	[sflag:s30] =	ssyncset.done $0x0  }
0x2a0: {  	[sflag:s30] =	ssyncadd.s32 $0xFFFFEC00  }
0x2a1: {  	[spmem:s7] =	stream.indirect.scatter.add.f32 [tilespmem:s29], [sflag:$0x5], $0x10, s18, s31, $0xb8;
	[tilespmem:$0x1B6F0] =	vst v63  }
0x2a2: {  	_ =	swait.ge [sflag:s30], $0x280  }
0x2a3: {  	[sflag:s30] =	ssyncset.done $0x0  }
0x2a4: {  	[sflag:s30] =	ssyncadd.s32 $0xFFFFFD80  }
0x2a5: {  	_ =	swait.ge [sflag:s20], $0x1400  }
0x2a6: {  	[sflag:s20] =	ssyncset.done $0x0  }
0x2a7: {  	[sflag:s20] =	ssyncadd.s32 $0xFFFFEC00  }
0x2a8: {  	[spmem:s5] =	stream.indirect.scatter.add.f32 [tilespmem:s10], [sflag:$0x5], $0x80, s21, s31, $0xb8;
	[tilespmem:$0x1B6F0] =	vst v63  }
0x2a9: {  	_ =	swait.ge [sflag:s30], $0x1400  }
0x2aa: {  	[sflag:s30] =	ssyncset.done $0x0  }
0x2ab: {  	[sflag:s30] =	ssyncadd.s32 $0xFFFFEC00  }
0x2ac: {  	_ =	swait.ge [sflag:s22], $0x1400  }
0x2ad: {  	[sflag:s22] =	ssyncset.done $0x0  }
0x2ae: {  	[sflag:s22] =	ssyncadd.s32 $0xFFFFEC00  }
0x2af: {  	[spmem:s5] =	stream.indirect.scatter.add.f32 [tilespmem:s12], [sflag:$0x5], $0x80, s21, s31, $0xb8;
	[tilespmem:$0x1B6F0] =	vst v63  }
0x2b0: {  	_ =	swait.ge [sflag:s30], $0x1400  }
0x2b1: {  	[sflag:s30] =	ssyncset.done $0x0  }
0x2b2: {  	[sflag:s30] =	ssyncadd.s32 $0xFFFFEC00  }
0x2b3: {  	[spmem:s7] =	stream.indirect.scatter.add.f32 [tilespmem:s29], [sflag:$0x5], $0x10, s21, s31, $0xb8;
	[tilespmem:$0x1B6F0] =	vst v63  }
0x2b4: {  	_ =	swait.ge [sflag:s30], $0x280  }
0x2b5: {  	[sflag:s30] =	ssyncset.done $0x0  }
0x2b6: {  	[sflag:s30] =	ssyncadd.s32 $0xFFFFFD80  }
0x2b7: {  	p6 =	sne.s32 s17, $0x0;
	[bflag:$0x0] =	sbarrier.arrive $0xFFFF  }
0x2b8: {  	s14 =	sshrl.u32 @!p6 s5, $0x3;
	s24 =	simm.s32 @!p6 $0x1C05;
	s25 =	rddreg [dreg:$0x7]  }
0x2b9: {  	[hbm:s25], [sflag:s24] =	dma.local @!p6 [spmem:s14], $0x2780  }
0x2ba: {  	s14 =	simm.s32 @!p6 $0x5  }
0x2bb: {  	_ =	swait.ge @!p6 [sflag:s14], $0x2780  }
0x2bc: {  	[sflag:s14] =	ssyncset.done @!p6 $0x0  }
0x2bd: {  	s25 =	sshrl.u32 @!p6 s7, $0x3;
	s26 =	rddreg [dreg:$0x17];
	[sflag:s14] =	ssyncadd.s32 @!p6 $0xFFFFD880  }
0x2be: {  	[hbm:s26], [sflag:s24] =	dma.local @!p6 [spmem:s25], $0x4F0  }
0x2bf: {  	_ =	swait.ge @!p6 [sflag:s14], $0x4F0  }
0x2c0: {  	s24 =	sshll.u32 @p1 s17, $0x6;
	[sflag:s14] =	ssyncset.done @!p6 $0x0  }
0x2c1: {  	[sflag:s14] =	ssyncadd.s32 @!p6 $0xFFFFFB10;
	s14 =	sor.u32 @p1 $0x1C05, s24;
	s24 =	sld [smem:$0x7FC]  }
0x2c2: {  	_ =	sdelay $0x1  }
0x2c3: {  	s25 =	rddreg [dreg:$0x8];
	s24 =	sshrl.u32 @p1 s24, $0x3  }
0x2c4: {  	[hbm:s25], [sflag:s14] =	dma.local @p1 [spmem:s24], $0x2780  }
0x2c5: {  	s24 =	simm.s32 @p1 $0x5  }
0x2c6: {  	_ =	swait.ge @p1 [sflag:s24], $0x2780  }
0x2c7: {  	s25 =	sld [smem:$0x7FD];
	_ =	sdelay $0x1  }
0x2c8: {  	[sflag:s24] =	ssyncset.done @p1 $0x0  }
0x2c9: {  	s26 =	rddreg [dreg:$0x18];
	[sflag:s24] =	ssyncadd.s32 @p1 $0xFFFFD880;
	s25 =	sshrl.u32 @p1 s25, $0x3  }
0x2ca: {  	[hbm:s26], [sflag:s14] =	dma.local @p1 [spmem:s25], $0x4F0  }
0x2cb: {  	_ =	swait.ge @p1 [sflag:s24], $0x4F0  }
0x2cc: {  	[sflag:s24] =	ssyncset.done @p1 $0x0  }
0x2cd: {  	[sflag:s24] =	ssyncadd.s32 @p1 $0xFFFFFB10;
	s24 =	sld [smem:$0x7FA];
	_ =	sdelay $0x1  }
0x2ce: {  	s14 =	sshll.u32 @p3 s17, $0x6  }
0x2cf: {  	s14 =	sor.u32 @p3 $0x1C05, s14;
	s25 =	rddreg [dreg:$0x9];
	s24 =	sshrl.u32 @p3 s24, $0x3  }
0x2d0: {  	[hbm:s25], [sflag:s14] =	dma.local @p3 [spmem:s24], $0x2780  }
0x2d1: {  	s24 =	simm.s32 @p3 $0x5  }
0x2d2: {  	_ =	swait.ge @p3 [sflag:s24], $0x2780  }
0x2d3: {  	s25 =	sld [smem:$0x7FB];
	_ =	sdelay $0x1  }
0x2d4: {  	[sflag:s24] =	ssyncset.done @p3 $0x0  }
0x2d5: {  	s26 =	rddreg [dreg:$0x19];
	[sflag:s24] =	ssyncadd.s32 @p3 $0xFFFFD880;
	s25 =	sshrl.u32 @p3 s25, $0x3  }
0x2d6: {  	[hbm:s26], [sflag:s14] =	dma.local @p3 [spmem:s25], $0x4F0  }
0x2d7: {  	_ =	swait.ge @p3 [sflag:s24], $0x4F0  }
0x2d8: {  	s25 =	sld [smem:$0x7C3]  }
0x2d9: {  	[sflag:s24] =	ssyncset.done @p3 $0x0  }
0x2da: {  	[sflag:s24] =	ssyncadd.s32 @p3 $0xFFFFFB10;
	s24 =	sld [smem:$0x7F8]  }
0x2db: {  	p0 =	seq.s32 s25, $0x1  }
0x2dc: {  	s14 =	sshll.u32 @p0 s17, $0x6  }
0x2dd: {  	s25 =	rddreg [dreg:$0xa];
	s24 =	sshrl.u32 @p0 s24, $0x3;
	s14 =	sor.u32 @p0 $0x1C05, s14  }
0x2de: {  	[hbm:s25], [sflag:s14] =	dma.local @p0 [spmem:s24], $0x2780  }
0x2df: {  	s24 =	simm.s32 @p0 $0x5  }
0x2e0: {  	_ =	swait.ge @p0 [sflag:s24], $0x2780  }
0x2e1: {  	s25 =	sld [smem:$0x7F9];
	_ =	sdelay $0x1  }
0x2e2: {  	[sflag:s24] =	ssyncset.done @p0 $0x0  }
0x2e3: {  	s26 =	rddreg [dreg:$0x1a];
	[sflag:s24] =	ssyncadd.s32 @p0 $0xFFFFD880;
	s25 =	sshrl.u32 @p0 s25, $0x3  }
0x2e4: {  	[hbm:s26], [sflag:s14] =	dma.local @p0 [spmem:s25], $0x4F0  }
0x2e5: {  	_ =	swait.ge @p0 [sflag:s24], $0x4F0  }
0x2e6: {  	[sflag:s24] =	ssyncset.done @p0 $0x0  }
0x2e7: {  	[sflag:s24] =	ssyncadd.s32 @p0 $0xFFFFFB10;
	s24 =	sld [smem:$0x7F6];
	_ =	sdelay $0x1  }
0x2e8: {  	s14 =	sshll.u32 @p4 s17, $0x6  }
0x2e9: {  	s14 =	sor.u32 @p4 $0x1C05, s14;
	s25 =	rddreg [dreg:$0xb];
	s24 =	sshrl.u32 @p4 s24, $0x3  }
0x2ea: {  	[hbm:s25], [sflag:s14] =	dma.local @p4 [spmem:s24], $0x2780  }
0x2eb: {  	s24 =	simm.s32 @p4 $0x5  }
0x2ec: {  	_ =	swait.ge @p4 [sflag:s24], $0x2780  }
0x2ed: {  	s25 =	sld [smem:$0x7F7];
	_ =	sdelay $0x1  }
0x2ee: {  	[sflag:s24] =	ssyncset.done @p4 $0x0  }
0x2ef: {  	s26 =	rddreg [dreg:$0x1b];
	[sflag:s24] =	ssyncadd.s32 @p4 $0xFFFFD880;
	s25 =	sshrl.u32 @p4 s25, $0x3  }
0x2f0: {  	[hbm:s26], [sflag:s14] =	dma.local @p4 [spmem:s25], $0x4F0  }
0x2f1: {  	_ =	swait.ge @p4 [sflag:s24], $0x4F0  }
0x2f2: {  	s26 =	sld [smem:$0x7C2]  }
0x2f3: {  	[sflag:s24] =	ssyncset.done @p4 $0x0  }
0x2f4: {  	[sflag:s24] =	ssyncadd.s32 @p4 $0xFFFFFB10;
	s24 =	sld [smem:$0x7F4]  }
0x2f5: {  	p0 =	seq.s32 s26, $0x1  }
0x2f6: {  	s14 =	sshll.u32 @p0 s17, $0x6  }
0x2f7: {  	s25 =	rddreg [dreg:$0xc];
	s24 =	sshrl.u32 @p0 s24, $0x3;
	s14 =	sor.u32 @p0 $0x1C05, s14  }
0x2f8: {  	[hbm:s25], [sflag:s14] =	dma.local @p0 [spmem:s24], $0x2780  }
0x2f9: {  	s24 =	simm.s32 @p0 $0x5  }
0x2fa: {  	_ =	swait.ge @p0 [sflag:s24], $0x2780  }
0x2fb: {  	s25 =	sld [smem:$0x7F5];
	_ =	sdelay $0x1  }
0x2fc: {  	[sflag:s24] =	ssyncset.done @p0 $0x0  }
0x2fd: {  	s26 =	rddreg [dreg:$0x1c];
	[sflag:s24] =	ssyncadd.s32 @p0 $0xFFFFD880;
	s25 =	sshrl.u32 @p0 s25, $0x3  }
0x2fe: {  	[hbm:s26], [sflag:s14] =	dma.local @p0 [spmem:s25], $0x4F0  }
0x2ff: {  	_ =	swait.ge @p0 [sflag:s24], $0x4F0  }
0x300: {  	s28 =	sld [smem:$0x7C4]  }
0x301: {  	[sflag:s24] =	ssyncset.done @p0 $0x0  }
0x302: {  	[sflag:s24] =	ssyncadd.s32 @p0 $0xFFFFFB10;
	s24 =	sld [smem:$0x7F2]  }
0x303: {  	p1 =	seq.s32 s28, $0x1  }
0x304: {  	s14 =	sshll.u32 @p1 s17, $0x6  }
0x305: {  	s25 =	rddreg [dreg:$0xd];
	s24 =	sshrl.u32 @p1 s24, $0x3;
	s14 =	sor.u32 @p1 $0x1C05, s14  }
0x306: {  	[hbm:s25], [sflag:s14] =	dma.local @p1 [spmem:s24], $0x2780  }
0x307: {  	s24 =	simm.s32 @p1 $0x5  }
0x308: {  	_ =	swait.ge @p1 [sflag:s24], $0x2780  }
0x309: {  	s25 =	sld [smem:$0x7F3];
	_ =	sdelay $0x1  }
0x30a: {  	[sflag:s24] =	ssyncset.done @p1 $0x0  }
0x30b: {  	s26 =	rddreg [dreg:$0x1d];
	[sflag:s24] =	ssyncadd.s32 @p1 $0xFFFFD880;
	s25 =	sshrl.u32 @p1 s25, $0x3  }
0x30c: {  	[hbm:s26], [sflag:s14] =	dma.local @p1 [spmem:s25], $0x4F0  }
0x30d: {  	_ =	swait.ge @p1 [sflag:s24], $0x4F0  }
0x30e: {  	s25 =	sld [smem:$0x7C1]  }
0x30f: {  	[sflag:s24] =	ssyncset.done @p1 $0x0  }
0x310: {  	[sflag:s24] =	ssyncadd.s32 @p1 $0xFFFFFB10;
	s24 =	sld [smem:$0x7F0]  }
0x311: {  	p0 =	seq.s32 s25, $0x1  }
0x312: {  	s14 =	sshll.u32 @p0 s17, $0x6  }
0x313: {  	s25 =	rddreg [dreg:$0xe];
	s24 =	sshrl.u32 @p0 s24, $0x3;
	s14 =	sor.u32 @p0 $0x1C05, s14  }
0x314: {  	[hbm:s25], [sflag:s14] =	dma.local @p0 [spmem:s24], $0x2780  }
0x315: {  	s24 =	simm.s32 @p0 $0x5  }
0x316: {  	_ =	swait.ge @p0 [sflag:s24], $0x2780  }
0x317: {  	s25 =	sld [smem:$0x7F1];
	_ =	sdelay $0x1  }
0x318: {  	[sflag:s24] =	ssyncset.done @p0 $0x0  }
0x319: {  	s26 =	rddreg [dreg:$0x1e];
	[sflag:s24] =	ssyncadd.s32 @p0 $0xFFFFD880;
	s25 =	sshrl.u32 @p0 s25, $0x3  }
0x31a: {  	[hbm:s26], [sflag:s14] =	dma.local @p0 [spmem:s25], $0x4F0  }
0x31b: {  	_ =	swait.ge @p0 [sflag:s24], $0x4F0  }
0x31c: {  	s26 =	sld [smem:$0x7C5]  }
0x31d: {  	[sflag:s24] =	ssyncset.done @p0 $0x0  }
0x31e: {  	[sflag:s24] =	ssyncadd.s32 @p0 $0xFFFFFB10;
	s24 =	sld [smem:$0x7EE]  }
0x31f: {  	p1 =	seq.s32 s26, $0x1  }
0x320: {  	s14 =	sshll.u32 @p1 s17, $0x6  }
0x321: {  	s25 =	rddreg [dreg:$0xf];
	s24 =	sshrl.u32 @p1 s24, $0x3;
	s14 =	sor.u32 @p1 $0x1C05, s14  }
0x322: {  	[hbm:s25], [sflag:s14] =	dma.local @p1 [spmem:s24], $0x2780  }
0x323: {  	s24 =	simm.s32 @p1 $0x5  }
0x324: {  	_ =	swait.ge @p1 [sflag:s24], $0x2780  }
0x325: {  	s25 =	sld [smem:$0x7EF];
	_ =	sdelay $0x1  }
0x326: {  	[sflag:s24] =	ssyncset.done @p1 $0x0  }
0x327: {  	s26 =	rddreg [dreg:$0x1f];
	[sflag:s24] =	ssyncadd.s32 @p1 $0xFFFFD880;
	s25 =	sshrl.u32 @p1 s25, $0x3  }
0x328: {  	[hbm:s26], [sflag:s14] =	dma.local @p1 [spmem:s25], $0x4F0  }
0x329: {  	_ =	swait.ge @p1 [sflag:s24], $0x4F0  }
0x32a: {  	s28 =	sld [smem:$0x7C0]  }
0x32b: {  	[sflag:s24] =	ssyncset.done @p1 $0x0  }
0x32c: {  	[sflag:s24] =	ssyncadd.s32 @p1 $0xFFFFFB10;
	s24 =	sld [smem:$0x7EC]  }
0x32d: {  	p0 =	seq.s32 s28, $0x1  }
0x32e: {  	s14 =	sshll.u32 @p0 s17, $0x6  }
0x32f: {  	s25 =	rddreg [dreg:$0x10];
	s24 =	sshrl.u32 @p0 s24, $0x3;
	s14 =	sor.u32 @p0 $0x1C05, s14  }
0x330: {  	[hbm:s25], [sflag:s14] =	dma.local @p0 [spmem:s24], $0x2780  }
0x331: {  	s24 =	simm.s32 @p0 $0x5  }
0x332: {  	_ =	swait.ge @p0 [sflag:s24], $0x2780  }
0x333: {  	s25 =	sld [smem:$0x7ED]  }
0x334: {  	s26 =	sld [smem:$0x7C8]  }
0x335: {  	[sflag:s24] =	ssyncset.done @p0 $0x0  }
0x336: {  	[sflag:s24] =	ssyncadd.s32 @p0 $0xFFFFD880;
	s25 =	sshrl.u32 @p0 s25, $0x3  }
0x337: {  	[hbm:s26], [sflag:s14] =	dma.local @p0 [spmem:s25], $0x4F0  }
0x338: {  	_ =	swait.ge @p0 [sflag:s24], $0x4F0  }
0x339: {  	s25 =	sld [smem:$0x7C6]  }
0x33a: {  	[sflag:s24] =	ssyncset.done @p0 $0x0  }
0x33b: {  	[sflag:s24] =	ssyncadd.s32 @p0 $0xFFFFFB10;
	s24 =	sld [smem:$0x7EA]  }
0x33c: {  	p1 =	seq.s32 s25, $0x1  }
0x33d: {  	s14 =	sshll.u32 @p1 s17, $0x6  }
0x33e: {  	s25 =	rddreg [dreg:$0x11];
	s24 =	sshrl.u32 @p1 s24, $0x3;
	s14 =	sor.u32 @p1 $0x1C05, s14  }
0x33f: {  	[hbm:s25], [sflag:s14] =	dma.local @p1 [spmem:s24], $0x2780  }
0x340: {  	s24 =	simm.s32 @p1 $0x5  }
0x341: {  	_ =	swait.ge @p1 [sflag:s24], $0x2780  }
0x342: {  	s25 =	sld [smem:$0x7EB]  }
0x343: {  	s26 =	sld [smem:$0x7C9]  }
0x344: {  	[sflag:s24] =	ssyncset.done @p1 $0x0  }
0x345: {  	[sflag:s24] =	ssyncadd.s32 @p1 $0xFFFFD880;
	s25 =	sshrl.u32 @p1 s25, $0x3  }
0x346: {  	[hbm:s26], [sflag:s14] =	dma.local @p1 [spmem:s25], $0x4F0  }
0x347: {  	_ =	swait.ge @p1 [sflag:s24], $0x4F0  }
0x348: {  	s26 =	sld [smem:$0x7BF]  }
0x349: {  	[sflag:s24] =	ssyncset.done @p1 $0x0  }
0x34a: {  	[sflag:s24] =	ssyncadd.s32 @p1 $0xFFFFFB10;
	s24 =	sld [smem:$0x7E8]  }
0x34b: {  	p0 =	seq.s32 s26, $0x1  }
0x34c: {  	s14 =	sshll.u32 @p0 s17, $0x6  }
0x34d: {  	s25 =	rddreg [dreg:$0x12];
	s24 =	sshrl.u32 @p0 s24, $0x3;
	s14 =	sor.u32 @p0 $0x1C05, s14  }
0x34e: {  	[hbm:s25], [sflag:s14] =	dma.local @p0 [spmem:s24], $0x2780  }
0x34f: {  	s24 =	simm.s32 @p0 $0x5  }
0x350: {  	_ =	swait.ge @p0 [sflag:s24], $0x2780  }
0x351: {  	s25 =	sld [smem:$0x7E9]  }
0x352: {  	s26 =	sld [smem:$0x7CA]  }
0x353: {  	[sflag:s24] =	ssyncset.done @p0 $0x0  }
0x354: {  	[sflag:s24] =	ssyncadd.s32 @p0 $0xFFFFD880;
	s25 =	sshrl.u32 @p0 s25, $0x3  }
0x355: {  	[hbm:s26], [sflag:s14] =	dma.local @p0 [spmem:s25], $0x4F0  }
0x356: {  	_ =	swait.ge @p0 [sflag:s24], $0x4F0  }
0x357: {  	s28 =	sld [smem:$0x7C7]  }
0x358: {  	[sflag:s24] =	ssyncset.done @p0 $0x0  }
0x359: {  	[sflag:s24] =	ssyncadd.s32 @p0 $0xFFFFFB10;
	s24 =	sld [smem:$0x7E6]  }
0x35a: {  	p1 =	seq.s32 s28, $0x1  }
0x35b: {  	s14 =	sshll.u32 @p1 s17, $0x6  }
0x35c: {  	s25 =	rddreg [dreg:$0x13];
	s24 =	sshrl.u32 @p1 s24, $0x3;
	s14 =	sor.u32 @p1 $0x1C05, s14  }
0x35d: {  	[hbm:s25], [sflag:s14] =	dma.local @p1 [spmem:s24], $0x2780  }
0x35e: {  	s24 =	simm.s32 @p1 $0x5  }
0x35f: {  	_ =	swait.ge @p1 [sflag:s24], $0x2780  }
0x360: {  	s25 =	sld [smem:$0x7E7]  }
0x361: {  	s26 =	sld [smem:$0x7CB]  }
0x362: {  	[sflag:s24] =	ssyncset.done @p1 $0x0  }
0x363: {  	[sflag:s24] =	ssyncadd.s32 @p1 $0xFFFFD880;
	s25 =	sshrl.u32 @p1 s25, $0x3  }
0x364: {  	[hbm:s26], [sflag:s14] =	dma.local @p1 [spmem:s25], $0x4F0  }
0x365: {  	_ =	swait.ge @p1 [sflag:s24], $0x4F0  }
0x366: {  	s25 =	sld [smem:$0x7BE]  }
0x367: {  	[sflag:s24] =	ssyncset.done @p1 $0x0  }
0x368: {  	[sflag:s24] =	ssyncadd.s32 @p1 $0xFFFFFB10;
	s24 =	sld [smem:$0x7E4]  }
0x369: {  	p0 =	seq.s32 s25, $0x1  }
0x36a: {  	s14 =	sshll.u32 @p0 s17, $0x6  }
0x36b: {  	s25 =	rddreg [dreg:$0x14];
	s24 =	sshrl.u32 @p0 s24, $0x3;
	s14 =	sor.u32 @p0 $0x1C05, s14  }
0x36c: {  	[hbm:s25], [sflag:s14] =	dma.local @p0 [spmem:s24], $0x2780  }
0x36d: {  	s24 =	simm.s32 @p0 $0x5  }
0x36e: {  	_ =	swait.ge @p0 [sflag:s24], $0x2780  }
0x36f: {  	s25 =	sld [smem:$0x7E5]  }
0x370: {  	s26 =	sld [smem:$0x7CC]  }
0x371: {  	[sflag:s24] =	ssyncset.done @p0 $0x0  }
0x372: {  	[sflag:s24] =	ssyncadd.s32 @p0 $0xFFFFD880;
	s25 =	sshrl.u32 @p0 s25, $0x3  }
0x373: {  	[hbm:s26], [sflag:s14] =	dma.local @p0 [spmem:s25], $0x4F0  }
0x374: {  	_ =	swait.ge @p0 [sflag:s24], $0x4F0  }
0x375: {  	[sflag:s24] =	ssyncset.done @p0 $0x0  }
0x376: {  	[sflag:s24] =	ssyncadd.s32 @p0 $0xFFFFFB10;
	s24 =	sld [smem:$0x7E2];
	_ =	sdelay $0x1  }
0x377: {  	s14 =	sshll.u32 @p5 s17, $0x6  }
0x378: {  	s14 =	sor.u32 @p5 $0x1C05, s14;
	s25 =	rddreg [dreg:$0x15];
	s24 =	sshrl.u32 @p5 s24, $0x3  }
0x379: {  	[hbm:s25], [sflag:s14] =	dma.local @p5 [spmem:s24], $0x2780  }
0x37a: {  	s24 =	simm.s32 @p5 $0x5  }
0x37b: {  	_ =	swait.ge @p5 [sflag:s24], $0x2780  }
0x37c: {  	s25 =	sld [smem:$0x7E3]  }
0x37d: {  	s26 =	sld [smem:$0x7CD]  }
0x37e: {  	[sflag:s24] =	ssyncset.done @p5 $0x0  }
0x37f: {  	[sflag:s24] =	ssyncadd.s32 @p5 $0xFFFFD880;
	s25 =	sshrl.u32 @p5 s25, $0x3  }
0x380: {  	[hbm:s26], [sflag:s14] =	dma.local @p5 [spmem:s25], $0x4F0  }
0x381: {  	_ =	swait.ge @p5 [sflag:s24], $0x4F0  }
0x382: {  	s26 =	sld [smem:$0x7BD]  }
0x383: {  	[sflag:s24] =	ssyncset.done @p5 $0x0  }
0x384: {  	[sflag:s24] =	ssyncadd.s32 @p5 $0xFFFFFB10;
	s24 =	sld [smem:$0x7E0]  }
0x385: {  	p1 =	seq.s32 s26, $0x1  }
0x386: {  	s14 =	sshll.u32 @p1 s17, $0x6  }
0x387: {  	s25 =	rddreg [dreg:$0x16];
	s24 =	sshrl.u32 @p1 s24, $0x3;
	s14 =	sor.u32 @p1 $0x1C05, s14  }
0x388: {  	[hbm:s25], [sflag:s14] =	dma.local @p1 [spmem:s24], $0x2780  }
0x389: {  	s24 =	simm.s32 @p1 $0x5  }
0x38a: {  	_ =	swait.ge @p1 [sflag:s24], $0x2780  }
0x38b: {  	s25 =	sld [smem:$0x7E1]  }
0x38c: {  	s26 =	sld [smem:$0x7CE]  }
0x38d: {  	[sflag:s24] =	ssyncset.done @p1 $0x0  }
0x38e: {  	[sflag:s24] =	ssyncadd.s32 @p1 $0xFFFFD880;
	s25 =	sshrl.u32 @p1 s25, $0x3  }
0x38f: {  	[hbm:s26], [sflag:s14] =	dma.local @p1 [spmem:s25], $0x4F0  }
0x390: {  	_ =	swait.ge @p1 [sflag:s24], $0x4F0  }
0x391: {  	s28 =	sld [smem:$0x7D1];
	_ =	sdelay $0x1  }
0x392: {  	s23 =	sadd.s32 $0x1, s23  }
0x393: {  	p0 =	sne.s32 s23, s28  }
.Ltmp7:
0x394: {  	_ = 	snop;
	(pc) =	sbr.rel @p0 .LBB2_1-.Ltmp7, $3  }
0x395: {  	_ =	sdelay $0x1  }
0x396: {  	[sflag:s24] =	ssyncset.done @p1 $0x0  }
0x397: {  	[sflag:s24] =	ssyncadd.s32 @p1 $0xFFFFFB10  }
0x398: {  	_ =	sfence.sel $0x180000  }
0x399: {  	[bflag:$0x0] =	sbarrier.arrive $0xFFFF  }
0x39a: {  	_ =	strace $0x90000047  }
0x39b: {  	[bflag:$0x2] =	sbarrier.arrive $0xFFFF  }
0x39c: {  	s0 =	rddreg [dreg:$0x6]  }
0x39d: {  	s0 =	sadd.s32 @!p6 $0x100000, s0  }
0x39e: {  	[sflag:s0] =	ssyncadd.tile.s32 @!p6 $0x1;
	_ =	shalt  }
.Lfunc_end2:
_tile_overlayer_lowered:
.L_overlay_start_2:
0x39f: {  	(tag) =	ssettag $0x2  }
0x3a0: {  	s0 =	rddreg [dreg:$0x0];
	s2 =	stileid.u32  }
0x3a1: {  	s1 =	rddreg [dreg:$0x1];
	p0 =	sne.s32 s2, $0x0  }
0x3a2: {  	s3 =	rddreg [dreg:$0x2];
	[bflag:$0x3] =	sbarrier.arrive $0xFFFF;
	s2 =	simm.s32 @!p0 $0x1C05  }
0x3a3: {  	[timem:s3], [sflag:s2] =	dma.local @!p0 [hbm:s0], s1  }
0x3a4: {  	s0 =	simm.s32 @!p0 $0x5  }
0x3a5: {  	_ =	swait.ge @!p0 [sflag:s0], s1  }
0x3a6: {  	s1 =	ssub.s32 @!p0 $0x0, s1;
	[sflag:s0] =	ssyncset.done @!p0 $0x0  }
0x3a7: {  	[sflag:s0] =	ssyncadd.s32 @!p0 s1  }
0x3a8: {  	[bflag:$0x3] =	sbarrier.arrive $0xFFFF  }
0x3a9: {  	_ =	shalt  }

</sc_bundles>
